<compile_context>
chip_gen: v7x
topology: tpu7x:2x2x1
jax: 0.10.2.dev20260603
libtpu: 0.0.44.dev20260713+nightly
codegen_flags: <defaults>
</compile_context>

<pallas_src>
import functools

import jax
import jax.numpy as jnp
from jax import lax
from jax.experimental import pallas as pl
from jax.experimental.pallas import tpu as pltpu
from jax.experimental.pallas import tpu_sc as plsc

N_ = 10000
D_ = 128
B_ = 64
NHID_ = 256
NOUT_ = 256
E_ = 320000

NPAD = 10240
EPAD = 331776
TPW = EPAD // 32
CH = 128
NIT = TPW // CH
ZR = NPAD // 16
DUMMY = NPAD - 1



@functools.lru_cache(maxsize=None)
def _get_deg_call():
    mesh = plsc.VectorSubcoreMesh(core_axis_name="c", subcore_axis_name="s")

    @functools.partial(
        pl.kernel,
        mesh=mesh,
        out_type=jax.ShapeDtypeStruct((32, NPAD), jnp.float32),
        scratch_types=[
            pltpu.VMEM((TPW // 8,), jnp.int32),
            pltpu.VMEM((NPAD,), jnp.float32),
        ],
        compiler_params=pltpu.CompilerParams(needs_layout_passes=False),
    )
    def deg_call(dst_hbm, zeros1_hbm, out_hbm, dstb, degv):
        cid = lax.axis_index("c")
        sid = lax.axis_index("s")
        wid = sid * 2 + cid
        pltpu.sync_copy(zeros1_hbm, degv)
        ones16 = jnp.ones((16,), jnp.float32)
        base = wid * TPW
        chunk = TPW // 8

        def body(i, carry):
            pltpu.sync_copy(dst_hbm.at[pl.ds(base + i * chunk, chunk)], dstb)
            for j in range(chunk // 16):
                idx = dstb[pl.ds(j * 16, 16)]
                plsc.addupdate_scatter(degv, [idx], ones16)
            return carry

        lax.fori_loop(0, 8, body, 0)
        pltpu.sync_copy(degv, out_hbm.at[wid])

    return deg_call


@functools.lru_cache(maxsize=None)
def _get_agg_call():
    mesh = plsc.VectorSubcoreMesh(core_axis_name="c", subcore_axis_name="s")

    @functools.partial(
        pl.kernel,
        mesh=mesh,
        out_type=jax.ShapeDtypeStruct((2, NPAD, 128), jnp.float32),
        scratch_types=[
            pltpu.VMEM((CH,), jnp.int32),
            pltpu.VMEM((CH,), jnp.int32),
            pltpu.VMEM((CH, 128), jnp.float32),
            pltpu.VMEM((128, 128), jnp.float32),
            pltpu.VMEM_SHARED((NPAD, 128), jnp.float32),
            pltpu.SemaphoreType.DMA,
        ],
        compiler_params=pltpu.CompilerParams(needs_layout_passes=False),
    )
    def agg_call(v_hbm, src_hbm, dst_hbm, zeros_hbm, out_hbm,
                 srcb, dstb, rows, stage, acc, sem):
        cid = lax.axis_index("c")
        sid = lax.axis_index("s")
        wid = sid * 2 + cid
        pltpu.sync_copy(zeros_hbm, stage)
        for z in range(ZR // 128):
            pltpu.sync_copy(stage, acc.at[pl.ds(sid * ZR + z * 128, 128)])
        plsc.subcore_barrier()

        base = wid * TPW

        def body(i, carry):
            off = base + i * CH
            pltpu.sync_copy(src_hbm.at[pl.ds(off, CH)], srcb)
            pltpu.async_copy(v_hbm.at[srcb], rows, sem).wait()
            pltpu.sync_copy(dst_hbm.at[pl.ds(off, CH)], dstb)
            pltpu.sync_copy(rows, acc.at[dstb], add=True)
            return carry

        lax.fori_loop(0, NIT, body, 0)
        plsc.subcore_barrier()
        for z in range(ZR // 128):
            r0 = sid * ZR + z * 128
            pltpu.sync_copy(acc.at[pl.ds(r0, 128)], stage)
            pltpu.sync_copy(stage, out_hbm.at[cid, pl.ds(r0, 128)])

    return agg_call



def _tc1_body(degT_ref, x_ref, w_ref, v_ref, dis_ref):
    deg = jnp.sum(degT_ref[...], axis=1, keepdims=True)
    dis = jnp.where(deg > 0, lax.rsqrt(jnp.maximum(deg, 1e-12)), 0.0)
    m = jnp.dot(x_ref[...], w_ref[...], preferred_element_type=jnp.float32)
    v_ref[...] = m * dis
    dis_ref[...] = dis


_tc1 = pl.pallas_call(
    _tc1_body,
    out_shape=[
        jax.ShapeDtypeStruct((NPAD, 128), jnp.float32),
        jax.ShapeDtypeStruct((NPAD, 1), jnp.float32),
    ],
)


def _tc2_body(agg_ref, dis_ref, b_ref, w_ref, v_ref):
    s = agg_ref[0] + agg_ref[1]
    h = jnp.maximum(s * dis_ref[...] + b_ref[...], 0.0)
    v_ref[...] = jnp.dot(h, w_ref[...],
                         preferred_element_type=jnp.float32) * dis_ref[...]


_tc2 = pl.pallas_call(
    _tc2_body,
    out_shape=jax.ShapeDtypeStruct((NPAD, 128), jnp.float32),
)


def _tc3_body(agg_ref, dis_ref, b3_ref, batch_ref,
              wm1_ref, bm1_ref, wm2_ref, bm2_ref, out_ref):
    h = (agg_ref[0] + agg_ref[1]) * dis_ref[...] + b3_ref[...]
    bids = batch_ref[...]
    sel = lax.broadcasted_iota(jnp.int32, (B_, NPAD), 0) == bids
    p = sel.astype(jnp.float32)
    sums = jnp.dot(p, h, preferred_element_type=jnp.float32)
    counts = jnp.sum(p, axis=1, keepdims=True)
    pooled = sums / jnp.maximum(counts, 1.0)
    z = jnp.maximum(
        jnp.dot(pooled, wm1_ref[...], preferred_element_type=jnp.float32)
        + bm1_ref[...], 0.0)
    out_ref[...] = jnp.dot(z, wm2_ref[...],
                           preferred_element_type=jnp.float32) + bm2_ref[...]


_tc3 = pl.pallas_call(
    _tc3_body,
    out_shape=jax.ShapeDtypeStruct((B_, NOUT_), jnp.float32),
)



def kernel(x, edge_index, batch, W1, b1, W2, b2, W3, b3, Wm1, bm1, Wm2, bm2):
    ei = edge_index.astype(jnp.int32)
    loop = jnp.arange(N_, dtype=jnp.int32)
    pad_e = EPAD - E_ - N_
    src = jnp.concatenate([ei[0], loop, jnp.zeros((pad_e,), jnp.int32)])
    dst = jnp.concatenate([ei[1], loop, jnp.full((pad_e,), DUMMY, jnp.int32)])
    xpad = jnp.zeros((NPAD, D_), jnp.float32).at[:N_].set(x)
    batch2d = jnp.concatenate(
        [batch.astype(jnp.int32), jnp.full((NPAD - N_,), B_, jnp.int32)]
    ).reshape(1, NPAD)
    zeros_blk = jnp.zeros((128, 128), jnp.float32)
    zeros1 = jnp.zeros((NPAD,), jnp.float32)

    deg_call = _get_deg_call()
    agg_call = _get_agg_call()
    deg_parts = deg_call(dst, zeros1)
    v1, dis = _tc1(deg_parts.T, xpad, W1)
    agg1 = agg_call(v1, src, dst, zeros_blk)
    v2 = _tc2(agg1, dis, b1.reshape(1, 128), W2)
    agg2 = agg_call(v2, src, dst, zeros_blk)
    v3 = _tc2(agg2, dis, b2.reshape(1, 128), W3)
    agg3 = agg_call(v3, src, dst, zeros_blk)
    out = _tc3(agg3, dis, b3.reshape(1, 128), batch2d,
               Wm1, bm1.reshape(1, NHID_), Wm2, bm2.reshape(1, NOUT_))
    return out

# --- scband reference (transcript-rebuilt; emitter-appended) ---
"""Pipeline reference for scband-gcnencoder-47906065219800 (READ-ONLY COPY).

The authoritative reference and input builder live on the scoring server;
editing this copy changes nothing except your own understanding.
"""

import jax, jax.numpy as jnp
import numpy as np

N = 10000
E = 320000
D = 128
H = 128
NHID = 256
NOUT = 256
B = 64


def setup_inputs(seed: int = 0) -> dict:
    key = jax.random.key(seed)
    ks = jax.random.split(key, 16)
    x = jax.random.normal(ks[0], (N, D), dtype=jnp.float32)
    edge_index = jax.random.randint(ks[1], (2, E), 0, N)
    batch = jnp.sort(jax.random.randint(ks[2], (N,), 0, B))
    s = 0.05
    W1 = jax.random.normal(ks[3], (D, H), dtype=jnp.float32) * s
    b1 = jnp.zeros((H,), dtype=jnp.float32)
    W2 = jax.random.normal(ks[4], (H, H), dtype=jnp.float32) * s
    b2 = jnp.zeros((H,), dtype=jnp.float32)
    W3 = jax.random.normal(ks[5], (H, H), dtype=jnp.float32) * s
    b3 = jnp.zeros((H,), dtype=jnp.float32)
    Wm1 = jax.random.normal(ks[6], (H, NHID), dtype=jnp.float32) * s
    bm1 = jnp.zeros((NHID,), dtype=jnp.float32)
    Wm2 = jax.random.normal(ks[7], (NHID, NOUT), dtype=jnp.float32) * s
    bm2 = jnp.zeros((NOUT,), dtype=jnp.float32)
    return {"x": x, "edge_index": edge_index, "batch": batch,
            "W1": W1, "b1": b1, "W2": W2, "b2": b2, "W3": W3, "b3": b3,
            "Wm1": Wm1, "bm1": bm1, "Wm2": Wm2, "bm2": bm2}


def _gcn_conv(x, W, b, src, dst, norm):
    # GCNConv: h = X W, then symmetric-normalized scatter-add aggregation, then bias
    h = x @ W
    msg = h[src] * norm[:, None]
    out = jnp.zeros_like(h).at[dst].add(msg)
    return out + b


def reference(x, edge_index, batch, W1, b1, W2, b2, W3, b3, Wm1, bm1, Wm2, bm2):
    # add self loops (PyG GCNConv default)
    loop = jnp.arange(N, dtype=edge_index.dtype)
    src = jnp.concatenate([edge_index[0], loop])
    dst = jnp.concatenate([edge_index[1], loop])
    # symmetric normalization deg^{-1/2}[src] * deg^{-1/2}[dst]
    deg = jnp.zeros((N,), dtype=x.dtype).at[dst].add(jnp.ones_like(dst, dtype=x.dtype))
    dis = jnp.where(deg > 0, jax.lax.rsqrt(jnp.maximum(deg, 1e-12)), 0.0)
    norm = dis[src] * dis[dst]
    # conv stack: relu after all but last conv
    h = jax.nn.relu(_gcn_conv(x, W1, b1, src, dst, norm))
    h = jax.nn.relu(_gcn_conv(h, W2, b2, src, dst, norm))
    h = _gcn_conv(h, W3, b3, src, dst, norm)
    # global mean pool over batch ids
    sums = jax.ops.segment_sum(h, batch, num_segments=B)
    counts = jax.ops.segment_sum(jnp.ones((N,), dtype=h.dtype), batch, num_segments=B)
    pooled = sums / jnp.maximum(counts, 1.0)[:, None]
    # mol_mlp: Linear -> ReLU -> Linear
    z = jax.nn.relu(pooled @ Wm1 + bm1)
    out = z @ Wm2 + bm2
    return out

if __name__ == "__main__":
    import jax
    _d = setup_inputs()
    print(jax.jit(kernel)(*tuple(_d.values())))

</pallas_src>

<mosaic_0001>
#map = affine_map<(d0, d1) -> (0)>
#map1 = affine_map<(d0, d1) -> (0, 0)>
module attributes {stable_mosaic.version = 14 : i64} {
  func.func @deg_call(%arg0: i32, %arg1: i32, %arg2: memref<331776xi32, #tpu.memory_space<hbm>>, %arg3: memref<10240xf32, #tpu.memory_space<hbm>>, %arg4: memref<32x10240xf32, #tpu.memory_space<hbm>>, %arg5: memref<1296xi32, #tpu.memory_space<vmem>>, %arg6: memref<10240xf32, #tpu.memory_space<vmem>>) attributes {dimension_semantics = [#tpu.dimension_semantics<core_parallel>, #tpu.dimension_semantics<subcore_parallel>], iteration_bounds = array<i64: 2, 16>, scalar_prefetch = 0 : i64, scratch_operands = 2 : i64, tpu.core_type = #tpu.core_type<sc_vector_subcore>, window_params = [{transform_indices = #map}, {transform_indices = #map}, {transform_indices = #map1}]} {
    %mul3A = arith.constant 2 : i32
    %mul3A_0 = arith.muli %arg1, %mul3A : i32
    %add3A = arith.addi %mul3A_0, %arg0 : i32
    "tpu.region"() ({
      %run_scoped3A = tpu.sem_alloc : memref<!tpu.dma_semaphore, #tpu.memory_space<semaphore_mem>>
      tpu.enqueue_dma source(%arg3 : memref<10240xf32, #tpu.memory_space<hbm>>) target(%arg6 : memref<10240xf32, #tpu.memory_space<vmem>>) target_semaphore(%run_scoped3A : memref<!tpu.dma_semaphore, #tpu.memory_space<semaphore_mem>>)
      tpu.wait_dma2 semaphore(%run_scoped3A : memref<!tpu.dma_semaphore, #tpu.memory_space<semaphore_mem>>) src(%arg3 : memref<10240xf32, #tpu.memory_space<hbm>>) dst(%arg6 : memref<10240xf32, #tpu.memory_space<vmem>>)
      tpu.yield
    }) : () -> ()
    %broadcast_in_dim3A = arith.constant 1.000000e+00 : f32
    %broadcast_in_dim3A_1 = vector.broadcast %broadcast_in_dim3A : f32 to vector<16xf32>
    %mul3A_2 = arith.constant 10368 : i32
    %mul3A_3 = arith.muli %add3A, %mul3A_2 : i32
    %scan3A = arith.constant 0 : i32
    %scan3A_4 = arith.constant 0 : i32
    %scan3A_5 = arith.constant 8 : i32
    %scan3A_6 = arith.addi %scan3A_4, %scan3A_5 : i32
    %scan3A_7 = arith.constant 1 : i32
    scf.for %scan3A_9 = %scan3A_4 to %scan3A_6 step %scan3A_7  : i32 {
      %mul3A_10 = arith.constant 1296 : i32
      %mul3A_11 = arith.muli %scan3A_9, %mul3A_10 : i32
      %add3A_12 = arith.addi %mul3A_3, %mul3A_11 : i32
      "tpu.region"() ({
        %run_scoped3A = tpu.sem_alloc : memref<!tpu.dma_semaphore, #tpu.memory_space<semaphore_mem>>
        %dma_start3A = tpu.memref_slice %arg2[%add3A_12] : memref<331776xi32, #tpu.memory_space<hbm>> -> memref<1296xi32, #tpu.memory_space<hbm>>
        %dma_start3A_174 = tpu.memref_slice %arg2[%add3A_12] : memref<331776xi32, #tpu.memory_space<hbm>> -> memref<1296xi32, #tpu.memory_space<hbm>>
        tpu.enqueue_dma source(%dma_start3A_174 : memref<1296xi32, #tpu.memory_space<hbm>>) target(%arg5 : memref<1296xi32, #tpu.memory_space<vmem>>) target_semaphore(%run_scoped3A : memref<!tpu.dma_semaphore, #tpu.memory_space<semaphore_mem>>)
        %dma_wait3A = tpu.memref_slice %arg2[%add3A_12] : memref<331776xi32, #tpu.memory_space<hbm>> -> memref<1296xi32, #tpu.memory_space<hbm>>
        %dma_wait3A_175 = tpu.memref_slice %arg2[%add3A_12] : memref<331776xi32, #tpu.memory_space<hbm>> -> memref<1296xi32, #tpu.memory_space<hbm>>
        tpu.wait_dma2 semaphore(%run_scoped3A : memref<!tpu.dma_semaphore, #tpu.memory_space<semaphore_mem>>) src(%dma_wait3A_175 : memref<1296xi32, #tpu.memory_space<hbm>>) dst(%arg5 : memref<1296xi32, #tpu.memory_space<vmem>>)
        tpu.yield
      }) : () -> ()
      %get3A = arith.constant 0 : index
      %get3A_13 = tpu.vector_load %arg5[%get3A] {strides = array<i32>} : memref<1296xi32, #tpu.memory_space<vmem>>, vector<16xi32>,
      tpu.vector_store_idx %arg6[%get3A_13], %broadcast_in_dim3A_1 {add = true} : memref<10240xf32, #tpu.memory_space<vmem>>[vector<16xi32>], vector<16xf32>,
      %get3A_14 = arith.constant 16 : index
      %get3A_15 = tpu.vector_load %arg5[%get3A_14] {strides = array<i32>} : memref<1296xi32, #tpu.memory_space<vmem>>, vector<16xi32>,
      tpu.vector_store_idx %arg6[%get3A_15], %broadcast_in_dim3A_1 {add = true} : memref<10240xf32, #tpu.memory_space<vmem>>[vector<16xi32>], vector<16xf32>,
      %get3A_16 = arith.constant 32 : index
      %get3A_17 = tpu.vector_load %arg5[%get3A_16] {strides = array<i32>} : memref<1296xi32, #tpu.memory_space<vmem>>, vector<16xi32>,
      tpu.vector_store_idx %arg6[%get3A_17], %broadcast_in_dim3A_1 {add = true} : memref<10240xf32, #tpu.memory_space<vmem>>[vector<16xi32>], vector<16xf32>,
      %get3A_18 = arith.constant 48 : index
      %get3A_19 = tpu.vector_load %arg5[%get3A_18] {strides = array<i32>} : memref<1296xi32, #tpu.memory_space<vmem>>, vector<16xi32>,
      tpu.vector_store_idx %arg6[%get3A_19], %broadcast_in_dim3A_1 {add = true} : memref<10240xf32, #tpu.memory_space<vmem>>[vector<16xi32>], vector<16xf32>,
      %get3A_20 = arith.constant 64 : index
      %get3A_21 = tpu.vector_load %arg5[%get3A_20] {strides = array<i32>} : memref<1296xi32, #tpu.memory_space<vmem>>, vector<16xi32>,
      tpu.vector_store_idx %arg6[%get3A_21], %broadcast_in_dim3A_1 {add = true} : memref<10240xf32, #tpu.memory_space<vmem>>[vector<16xi32>], vector<16xf32>,
      %get3A_22 = arith.constant 80 : index
      %get3A_23 = tpu.vector_load %arg5[%get3A_22] {strides = array<i32>} : memref<1296xi32, #tpu.memory_space<vmem>>, vector<16xi32>,
      tpu.vector_store_idx %arg6[%get3A_23], %broadcast_in_dim3A_1 {add = true} : memref<10240xf32, #tpu.memory_space<vmem>>[vector<16xi32>], vector<16xf32>,
      %get3A_24 = arith.constant 96 : index
      %get3A_25 = tpu.vector_load %arg5[%get3A_24] {strides = array<i32>} : memref<1296xi32, #tpu.memory_space<vmem>>, vector<16xi32>,
      tpu.vector_store_idx %arg6[%get3A_25], %broadcast_in_dim3A_1 {add = true} : memref<10240xf32, #tpu.memory_space<vmem>>[vector<16xi32>], vector<16xf32>,
      %get3A_26 = arith.constant 112 : index
      %get3A_27 = tpu.vector_load %arg5[%get3A_26] {strides = array<i32>} : memref<1296xi32, #tpu.memory_space<vmem>>, vector<16xi32>,
      tpu.vector_store_idx %arg6[%get3A_27], %broadcast_in_dim3A_1 {add = true} : memref<10240xf32, #tpu.memory_space<vmem>>[vector<16xi32>], vector<16xf32>,
      %get3A_28 = arith.constant 128 : index
      %get3A_29 = tpu.vector_load %arg5[%get3A_28] {strides = array<i32>} : memref<1296xi32, #tpu.memory_space<vmem>>, vector<16xi32>,
      tpu.vector_store_idx %arg6[%get3A_29], %broadcast_in_dim3A_1 {add = true} : memref<10240xf32, #tpu.memory_space<vmem>>[vector<16xi32>], vector<16xf32>,
      %get3A_30 = arith.constant 144 : index
      %get3A_31 = tpu.vector_load %arg5[%get3A_30] {strides = array<i32>} : memref<1296xi32, #tpu.memory_space<vmem>>, vector<16xi32>,
      tpu.vector_store_idx %arg6[%get3A_31], %broadcast_in_dim3A_1 {add = true} : memref<10240xf32, #tpu.memory_space<vmem>>[vector<16xi32>], vector<16xf32>,
      %get3A_32 = arith.constant 160 : index
      %get3A_33 = tpu.vector_load %arg5[%get3A_32] {strides = array<i32>} : memref<1296xi32, #tpu.memory_space<vmem>>, vector<16xi32>,
      tpu.vector_store_idx %arg6[%get3A_33], %broadcast_in_dim3A_1 {add = true} : memref<10240xf32, #tpu.memory_space<vmem>>[vector<16xi32>], vector<16xf32>,
      %get3A_34 = arith.constant 176 : index
      %get3A_35 = tpu.vector_load %arg5[%get3A_34] {strides = array<i32>} : memref<1296xi32, #tpu.memory_space<vmem>>, vector<16xi32>,
      tpu.vector_store_idx %arg6[%get3A_35], %broadcast_in_dim3A_1 {add = true} : memref<10240xf32, #tpu.memory_space<vmem>>[vector<16xi32>], vector<16xf32>,
      %get3A_36 = arith.constant 192 : index
      %get3A_37 = tpu.vector_load %arg5[%get3A_36] {strides = array<i32>} : memref<1296xi32, #tpu.memory_space<vmem>>, vector<16xi32>,
      tpu.vector_store_idx %arg6[%get3A_37], %broadcast_in_dim3A_1 {add = true} : memref<10240xf32, #tpu.memory_space<vmem>>[vector<16xi32>], vector<16xf32>,
      %get3A_38 = arith.constant 208 : index
      %get3A_39 = tpu.vector_load %arg5[%get3A_38] {strides = array<i32>} : memref<1296xi32, #tpu.memory_space<vmem>>, vector<16xi32>,
      tpu.vector_store_idx %arg6[%get3A_39], %broadcast_in_dim3A_1 {add = true} : memref<10240xf32, #tpu.memory_space<vmem>>[vector<16xi32>], vector<16xf32>,
      %get3A_40 = arith.constant 224 : index
      %get3A_41 = tpu.vector_load %arg5[%get3A_40] {strides = array<i32>} : memref<1296xi32, #tpu.memory_space<vmem>>, vector<16xi32>,
      tpu.vector_store_idx %arg6[%get3A_41], %broadcast_in_dim3A_1 {add = true} : memref<10240xf32, #tpu.memory_space<vmem>>[vector<16xi32>], vector<16xf32>,
      %get3A_42 = arith.constant 240 : index
      %get3A_43 = tpu.vector_load %arg5[%get3A_42] {strides = array<i32>} : memref<1296xi32, #tpu.memory_space<vmem>>, vector<16xi32>,
      tpu.vector_store_idx %arg6[%get3A_43], %broadcast_in_dim3A_1 {add = true} : memref<10240xf32, #tpu.memory_space<vmem>>[vector<16xi32>], vector<16xf32>,
      %get3A_44 = arith.constant 256 : index
      %get3A_45 = tpu.vector_load %arg5[%get3A_44] {strides = array<i32>} : memref<1296xi32, #tpu.memory_space<vmem>>, vector<16xi32>,
      tpu.vector_store_idx %arg6[%get3A_45], %broadcast_in_dim3A_1 {add = true} : memref<10240xf32, #tpu.memory_space<vmem>>[vector<16xi32>], vector<16xf32>,
      %get3A_46 = arith.constant 272 : index
      %get3A_47 = tpu.vector_load %arg5[%get3A_46] {strides = array<i32>} : memref<1296xi32, #tpu.memory_space<vmem>>, vector<16xi32>,
      tpu.vector_store_idx %arg6[%get3A_47], %broadcast_in_dim3A_1 {add = true} : memref<10240xf32, #tpu.memory_space<vmem>>[vector<16xi32>], vector<16xf32>,
      %get3A_48 = arith.constant 288 : index
      %get3A_49 = tpu.vector_load %arg5[%get3A_48] {strides = array<i32>} : memref<1296xi32, #tpu.memory_space<vmem>>, vector<16xi32>,
      tpu.vector_store_idx %arg6[%get3A_49], %broadcast_in_dim3A_1 {add = true} : memref<10240xf32, #tpu.memory_space<vmem>>[vector<16xi32>], vector<16xf32>,
      %get3A_50 = arith.constant 304 : index
      %get3A_51 = tpu.vector_load %arg5[%get3A_50] {strides = array<i32>} : memref<1296xi32, #tpu.memory_space<vmem>>, vector<16xi32>,
      tpu.vector_store_idx %arg6[%get3A_51], %broadcast_in_dim3A_1 {add = true} : memref<10240xf32, #tpu.memory_space<vmem>>[vector<16xi32>], vector<16xf32>,
      %get3A_52 = arith.constant 320 : index
      %get3A_53 = tpu.vector_load %arg5[%get3A_52] {strides = array<i32>} : memref<1296xi32, #tpu.memory_space<vmem>>, vector<16xi32>,
      tpu.vector_store_idx %arg6[%get3A_53], %broadcast_in_dim3A_1 {add = true} : memref<10240xf32, #tpu.memory_space<vmem>>[vector<16xi32>], vector<16xf32>,
      %get3A_54 = arith.constant 336 : index
      %get3A_55 = tpu.vector_load %arg5[%get3A_54] {strides = array<i32>} : memref<1296xi32, #tpu.memory_space<vmem>>, vector<16xi32>,
      tpu.vector_store_idx %arg6[%get3A_55], %broadcast_in_dim3A_1 {add = true} : memref<10240xf32, #tpu.memory_space<vmem>>[vector<16xi32>], vector<16xf32>,
      %get3A_56 = arith.constant 352 : index
      %get3A_57 = tpu.vector_load %arg5[%get3A_56] {strides = array<i32>} : memref<1296xi32, #tpu.memory_space<vmem>>, vector<16xi32>,
      tpu.vector_store_idx %arg6[%get3A_57], %broadcast_in_dim3A_1 {add = true} : memref<10240xf32, #tpu.memory_space<vmem>>[vector<16xi32>], vector<16xf32>,
      %get3A_58 = arith.constant 368 : index
      %get3A_59 = tpu.vector_load %arg5[%get3A_58] {strides = array<i32>} : memref<1296xi32, #tpu.memory_space<vmem>>, vector<16xi32>,
      tpu.vector_store_idx %arg6[%get3A_59], %broadcast_in_dim3A_1 {add = true} : memref<10240xf32, #tpu.memory_space<vmem>>[vector<16xi32>], vector<16xf32>,
      %get3A_60 = arith.constant 384 : index
      %get3A_61 = tpu.vector_load %arg5[%get3A_60] {strides = array<i32>} : memref<1296xi32, #tpu.memory_space<vmem>>, vector<16xi32>,
      tpu.vector_store_idx %arg6[%get3A_61], %broadcast_in_dim3A_1 {add = true} : memref<10240xf32, #tpu.memory_space<vmem>>[vector<16xi32>], vector<16xf32>,
      %get3A_62 = arith.constant 400 : index
      %get3A_63 = tpu.vector_load %arg5[%get3A_62] {strides = array<i32>} : memref<1296xi32, #tpu.memory_space<vmem>>, vector<16xi32>,
      tpu.vector_store_idx %arg6[%get3A_63], %broadcast_in_dim3A_1 {add = true} : memref<10240xf32, #tpu.memory_space<vmem>>[vector<16xi32>], vector<16xf32>,
      %get3A_64 = arith.constant 416 : index
      %get3A_65 = tpu.vector_load %arg5[%get3A_64] {strides = array<i32>} : memref<1296xi32, #tpu.memory_space<vmem>>, vector<16xi32>,
      tpu.vector_store_idx %arg6[%get3A_65], %broadcast_in_dim3A_1 {add = true} : memref<10240xf32, #tpu.memory_space<vmem>>[vector<16xi32>], vector<16xf32>,
      %get3A_66 = arith.constant 432 : index
      %get3A_67 = tpu.vector_load %arg5[%get3A_66] {strides = array<i32>} : memref<1296xi32, #tpu.memory_space<vmem>>, vector<16xi32>,
      tpu.vector_store_idx %arg6[%get3A_67], %broadcast_in_dim3A_1 {add = true} : memref<10240xf32, #tpu.memory_space<vmem>>[vector<16xi32>], vector<16xf32>,
      %get3A_68 = arith.constant 448 : index
      %get3A_69 = tpu.vector_load %arg5[%get3A_68] {strides = array<i32>} : memref<1296xi32, #tpu.memory_space<vmem>>, vector<16xi32>,
      tpu.vector_store_idx %arg6[%get3A_69], %broadcast_in_dim3A_1 {add = true} : memref<10240xf32, #tpu.memory_space<vmem>>[vector<16xi32>], vector<16xf32>,
      %get3A_70 = arith.constant 464 : index
      %get3A_71 = tpu.vector_load %arg5[%get3A_70] {strides = array<i32>} : memref<1296xi32, #tpu.memory_space<vmem>>, vector<16xi32>,
      tpu.vector_store_idx %arg6[%get3A_71], %broadcast_in_dim3A_1 {add = true} : memref<10240xf32, #tpu.memory_space<vmem>>[vector<16xi32>], vector<16xf32>,
      %get3A_72 = arith.constant 480 : index
      %get3A_73 = tpu.vector_load %arg5[%get3A_72] {strides = array<i32>} : memref<1296xi32, #tpu.memory_space<vmem>>, vector<16xi32>,
      tpu.vector_store_idx %arg6[%get3A_73], %broadcast_in_dim3A_1 {add = true} : memref<10240xf32, #tpu.memory_space<vmem>>[vector<16xi32>], vector<16xf32>,
      %get3A_74 = arith.constant 496 : index
      %get3A_75 = tpu.vector_load %arg5[%get3A_74] {strides = array<i32>} : memref<1296xi32, #tpu.memory_space<vmem>>, vector<16xi32>,
      tpu.vector_store_idx %arg6[%get3A_75], %broadcast_in_dim3A_1 {add = true} : memref<10240xf32, #tpu.memory_space<vmem>>[vector<16xi32>], vector<16xf32>,
      %get3A_76 = arith.constant 512 : index
      %get3A_77 = tpu.vector_load %arg5[%get3A_76] {strides = array<i32>} : memref<1296xi32, #tpu.memory_space<vmem>>, vector<16xi32>,
      tpu.vector_store_idx %arg6[%get3A_77], %broadcast_in_dim3A_1 {add = true} : memref<10240xf32, #tpu.memory_space<vmem>>[vector<16xi32>], vector<16xf32>,
      %get3A_78 = arith.constant 528 : index
      %get3A_79 = tpu.vector_load %arg5[%get3A_78] {strides = array<i32>} : memref<1296xi32, #tpu.memory_space<vmem>>, vector<16xi32>,
      tpu.vector_store_idx %arg6[%get3A_79], %broadcast_in_dim3A_1 {add = true} : memref<10240xf32, #tpu.memory_space<vmem>>[vector<16xi32>], vector<16xf32>,
      %get3A_80 = arith.constant 544 : index
      %get3A_81 = tpu.vector_load %arg5[%get3A_80] {strides = array<i32>} : memref<1296xi32, #tpu.memory_space<vmem>>, vector<16xi32>,
      tpu.vector_store_idx %arg6[%get3A_81], %broadcast_in_dim3A_1 {add = true} : memref<10240xf32, #tpu.memory_space<vmem>>[vector<16xi32>], vector<16xf32>,
      %get3A_82 = arith.constant 560 : index
      %get3A_83 = tpu.vector_load %arg5[%get3A_82] {strides = array<i32>} : memref<1296xi32, #tpu.memory_space<vmem>>, vector<16xi32>,
      tpu.vector_store_idx %arg6[%get3A_83], %broadcast_in_dim3A_1 {add = true} : memref<10240xf32, #tpu.memory_space<vmem>>[vector<16xi32>], vector<16xf32>,
      %get3A_84 = arith.constant 576 : index
      %get3A_85 = tpu.vector_load %arg5[%get3A_84] {strides = array<i32>} : memref<1296xi32, #tpu.memory_space<vmem>>, vector<16xi32>,
      tpu.vector_store_idx %arg6[%get3A_85], %broadcast_in_dim3A_1 {add = true} : memref<10240xf32, #tpu.memory_space<vmem>>[vector<16xi32>], vector<16xf32>,
      %get3A_86 = arith.constant 592 : index
      %get3A_87 = tpu.vector_load %arg5[%get3A_86] {strides = array<i32>} : memref<1296xi32, #tpu.memory_space<vmem>>, vector<16xi32>,
      tpu.vector_store_idx %arg6[%get3A_87], %broadcast_in_dim3A_1 {add = true} : memref<10240xf32, #tpu.memory_space<vmem>>[vector<16xi32>], vector<16xf32>,
      %get3A_88 = arith.constant 608 : index
      %get3A_89 = tpu.vector_load %arg5[%get3A_88] {strides = array<i32>} : memref<1296xi32, #tpu.memory_space<vmem>>, vector<16xi32>,
      tpu.vector_store_idx %arg6[%get3A_89], %broadcast_in_dim3A_1 {add = true} : memref<10240xf32, #tpu.memory_space<vmem>>[vector<16xi32>], vector<16xf32>,
      %get3A_90 = arith.constant 624 : index
      %get3A_91 = tpu.vector_load %arg5[%get3A_90] {strides = array<i32>} : memref<1296xi32, #tpu.memory_space<vmem>>, vector<16xi32>,
      tpu.vector_store_idx %arg6[%get3A_91], %broadcast_in_dim3A_1 {add = true} : memref<10240xf32, #tpu.memory_space<vmem>>[vector<16xi32>], vector<16xf32>,
      %get3A_92 = arith.constant 640 : index
      %get3A_93 = tpu.vector_load %arg5[%get3A_92] {strides = array<i32>} : memref<1296xi32, #tpu.memory_space<vmem>>, vector<16xi32>,
      tpu.vector_store_idx %arg6[%get3A_93], %broadcast_in_dim3A_1 {add = true} : memref<10240xf32, #tpu.memory_space<vmem>>[vector<16xi32>], vector<16xf32>,
      %get3A_94 = arith.constant 656 : index
      %get3A_95 = tpu.vector_load %arg5[%get3A_94] {strides = array<i32>} : memref<1296xi32, #tpu.memory_space<vmem>>, vector<16xi32>,
      tpu.vector_store_idx %arg6[%get3A_95], %broadcast_in_dim3A_1 {add = true} : memref<10240xf32, #tpu.memory_space<vmem>>[vector<16xi32>], vector<16xf32>,
      %get3A_96 = arith.constant 672 : index
      %get3A_97 = tpu.vector_load %arg5[%get3A_96] {strides = array<i32>} : memref<1296xi32, #tpu.memory_space<vmem>>, vector<16xi32>,
      tpu.vector_store_idx %arg6[%get3A_97], %broadcast_in_dim3A_1 {add = true} : memref<10240xf32, #tpu.memory_space<vmem>>[vector<16xi32>], vector<16xf32>,
      %get3A_98 = arith.constant 688 : index
      %get3A_99 = tpu.vector_load %arg5[%get3A_98] {strides = array<i32>} : memref<1296xi32, #tpu.memory_space<vmem>>, vector<16xi32>,
      tpu.vector_store_idx %arg6[%get3A_99], %broadcast_in_dim3A_1 {add = true} : memref<10240xf32, #tpu.memory_space<vmem>>[vector<16xi32>], vector<16xf32>,
      %get3A_100 = arith.constant 704 : index
      %get3A_101 = tpu.vector_load %arg5[%get3A_100] {strides = array<i32>} : memref<1296xi32, #tpu.memory_space<vmem>>, vector<16xi32>,
      tpu.vector_store_idx %arg6[%get3A_101], %broadcast_in_dim3A_1 {add = true} : memref<10240xf32, #tpu.memory_space<vmem>>[vector<16xi32>], vector<16xf32>,
      %get3A_102 = arith.constant 720 : index
      %get3A_103 = tpu.vector_load %arg5[%get3A_102] {strides = array<i32>} : memref<1296xi32, #tpu.memory_space<vmem>>, vector<16xi32>,
      tpu.vector_store_idx %arg6[%get3A_103], %broadcast_in_dim3A_1 {add = true} : memref<10240xf32, #tpu.memory_space<vmem>>[vector<16xi32>], vector<16xf32>,
      %get3A_104 = arith.constant 736 : index
      %get3A_105 = tpu.vector_load %arg5[%get3A_104] {strides = array<i32>} : memref<1296xi32, #tpu.memory_space<vmem>>, vector<16xi32>,
      tpu.vector_store_idx %arg6[%get3A_105], %broadcast_in_dim3A_1 {add = true} : memref<10240xf32, #tpu.memory_space<vmem>>[vector<16xi32>], vector<16xf32>,
      %get3A_106 = arith.constant 752 : index
      %get3A_107 = tpu.vector_load %arg5[%get3A_106] {strides = array<i32>} : memref<1296xi32, #tpu.memory_space<vmem>>, vector<16xi32>,
      tpu.vector_store_idx %arg6[%get3A_107], %broadcast_in_dim3A_1 {add = true} : memref<10240xf32, #tpu.memory_space<vmem>>[vector<16xi32>], vector<16xf32>,
      %get3A_108 = arith.constant 768 : index
      %get3A_109 = tpu.vector_load %arg5[%get3A_108] {strides = array<i32>} : memref<1296xi32, #tpu.memory_space<vmem>>, vector<16xi32>,
      tpu.vector_store_idx %arg6[%get3A_109], %broadcast_in_dim3A_1 {add = true} : memref<10240xf32, #tpu.memory_space<vmem>>[vector<16xi32>], vector<16xf32>,
      %get3A_110 = arith.constant 784 : index
      %get3A_111 = tpu.vector_load %arg5[%get3A_110] {strides = array<i32>} : memref<1296xi32, #tpu.memory_space<vmem>>, vector<16xi32>,
      tpu.vector_store_idx %arg6[%get3A_111], %broadcast_in_dim3A_1 {add = true} : memref<10240xf32, #tpu.memory_space<vmem>>[vector<16xi32>], vector<16xf32>,
      %get3A_112 = arith.constant 800 : index
      %get3A_113 = tpu.vector_load %arg5[%get3A_112] {strides = array<i32>} : memref<1296xi32, #tpu.memory_space<vmem>>, vector<16xi32>,
      tpu.vector_store_idx %arg6[%get3A_113], %broadcast_in_dim3A_1 {add = true} : memref<10240xf32, #tpu.memory_space<vmem>>[vector<16xi32>], vector<16xf32>,
      %get3A_114 = arith.constant 816 : index
      %get3A_115 = tpu.vector_load %arg5[%get3A_114] {strides = array<i32>} : memref<1296xi32, #tpu.memory_space<vmem>>, vector<16xi32>,
      tpu.vector_store_idx %arg6[%get3A_115], %broadcast_in_dim3A_1 {add = true} : memref<10240xf32, #tpu.memory_space<vmem>>[vector<16xi32>], vector<16xf32>,
      %get3A_116 = arith.constant 832 : index
      %get3A_117 = tpu.vector_load %arg5[%get3A_116] {strides = array<i32>} : memref<1296xi32, #tpu.memory_space<vmem>>, vector<16xi32>,
      tpu.vector_store_idx %arg6[%get3A_117], %broadcast_in_dim3A_1 {add = true} : memref<10240xf32, #tpu.memory_space<vmem>>[vector<16xi32>], vector<16xf32>,
      %get3A_118 = arith.constant 848 : index
      %get3A_119 = tpu.vector_load %arg5[%get3A_118] {strides = array<i32>} : memref<1296xi32, #tpu.memory_space<vmem>>, vector<16xi32>,
      tpu.vector_store_idx %arg6[%get3A_119], %broadcast_in_dim3A_1 {add = true} : memref<10240xf32, #tpu.memory_space<vmem>>[vector<16xi32>], vector<16xf32>,
      %get3A_120 = arith.constant 864 : index
      %get3A_121 = tpu.vector_load %arg5[%get3A_120] {strides = array<i32>} : memref<1296xi32, #tpu.memory_space<vmem>>, vector<16xi32>,
      tpu.vector_store_idx %arg6[%get3A_121], %broadcast_in_dim3A_1 {add = true} : memref<10240xf32, #tpu.memory_space<vmem>>[vector<16xi32>], vector<16xf32>,
      %get3A_122 = arith.constant 880 : index
      %get3A_123 = tpu.vector_load %arg5[%get3A_122] {strides = array<i32>} : memref<1296xi32, #tpu.memory_space<vmem>>, vector<16xi32>,
      tpu.vector_store_idx %arg6[%get3A_123], %broadcast_in_dim3A_1 {add = true} : memref<10240xf32, #tpu.memory_space<vmem>>[vector<16xi32>], vector<16xf32>,
      %get3A_124 = arith.constant 896 : index
      %get3A_125 = tpu.vector_load %arg5[%get3A_124] {strides = array<i32>} : memref<1296xi32, #tpu.memory_space<vmem>>, vector<16xi32>,
      tpu.vector_store_idx %arg6[%get3A_125], %broadcast_in_dim3A_1 {add = true} : memref<10240xf32, #tpu.memory_space<vmem>>[vector<16xi32>], vector<16xf32>,
      %get3A_126 = arith.constant 912 : index
      %get3A_127 = tpu.vector_load %arg5[%get3A_126] {strides = array<i32>} : memref<1296xi32, #tpu.memory_space<vmem>>, vector<16xi32>,
      tpu.vector_store_idx %arg6[%get3A_127], %broadcast_in_dim3A_1 {add = true} : memref<10240xf32, #tpu.memory_space<vmem>>[vector<16xi32>], vector<16xf32>,
      %get3A_128 = arith.constant 928 : index
      %get3A_129 = tpu.vector_load %arg5[%get3A_128] {strides = array<i32>} : memref<1296xi32, #tpu.memory_space<vmem>>, vector<16xi32>,
      tpu.vector_store_idx %arg6[%get3A_129], %broadcast_in_dim3A_1 {add = true} : memref<10240xf32, #tpu.memory_space<vmem>>[vector<16xi32>], vector<16xf32>,
      %get3A_130 = arith.constant 944 : index
      %get3A_131 = tpu.vector_load %arg5[%get3A_130] {strides = array<i32>} : memref<1296xi32, #tpu.memory_space<vmem>>, vector<16xi32>,
      tpu.vector_store_idx %arg6[%get3A_131], %broadcast_in_dim3A_1 {add = true} : memref<10240xf32, #tpu.memory_space<vmem>>[vector<16xi32>], vector<16xf32>,
      %get3A_132 = arith.constant 960 : index
      %get3A_133 = tpu.vector_load %arg5[%get3A_132] {strides = array<i32>} : memref<1296xi32, #tpu.memory_space<vmem>>, vector<16xi32>,
      tpu.vector_store_idx %arg6[%get3A_133], %broadcast_in_dim3A_1 {add = true} : memref<10240xf32, #tpu.memory_space<vmem>>[vector<16xi32>], vector<16xf32>,
      %get3A_134 = arith.constant 976 : index
      %get3A_135 = tpu.vector_load %arg5[%get3A_134] {strides = array<i32>} : memref<1296xi32, #tpu.memory_space<vmem>>, vector<16xi32>,
      tpu.vector_store_idx %arg6[%get3A_135], %broadcast_in_dim3A_1 {add = true} : memref<10240xf32, #tpu.memory_space<vmem>>[vector<16xi32>], vector<16xf32>,
      %get3A_136 = arith.constant 992 : index
      %get3A_137 = tpu.vector_load %arg5[%get3A_136] {strides = array<i32>} : memref<1296xi32, #tpu.memory_space<vmem>>, vector<16xi32>,
      tpu.vector_store_idx %arg6[%get3A_137], %broadcast_in_dim3A_1 {add = true} : memref<10240xf32, #tpu.memory_space<vmem>>[vector<16xi32>], vector<16xf32>,
      %get3A_138 = arith.constant 1008 : index
      %get3A_139 = tpu.vector_load %arg5[%get3A_138] {strides = array<i32>} : memref<1296xi32, #tpu.memory_space<vmem>>, vector<16xi32>,
      tpu.vector_store_idx %arg6[%get3A_139], %broadcast_in_dim3A_1 {add = true} : memref<10240xf32, #tpu.memory_space<vmem>>[vector<16xi32>], vector<16xf32>,
      %get3A_140 = arith.constant 1024 : index
      %get3A_141 = tpu.vector_load %arg5[%get3A_140] {strides = array<i32>} : memref<1296xi32, #tpu.memory_space<vmem>>, vector<16xi32>,
      tpu.vector_store_idx %arg6[%get3A_141], %broadcast_in_dim3A_1 {add = true} : memref<10240xf32, #tpu.memory_space<vmem>>[vector<16xi32>], vector<16xf32>,
      %get3A_142 = arith.constant 1040 : index
      %get3A_143 = tpu.vector_load %arg5[%get3A_142] {strides = array<i32>} : memref<1296xi32, #tpu.memory_space<vmem>>, vector<16xi32>,
      tpu.vector_store_idx %arg6[%get3A_143], %broadcast_in_dim3A_1 {add = true} : memref<10240xf32, #tpu.memory_space<vmem>>[vector<16xi32>], vector<16xf32>,
      %get3A_144 = arith.constant 1056 : index
      %get3A_145 = tpu.vector_load %arg5[%get3A_144] {strides = array<i32>} : memref<1296xi32, #tpu.memory_space<vmem>>, vector<16xi32>,
      tpu.vector_store_idx %arg6[%get3A_145], %broadcast_in_dim3A_1 {add = true} : memref<10240xf32, #tpu.memory_space<vmem>>[vector<16xi32>], vector<16xf32>,
      %get3A_146 = arith.constant 1072 : index
      %get3A_147 = tpu.vector_load %arg5[%get3A_146] {strides = array<i32>} : memref<1296xi32, #tpu.memory_space<vmem>>, vector<16xi32>,
      tpu.vector_store_idx %arg6[%get3A_147], %broadcast_in_dim3A_1 {add = true} : memref<10240xf32, #tpu.memory_space<vmem>>[vector<16xi32>], vector<16xf32>,
      %get3A_148 = arith.constant 1088 : index
      %get3A_149 = tpu.vector_load %arg5[%get3A_148] {strides = array<i32>} : memref<1296xi32, #tpu.memory_space<vmem>>, vector<16xi32>,
      tpu.vector_store_idx %arg6[%get3A_149], %broadcast_in_dim3A_1 {add = true} : memref<10240xf32, #tpu.memory_space<vmem>>[vector<16xi32>], vector<16xf32>,
      %get3A_150 = arith.constant 1104 : index
      %get3A_151 = tpu.vector_load %arg5[%get3A_150] {strides = array<i32>} : memref<1296xi32, #tpu.memory_space<vmem>>, vector<16xi32>,
      tpu.vector_store_idx %arg6[%get3A_151], %broadcast_in_dim3A_1 {add = true} : memref<10240xf32, #tpu.memory_space<vmem>>[vector<16xi32>], vector<16xf32>,
      %get3A_152 = arith.constant 1120 : index
      %get3A_153 = tpu.vector_load %arg5[%get3A_152] {strides = array<i32>} : memref<1296xi32, #tpu.memory_space<vmem>>, vector<16xi32>,
      tpu.vector_store_idx %arg6[%get3A_153], %broadcast_in_dim3A_1 {add = true} : memref<10240xf32, #tpu.memory_space<vmem>>[vector<16xi32>], vector<16xf32>,
      %get3A_154 = arith.constant 1136 : index
      %get3A_155 = tpu.vector_load %arg5[%get3A_154] {strides = array<i32>} : memref<1296xi32, #tpu.memory_space<vmem>>, vector<16xi32>,
      tpu.vector_store_idx %arg6[%get3A_155], %broadcast_in_dim3A_1 {add = true} : memref<10240xf32, #tpu.memory_space<vmem>>[vector<16xi32>], vector<16xf32>,
      %get3A_156 = arith.constant 1152 : index
      %get3A_157 = tpu.vector_load %arg5[%get3A_156] {strides = array<i32>} : memref<1296xi32, #tpu.memory_space<vmem>>, vector<16xi32>,
      tpu.vector_store_idx %arg6[%get3A_157], %broadcast_in_dim3A_1 {add = true} : memref<10240xf32, #tpu.memory_space<vmem>>[vector<16xi32>], vector<16xf32>,
      %get3A_158 = arith.constant 1168 : index
      %get3A_159 = tpu.vector_load %arg5[%get3A_158] {strides = array<i32>} : memref<1296xi32, #tpu.memory_space<vmem>>, vector<16xi32>,
      tpu.vector_store_idx %arg6[%get3A_159], %broadcast_in_dim3A_1 {add = true} : memref<10240xf32, #tpu.memory_space<vmem>>[vector<16xi32>], vector<16xf32>,
      %get3A_160 = arith.constant 1184 : index
      %get3A_161 = tpu.vector_load %arg5[%get3A_160] {strides = array<i32>} : memref<1296xi32, #tpu.memory_space<vmem>>, vector<16xi32>,
      tpu.vector_store_idx %arg6[%get3A_161], %broadcast_in_dim3A_1 {add = true} : memref<10240xf32, #tpu.memory_space<vmem>>[vector<16xi32>], vector<16xf32>,
      %get3A_162 = arith.constant 1200 : index
      %get3A_163 = tpu.vector_load %arg5[%get3A_162] {strides = array<i32>} : memref<1296xi32, #tpu.memory_space<vmem>>, vector<16xi32>,
      tpu.vector_store_idx %arg6[%get3A_163], %broadcast_in_dim3A_1 {add = true} : memref<10240xf32, #tpu.memory_space<vmem>>[vector<16xi32>], vector<16xf32>,
      %get3A_164 = arith.constant 1216 : index
      %get3A_165 = tpu.vector_load %arg5[%get3A_164] {strides = array<i32>} : memref<1296xi32, #tpu.memory_space<vmem>>, vector<16xi32>,
      tpu.vector_store_idx %arg6[%get3A_165], %broadcast_in_dim3A_1 {add = true} : memref<10240xf32, #tpu.memory_space<vmem>>[vector<16xi32>], vector<16xf32>,
      %get3A_166 = arith.constant 1232 : index
      %get3A_167 = tpu.vector_load %arg5[%get3A_166] {strides = array<i32>} : memref<1296xi32, #tpu.memory_space<vmem>>, vector<16xi32>,
      tpu.vector_store_idx %arg6[%get3A_167], %broadcast_in_dim3A_1 {add = true} : memref<10240xf32, #tpu.memory_space<vmem>>[vector<16xi32>], vector<16xf32>,
      %get3A_168 = arith.constant 1248 : index
      %get3A_169 = tpu.vector_load %arg5[%get3A_168] {strides = array<i32>} : memref<1296xi32, #tpu.memory_space<vmem>>, vector<16xi32>,
      tpu.vector_store_idx %arg6[%get3A_169], %broadcast_in_dim3A_1 {add = true} : memref<10240xf32, #tpu.memory_space<vmem>>[vector<16xi32>], vector<16xf32>,
      %get3A_170 = arith.constant 1264 : index
      %get3A_171 = tpu.vector_load %arg5[%get3A_170] {strides = array<i32>} : memref<1296xi32, #tpu.memory_space<vmem>>, vector<16xi32>,
      tpu.vector_store_idx %arg6[%get3A_171], %broadcast_in_dim3A_1 {add = true} : memref<10240xf32, #tpu.memory_space<vmem>>[vector<16xi32>], vector<16xf32>,
      %get3A_172 = arith.constant 1280 : index
      %get3A_173 = tpu.vector_load %arg5[%get3A_172] {strides = array<i32>} : memref<1296xi32, #tpu.memory_space<vmem>>, vector<16xi32>,
      tpu.vector_store_idx %arg6[%get3A_173], %broadcast_in_dim3A_1 {add = true} : memref<10240xf32, #tpu.memory_space<vmem>>[vector<16xi32>], vector<16xf32>,
    }
    %scan3A_8 = arith.constant 8 : i32
    "tpu.region"() ({
      %run_scoped3A = tpu.sem_alloc : memref<!tpu.dma_semaphore, #tpu.memory_space<semaphore_mem>>
      %dma_start3A = arith.constant 0 : i32
      %dma_start3A_9 = tpu.memref_slice %arg4[%add3A, %dma_start3A] : memref<32x10240xf32, #tpu.memory_space<hbm>> -> memref<1x10240xf32, #tpu.memory_space<hbm>>
      %dma_start3A_10 = tpu.memref_squeeze %dma_start3A_9 : memref<1x10240xf32, #tpu.memory_space<hbm>> -> memref<10240xf32, #tpu.memory_space<hbm>>
      %dma_start3A_11 = arith.constant 0 : i32
      %dma_start3A_12 = tpu.memref_slice %arg4[%add3A, %dma_start3A_11] : memref<32x10240xf32, #tpu.memory_space<hbm>> -> memref<1x10240xf32, #tpu.memory_space<hbm>>
      %dma_start3A_13 = tpu.memref_squeeze %dma_start3A_12 : memref<1x10240xf32, #tpu.memory_space<hbm>> -> memref<10240xf32, #tpu.memory_space<hbm>>
      tpu.enqueue_dma source(%arg6 : memref<10240xf32, #tpu.memory_space<vmem>>) target(%dma_start3A_13 : memref<10240xf32, #tpu.memory_space<hbm>>) target_semaphore(%run_scoped3A : memref<!tpu.dma_semaphore, #tpu.memory_space<semaphore_mem>>)
      %dma_wait3A = arith.constant 0 : i32
      %dma_wait3A_14 = tpu.memref_slice %arg4[%add3A, %dma_wait3A] : memref<32x10240xf32, #tpu.memory_space<hbm>> -> memref<1x10240xf32, #tpu.memory_space<hbm>>
      %dma_wait3A_15 = tpu.memref_squeeze %dma_wait3A_14 : memref<1x10240xf32, #tpu.memory_space<hbm>> -> memref<10240xf32, #tpu.memory_space<hbm>>
      %dma_wait3A_16 = arith.constant 0 : i32
      %dma_wait3A_17 = tpu.memref_slice %arg4[%add3A, %dma_wait3A_16] : memref<32x10240xf32, #tpu.memory_space<hbm>> -> memref<1x10240xf32, #tpu.memory_space<hbm>>
      %dma_wait3A_18 = tpu.memref_squeeze %dma_wait3A_17 : memref<1x10240xf32, #tpu.memory_space<hbm>> -> memref<10240xf32, #tpu.memory_space<hbm>>
      tpu.wait_dma2 semaphore(%run_scoped3A : memref<!tpu.dma_semaphore, #tpu.memory_space<semaphore_mem>>) src(%arg6 : memref<10240xf32, #tpu.memory_space<vmem>>) dst(%dma_wait3A_18 : memref<10240xf32, #tpu.memory_space<hbm>>)
      tpu.yield
    }) : () -> ()
    return
  }
}

#map = affine_map<(d0, d1) -> (0, 0)>
#map1 = affine_map<(d0, d1) -> (0)>
#map2 = affine_map<(d0, d1) -> (0, 0, 0)>
module attributes {stable_mosaic.version = 14 : i64} {
  func.func @agg_call(%arg0: i32, %arg1: i32, %arg2: memref<10240x128xf32, #tpu.memory_space<hbm>>, %arg3: memref<331776xi32, #tpu.memory_space<hbm>>, %arg4: memref<331776xi32, #tpu.memory_space<hbm>>, %arg5: memref<128x128xf32, #tpu.memory_space<hbm>>, %arg6: memref<2x10240x128xf32, #tpu.memory_space<hbm>>, %arg7: memref<128xi32, #tpu.memory_space<vmem>>, %arg8: memref<128xi32, #tpu.memory_space<vmem>>, %arg9: memref<128x128xf32, #tpu.memory_space<vmem>>, %arg10: memref<128x128xf32, #tpu.memory_space<vmem>>, %arg11: memref<10240x128xf32, #tpu.memory_space<vmem_shared>>, %arg12: memref<!tpu.dma_semaphore, #tpu.memory_space<semaphore_mem>>) attributes {dimension_semantics = [#tpu.dimension_semantics<core_parallel>, #tpu.dimension_semantics<subcore_parallel>], iteration_bounds = array<i64: 2, 16>, scalar_prefetch = 0 : i64, scratch_operands = 6 : i64, tpu.core_type = #tpu.core_type<sc_vector_subcore>, window_params = [{transform_indices = #map}, {transform_indices = #map1}, {transform_indices = #map1}, {transform_indices = #map}, {transform_indices = #map2}]} {
    %mul3A = arith.constant 2 : i32
    %mul3A_0 = arith.muli %arg1, %mul3A : i32
    %add3A = arith.addi %mul3A_0, %arg0 : i32
    "tpu.region"() ({
      %run_scoped3A = tpu.sem_alloc : memref<!tpu.dma_semaphore, #tpu.memory_space<semaphore_mem>>
      tpu.enqueue_dma source(%arg5 : memref<128x128xf32, #tpu.memory_space<hbm>>) target(%arg10 : memref<128x128xf32, #tpu.memory_space<vmem>>) target_semaphore(%run_scoped3A : memref<!tpu.dma_semaphore, #tpu.memory_space<semaphore_mem>>)
      tpu.wait_dma2 semaphore(%run_scoped3A : memref<!tpu.dma_semaphore, #tpu.memory_space<semaphore_mem>>) src(%arg5 : memref<128x128xf32, #tpu.memory_space<hbm>>) dst(%arg10 : memref<128x128xf32, #tpu.memory_space<vmem>>)
      tpu.yield
    }) : () -> ()
    %mul3A_1 = arith.constant 640 : i32
    %mul3A_2 = arith.muli %arg1, %mul3A_1 : i32
    %add3A_3 = arith.constant 0 : i32
    %add3A_4 = arith.addi %mul3A_2, %add3A_3 : i32
    "tpu.region"() ({
      %run_scoped3A = tpu.sem_alloc : memref<!tpu.dma_semaphore, #tpu.memory_space<semaphore_mem>>
      %dma_start3A = arith.constant 0 : i32
      %dma_start3A_49 = tpu.memref_slice %arg11[%add3A_4, %dma_start3A] : memref<10240x128xf32, #tpu.memory_space<vmem_shared>> -> memref<128x128xf32, #tpu.memory_space<vmem_shared>>
      %dma_start3A_50 = arith.constant 0 : i32
      %dma_start3A_51 = tpu.memref_slice %arg11[%add3A_4, %dma_start3A_50] : memref<10240x128xf32, #tpu.memory_space<vmem_shared>> -> memref<128x128xf32, #tpu.memory_space<vmem_shared>>
      tpu.enqueue_dma source(%arg10 : memref<128x128xf32, #tpu.memory_space<vmem>>) target(%dma_start3A_51 : memref<128x128xf32, #tpu.memory_space<vmem_shared>>) target_semaphore(%run_scoped3A : memref<!tpu.dma_semaphore, #tpu.memory_space<semaphore_mem>>)
      %dma_wait3A = arith.constant 0 : i32
      %dma_wait3A_52 = tpu.memref_slice %arg11[%add3A_4, %dma_wait3A] : memref<10240x128xf32, #tpu.memory_space<vmem_shared>> -> memref<128x128xf32, #tpu.memory_space<vmem_shared>>
      %dma_wait3A_53 = arith.constant 0 : i32
      %dma_wait3A_54 = tpu.memref_slice %arg11[%add3A_4, %dma_wait3A_53] : memref<10240x128xf32, #tpu.memory_space<vmem_shared>> -> memref<128x128xf32, #tpu.memory_space<vmem_shared>>
      tpu.wait_dma2 semaphore(%run_scoped3A : memref<!tpu.dma_semaphore, #tpu.memory_space<semaphore_mem>>) src(%arg10 : memref<128x128xf32, #tpu.memory_space<vmem>>) dst(%dma_wait3A_54 : memref<128x128xf32, #tpu.memory_space<vmem_shared>>)
      tpu.yield
    }) : () -> ()
    %mul3A_5 = arith.constant 640 : i32
    %mul3A_6 = arith.muli %arg1, %mul3A_5 : i32
    %add3A_7 = arith.constant 128 : i32
    %add3A_8 = arith.addi %mul3A_6, %add3A_7 : i32
    "tpu.region"() ({
      %run_scoped3A = tpu.sem_alloc : memref<!tpu.dma_semaphore, #tpu.memory_space<semaphore_mem>>
      %dma_start3A = arith.constant 0 : i32
      %dma_start3A_49 = tpu.memref_slice %arg11[%add3A_8, %dma_start3A] : memref<10240x128xf32, #tpu.memory_space<vmem_shared>> -> memref<128x128xf32, #tpu.memory_space<vmem_shared>>
      %dma_start3A_50 = arith.constant 0 : i32
      %dma_start3A_51 = tpu.memref_slice %arg11[%add3A_8, %dma_start3A_50] : memref<10240x128xf32, #tpu.memory_space<vmem_shared>> -> memref<128x128xf32, #tpu.memory_space<vmem_shared>>
      tpu.enqueue_dma source(%arg10 : memref<128x128xf32, #tpu.memory_space<vmem>>) target(%dma_start3A_51 : memref<128x128xf32, #tpu.memory_space<vmem_shared>>) target_semaphore(%run_scoped3A : memref<!tpu.dma_semaphore, #tpu.memory_space<semaphore_mem>>)
      %dma_wait3A = arith.constant 0 : i32
      %dma_wait3A_52 = tpu.memref_slice %arg11[%add3A_8, %dma_wait3A] : memref<10240x128xf32, #tpu.memory_space<vmem_shared>> -> memref<128x128xf32, #tpu.memory_space<vmem_shared>>
      %dma_wait3A_53 = arith.constant 0 : i32
      %dma_wait3A_54 = tpu.memref_slice %arg11[%add3A_8, %dma_wait3A_53] : memref<10240x128xf32, #tpu.memory_space<vmem_shared>> -> memref<128x128xf32, #tpu.memory_space<vmem_shared>>
      tpu.wait_dma2 semaphore(%run_scoped3A : memref<!tpu.dma_semaphore, #tpu.memory_space<semaphore_mem>>) src(%arg10 : memref<128x128xf32, #tpu.memory_space<vmem>>) dst(%dma_wait3A_54 : memref<128x128xf32, #tpu.memory_space<vmem_shared>>)
      tpu.yield
    }) : () -> ()
    %mul3A_9 = arith.constant 640 : i32
    %mul3A_10 = arith.muli %arg1, %mul3A_9 : i32
    %add3A_11 = arith.constant 256 : i32
    %add3A_12 = arith.addi %mul3A_10, %add3A_11 : i32
    "tpu.region"() ({
      %run_scoped3A = tpu.sem_alloc : memref<!tpu.dma_semaphore, #tpu.memory_space<semaphore_mem>>
      %dma_start3A = arith.constant 0 : i32
      %dma_start3A_49 = tpu.memref_slice %arg11[%add3A_12, %dma_start3A] : memref<10240x128xf32, #tpu.memory_space<vmem_shared>> -> memref<128x128xf32, #tpu.memory_space<vmem_shared>>
      %dma_start3A_50 = arith.constant 0 : i32
      %dma_start3A_51 = tpu.memref_slice %arg11[%add3A_12, %dma_start3A_50] : memref<10240x128xf32, #tpu.memory_space<vmem_shared>> -> memref<128x128xf32, #tpu.memory_space<vmem_shared>>
      tpu.enqueue_dma source(%arg10 : memref<128x128xf32, #tpu.memory_space<vmem>>) target(%dma_start3A_51 : memref<128x128xf32, #tpu.memory_space<vmem_shared>>) target_semaphore(%run_scoped3A : memref<!tpu.dma_semaphore, #tpu.memory_space<semaphore_mem>>)
      %dma_wait3A = arith.constant 0 : i32
      %dma_wait3A_52 = tpu.memref_slice %arg11[%add3A_12, %dma_wait3A] : memref<10240x128xf32, #tpu.memory_space<vmem_shared>> -> memref<128x128xf32, #tpu.memory_space<vmem_shared>>
      %dma_wait3A_53 = arith.constant 0 : i32
      %dma_wait3A_54 = tpu.memref_slice %arg11[%add3A_12, %dma_wait3A_53] : memref<10240x128xf32, #tpu.memory_space<vmem_shared>> -> memref<128x128xf32, #tpu.memory_space<vmem_shared>>
      tpu.wait_dma2 semaphore(%run_scoped3A : memref<!tpu.dma_semaphore, #tpu.memory_space<semaphore_mem>>) src(%arg10 : memref<128x128xf32, #tpu.memory_space<vmem>>) dst(%dma_wait3A_54 : memref<128x128xf32, #tpu.memory_space<vmem_shared>>)
      tpu.yield
    }) : () -> ()
    %mul3A_13 = arith.constant 640 : i32
    %mul3A_14 = arith.muli %arg1, %mul3A_13 : i32
    %add3A_15 = arith.constant 384 : i32
    %add3A_16 = arith.addi %mul3A_14, %add3A_15 : i32
    "tpu.region"() ({
      %run_scoped3A = tpu.sem_alloc : memref<!tpu.dma_semaphore, #tpu.memory_space<semaphore_mem>>
      %dma_start3A = arith.constant 0 : i32
      %dma_start3A_49 = tpu.memref_slice %arg11[%add3A_16, %dma_start3A] : memref<10240x128xf32, #tpu.memory_space<vmem_shared>> -> memref<128x128xf32, #tpu.memory_space<vmem_shared>>
      %dma_start3A_50 = arith.constant 0 : i32
      %dma_start3A_51 = tpu.memref_slice %arg11[%add3A_16, %dma_start3A_50] : memref<10240x128xf32, #tpu.memory_space<vmem_shared>> -> memref<128x128xf32, #tpu.memory_space<vmem_shared>>
      tpu.enqueue_dma source(%arg10 : memref<128x128xf32, #tpu.memory_space<vmem>>) target(%dma_start3A_51 : memref<128x128xf32, #tpu.memory_space<vmem_shared>>) target_semaphore(%run_scoped3A : memref<!tpu.dma_semaphore, #tpu.memory_space<semaphore_mem>>)
      %dma_wait3A = arith.constant 0 : i32
      %dma_wait3A_52 = tpu.memref_slice %arg11[%add3A_16, %dma_wait3A] : memref<10240x128xf32, #tpu.memory_space<vmem_shared>> -> memref<128x128xf32, #tpu.memory_space<vmem_shared>>
      %dma_wait3A_53 = arith.constant 0 : i32
      %dma_wait3A_54 = tpu.memref_slice %arg11[%add3A_16, %dma_wait3A_53] : memref<10240x128xf32, #tpu.memory_space<vmem_shared>> -> memref<128x128xf32, #tpu.memory_space<vmem_shared>>
      tpu.wait_dma2 semaphore(%run_scoped3A : memref<!tpu.dma_semaphore, #tpu.memory_space<semaphore_mem>>) src(%arg10 : memref<128x128xf32, #tpu.memory_space<vmem>>) dst(%dma_wait3A_54 : memref<128x128xf32, #tpu.memory_space<vmem_shared>>)
      tpu.yield
    }) : () -> ()
    %mul3A_17 = arith.constant 640 : i32
    %mul3A_18 = arith.muli %arg1, %mul3A_17 : i32
    %add3A_19 = arith.constant 512 : i32
    %add3A_20 = arith.addi %mul3A_18, %add3A_19 : i32
    "tpu.region"() ({
      %run_scoped3A = tpu.sem_alloc : memref<!tpu.dma_semaphore, #tpu.memory_space<semaphore_mem>>
      %dma_start3A = arith.constant 0 : i32
      %dma_start3A_49 = tpu.memref_slice %arg11[%add3A_20, %dma_start3A] : memref<10240x128xf32, #tpu.memory_space<vmem_shared>> -> memref<128x128xf32, #tpu.memory_space<vmem_shared>>
      %dma_start3A_50 = arith.constant 0 : i32
      %dma_start3A_51 = tpu.memref_slice %arg11[%add3A_20, %dma_start3A_50] : memref<10240x128xf32, #tpu.memory_space<vmem_shared>> -> memref<128x128xf32, #tpu.memory_space<vmem_shared>>
      tpu.enqueue_dma source(%arg10 : memref<128x128xf32, #tpu.memory_space<vmem>>) target(%dma_start3A_51 : memref<128x128xf32, #tpu.memory_space<vmem_shared>>) target_semaphore(%run_scoped3A : memref<!tpu.dma_semaphore, #tpu.memory_space<semaphore_mem>>)
      %dma_wait3A = arith.constant 0 : i32
      %dma_wait3A_52 = tpu.memref_slice %arg11[%add3A_20, %dma_wait3A] : memref<10240x128xf32, #tpu.memory_space<vmem_shared>> -> memref<128x128xf32, #tpu.memory_space<vmem_shared>>
      %dma_wait3A_53 = arith.constant 0 : i32
      %dma_wait3A_54 = tpu.memref_slice %arg11[%add3A_20, %dma_wait3A_53] : memref<10240x128xf32, #tpu.memory_space<vmem_shared>> -> memref<128x128xf32, #tpu.memory_space<vmem_shared>>
      tpu.wait_dma2 semaphore(%run_scoped3A : memref<!tpu.dma_semaphore, #tpu.memory_space<semaphore_mem>>) src(%arg10 : memref<128x128xf32, #tpu.memory_space<vmem>>) dst(%dma_wait3A_54 : memref<128x128xf32, #tpu.memory_space<vmem_shared>>)
      tpu.yield
    }) : () -> ()
    %barrier3A = arith.constant 0 : index
    tpu.barrier barrier_id(%barrier3A)
    %mul3A_21 = arith.constant 10368 : i32
    %mul3A_22 = arith.muli %add3A, %mul3A_21 : i32
    %scan3A = arith.constant 0 : i32
    %scan3A_23 = arith.constant 0 : i32
    %scan3A_24 = arith.constant 81 : i32
    %scan3A_25 = arith.addi %scan3A_23, %scan3A_24 : i32
    %scan3A_26 = arith.constant 1 : i32
    scf.for %scan3A_49 = %scan3A_23 to %scan3A_25 step %scan3A_26  : i32 {
      %mul3A_50 = arith.constant 128 : i32
      %mul3A_51 = arith.muli %scan3A_49, %mul3A_50 : i32
      %add3A_52 = arith.addi %mul3A_22, %mul3A_51 : i32
      "tpu.region"() ({
        %run_scoped3A = tpu.sem_alloc : memref<!tpu.dma_semaphore, #tpu.memory_space<semaphore_mem>>
        %dma_start3A_57 = tpu.memref_slice %arg3[%add3A_52] : memref<331776xi32, #tpu.memory_space<hbm>> -> memref<128xi32, #tpu.memory_space<hbm>>
        %dma_start3A_58 = tpu.memref_slice %arg3[%add3A_52] : memref<331776xi32, #tpu.memory_space<hbm>> -> memref<128xi32, #tpu.memory_space<hbm>>
        tpu.enqueue_dma source(%dma_start3A_58 : memref<128xi32, #tpu.memory_space<hbm>>) target(%arg7 : memref<128xi32, #tpu.memory_space<vmem>>) target_semaphore(%run_scoped3A : memref<!tpu.dma_semaphore, #tpu.memory_space<semaphore_mem>>)
        %dma_wait3A_59 = tpu.memref_slice %arg3[%add3A_52] : memref<331776xi32, #tpu.memory_space<hbm>> -> memref<128xi32, #tpu.memory_space<hbm>>
        %dma_wait3A_60 = tpu.memref_slice %arg3[%add3A_52] : memref<331776xi32, #tpu.memory_space<hbm>> -> memref<128xi32, #tpu.memory_space<hbm>>
        tpu.wait_dma2 semaphore(%run_scoped3A : memref<!tpu.dma_semaphore, #tpu.memory_space<semaphore_mem>>) src(%dma_wait3A_60 : memref<128xi32, #tpu.memory_space<hbm>>) dst(%arg7 : memref<128xi32, #tpu.memory_space<vmem>>)
        tpu.yield
      }) : () -> ()
      %dma_start3A = arith.constant 0 : i32
      %dma_start3A_53 = arith.constant 0 : i32
      %dma_start3A_54 = tpu.memref_slice %arg2[%dma_start3A, %dma_start3A_53] : memref<10240x128xf32, #tpu.memory_space<hbm>> -> memref<10240x128xf32, #tpu.memory_space<hbm>>
      tpu.enqueue_indirect_dma source(%dma_start3A_54 : memref<10240x128xf32, #tpu.memory_space<hbm>>) target(%arg9 : memref<128x128xf32, #tpu.memory_space<vmem>>) offsets(%arg7 : memref<128xi32, #tpu.memory_space<vmem>>) semaphore(%arg12 : memref<!tpu.dma_semaphore, #tpu.memory_space<semaphore_mem>>)
      %dma_wait3A = arith.constant 0 : i32
      %dma_wait3A_55 = arith.constant 0 : i32
      %dma_wait3A_56 = tpu.memref_slice %arg2[%dma_wait3A, %dma_wait3A_55] : memref<10240x128xf32, #tpu.memory_space<hbm>> -> memref<10240x128xf32, #tpu.memory_space<hbm>>
      tpu.wait_indirect_dma semaphore(%arg12 : memref<!tpu.dma_semaphore, #tpu.memory_space<semaphore_mem>>) src(%dma_wait3A_56 : memref<10240x128xf32, #tpu.memory_space<hbm>>) dst(%arg9 : memref<128x128xf32, #tpu.memory_space<vmem>>)
      "tpu.region"() ({
        %run_scoped3A = tpu.sem_alloc : memref<!tpu.dma_semaphore, #tpu.memory_space<semaphore_mem>>
        %dma_start3A_57 = tpu.memref_slice %arg4[%add3A_52] : memref<331776xi32, #tpu.memory_space<hbm>> -> memref<128xi32, #tpu.memory_space<hbm>>
        %dma_start3A_58 = tpu.memref_slice %arg4[%add3A_52] : memref<331776xi32, #tpu.memory_space<hbm>> -> memref<128xi32, #tpu.memory_space<hbm>>
        tpu.enqueue_dma source(%dma_start3A_58 : memref<128xi32, #tpu.memory_space<hbm>>) target(%arg8 : memref<128xi32, #tpu.memory_space<vmem>>) target_semaphore(%run_scoped3A : memref<!tpu.dma_semaphore, #tpu.memory_space<semaphore_mem>>)
        %dma_wait3A_59 = tpu.memref_slice %arg4[%add3A_52] : memref<331776xi32, #tpu.memory_space<hbm>> -> memref<128xi32, #tpu.memory_space<hbm>>
        %dma_wait3A_60 = tpu.memref_slice %arg4[%add3A_52] : memref<331776xi32, #tpu.memory_space<hbm>> -> memref<128xi32, #tpu.memory_space<hbm>>
        tpu.wait_dma2 semaphore(%run_scoped3A : memref<!tpu.dma_semaphore, #tpu.memory_space<semaphore_mem>>) src(%dma_wait3A_60 : memref<128xi32, #tpu.memory_space<hbm>>) dst(%arg8 : memref<128xi32, #tpu.memory_space<vmem>>)
        tpu.yield
      }) : () -> ()
      "tpu.region"() ({
        %run_scoped3A = tpu.sem_alloc : memref<!tpu.dma_semaphore, #tpu.memory_space<semaphore_mem>>
        %dma_start3A_57 = arith.constant 0 : i32
        %dma_start3A_58 = arith.constant 0 : i32
        %dma_start3A_59 = tpu.memref_slice %arg11[%dma_start3A_57, %dma_start3A_58] : memref<10240x128xf32, #tpu.memory_space<vmem_shared>> -> memref<10240x128xf32, #tpu.memory_space<vmem_shared>>
        tpu.enqueue_indirect_dma source(%arg9 : memref<128x128xf32, #tpu.memory_space<vmem>>) target(%dma_start3A_59 : memref<10240x128xf32, #tpu.memory_space<vmem_shared>>) offsets(%arg8 : memref<128xi32, #tpu.memory_space<vmem>>) semaphore(%run_scoped3A : memref<!tpu.dma_semaphore, #tpu.memory_space<semaphore_mem>>) {add = true}
        %dma_wait3A_60 = arith.constant 0 : i32
        %dma_wait3A_61 = arith.constant 0 : i32
        %dma_wait3A_62 = tpu.memref_slice %arg11[%dma_wait3A_60, %dma_wait3A_61] : memref<10240x128xf32, #tpu.memory_space<vmem_shared>> -> memref<10240x128xf32, #tpu.memory_space<vmem_shared>>
        tpu.wait_indirect_dma semaphore(%run_scoped3A : memref<!tpu.dma_semaphore, #tpu.memory_space<semaphore_mem>>) src(%arg9 : memref<128x128xf32, #tpu.memory_space<vmem>>) dst(%dma_wait3A_62 : memref<10240x128xf32, #tpu.memory_space<vmem_shared>>)
        tpu.yield
      }) : () -> ()
    }
    %scan3A_27 = arith.constant 81 : i32
    %barrier3A_28 = arith.constant 0 : index
    tpu.barrier barrier_id(%barrier3A_28)
    %mul3A_29 = arith.constant 640 : i32
    %mul3A_30 = arith.muli %arg1, %mul3A_29 : i32
    %add3A_31 = arith.constant 0 : i32
    %add3A_32 = arith.addi %mul3A_30, %add3A_31 : i32
    "tpu.region"() ({
      %run_scoped3A = tpu.sem_alloc : memref<!tpu.dma_semaphore, #tpu.memory_space<semaphore_mem>>
      %dma_start3A = arith.constant 0 : i32
      %dma_start3A_49 = tpu.memref_slice %arg11[%add3A_32, %dma_start3A] : memref<10240x128xf32, #tpu.memory_space<vmem_shared>> -> memref<128x128xf32, #tpu.memory_space<vmem_shared>>
      %dma_start3A_50 = arith.constant 0 : i32
      %dma_start3A_51 = tpu.memref_slice %arg11[%add3A_32, %dma_start3A_50] : memref<10240x128xf32, #tpu.memory_space<vmem_shared>> -> memref<128x128xf32, #tpu.memory_space<vmem_shared>>
      tpu.enqueue_dma source(%dma_start3A_51 : memref<128x128xf32, #tpu.memory_space<vmem_shared>>) target(%arg10 : memref<128x128xf32, #tpu.memory_space<vmem>>) target_semaphore(%run_scoped3A : memref<!tpu.dma_semaphore, #tpu.memory_space<semaphore_mem>>)
      %dma_wait3A = arith.constant 0 : i32
      %dma_wait3A_52 = tpu.memref_slice %arg11[%add3A_32, %dma_wait3A] : memref<10240x128xf32, #tpu.memory_space<vmem_shared>> -> memref<128x128xf32, #tpu.memory_space<vmem_shared>>
      %dma_wait3A_53 = arith.constant 0 : i32
      %dma_wait3A_54 = tpu.memref_slice %arg11[%add3A_32, %dma_wait3A_53] : memref<10240x128xf32, #tpu.memory_space<vmem_shared>> -> memref<128x128xf32, #tpu.memory_space<vmem_shared>>
      tpu.wait_dma2 semaphore(%run_scoped3A : memref<!tpu.dma_semaphore, #tpu.memory_space<semaphore_mem>>) src(%dma_wait3A_54 : memref<128x128xf32, #tpu.memory_space<vmem_shared>>) dst(%arg10 : memref<128x128xf32, #tpu.memory_space<vmem>>)
      tpu.yield
    }) : () -> ()
    "tpu.region"() ({
      %run_scoped3A = tpu.sem_alloc : memref<!tpu.dma_semaphore, #tpu.memory_space<semaphore_mem>>
      %dma_start3A = arith.constant 0 : i32
      %dma_start3A_49 = tpu.memref_slice %arg6[%arg0, %add3A_32, %dma_start3A] : memref<2x10240x128xf32, #tpu.memory_space<hbm>> -> memref<1x128x128xf32, #tpu.memory_space<hbm>>
      %dma_start3A_50 = tpu.memref_squeeze %dma_start3A_49 : memref<1x128x128xf32, #tpu.memory_space<hbm>> -> memref<128x128xf32, #tpu.memory_space<hbm>>
      %dma_start3A_51 = arith.constant 0 : i32
      %dma_start3A_52 = tpu.memref_slice %arg6[%arg0, %add3A_32, %dma_start3A_51] : memref<2x10240x128xf32, #tpu.memory_space<hbm>> -> memref<1x128x128xf32, #tpu.memory_space<hbm>>
      %dma_start3A_53 = tpu.memref_squeeze %dma_start3A_52 : memref<1x128x128xf32, #tpu.memory_space<hbm>> -> memref<128x128xf32, #tpu.memory_space<hbm>>
      tpu.enqueue_dma source(%arg10 : memref<128x128xf32, #tpu.memory_space<vmem>>) target(%dma_start3A_53 : memref<128x128xf32, #tpu.memory_space<hbm>>) target_semaphore(%run_scoped3A : memref<!tpu.dma_semaphore, #tpu.memory_space<semaphore_mem>>)
      %dma_wait3A = arith.constant 0 : i32
      %dma_wait3A_54 = tpu.memref_slice %arg6[%arg0, %add3A_32, %dma_wait3A] : memref<2x10240x128xf32, #tpu.memory_space<hbm>> -> memref<1x128x128xf32, #tpu.memory_space<hbm>>
      %dma_wait3A_55 = tpu.memref_squeeze %dma_wait3A_54 : memref<1x128x128xf32, #tpu.memory_space<hbm>> -> memref<128x128xf32, #tpu.memory_space<hbm>>
      %dma_wait3A_56 = arith.constant 0 : i32
      %dma_wait3A_57 = tpu.memref_slice %arg6[%arg0, %add3A_32, %dma_wait3A_56] : memref<2x10240x128xf32, #tpu.memory_space<hbm>> -> memref<1x128x128xf32, #tpu.memory_space<hbm>>
      %dma_wait3A_58 = tpu.memref_squeeze %dma_wait3A_57 : memref<1x128x128xf32, #tpu.memory_space<hbm>> -> memref<128x128xf32, #tpu.memory_space<hbm>>
      tpu.wait_dma2 semaphore(%run_scoped3A : memref<!tpu.dma_semaphore, #tpu.memory_space<semaphore_mem>>) src(%arg10 : memref<128x128xf32, #tpu.memory_space<vmem>>) dst(%dma_wait3A_58 : memref<128x128xf32, #tpu.memory_space<hbm>>)
      tpu.yield
    }) : () -> ()
    %mul3A_33 = arith.constant 640 : i32
    %mul3A_34 = arith.muli %arg1, %mul3A_33 : i32
    %add3A_35 = arith.constant 128 : i32
    %add3A_36 = arith.addi %mul3A_34, %add3A_35 : i32
    "tpu.region"() ({
      %run_scoped3A = tpu.sem_alloc : memref<!tpu.dma_semaphore, #tpu.memory_space<semaphore_mem>>
      %dma_start3A = arith.constant 0 : i32
      %dma_start3A_49 = tpu.memref_slice %arg11[%add3A_36, %dma_start3A] : memref<10240x128xf32, #tpu.memory_space<vmem_shared>> -> memref<128x128xf32, #tpu.memory_space<vmem_shared>>
      %dma_start3A_50 = arith.constant 0 : i32
      %dma_start3A_51 = tpu.memref_slice %arg11[%add3A_36, %dma_start3A_50] : memref<10240x128xf32, #tpu.memory_space<vmem_shared>> -> memref<128x128xf32, #tpu.memory_space<vmem_shared>>
      tpu.enqueue_dma source(%dma_start3A_51 : memref<128x128xf32, #tpu.memory_space<vmem_shared>>) target(%arg10 : memref<128x128xf32, #tpu.memory_space<vmem>>) target_semaphore(%run_scoped3A : memref<!tpu.dma_semaphore, #tpu.memory_space<semaphore_mem>>)
      %dma_wait3A = arith.constant 0 : i32
      %dma_wait3A_52 = tpu.memref_slice %arg11[%add3A_36, %dma_wait3A] : memref<10240x128xf32, #tpu.memory_space<vmem_shared>> -> memref<128x128xf32, #tpu.memory_space<vmem_shared>>
      %dma_wait3A_53 = arith.constant 0 : i32
      %dma_wait3A_54 = tpu.memref_slice %arg11[%add3A_36, %dma_wait3A_53] : memref<10240x128xf32, #tpu.memory_space<vmem_shared>> -> memref<128x128xf32, #tpu.memory_space<vmem_shared>>
      tpu.wait_dma2 semaphore(%run_scoped3A : memref<!tpu.dma_semaphore, #tpu.memory_space<semaphore_mem>>) src(%dma_wait3A_54 : memref<128x128xf32, #tpu.memory_space<vmem_shared>>) dst(%arg10 : memref<128x128xf32, #tpu.memory_space<vmem>>)
      tpu.yield
    }) : () -> ()
    "tpu.region"() ({
      %run_scoped3A = tpu.sem_alloc : memref<!tpu.dma_semaphore, #tpu.memory_space<semaphore_mem>>
      %dma_start3A = arith.constant 0 : i32
      %dma_start3A_49 = tpu.memref_slice %arg6[%arg0, %add3A_36, %dma_start3A] : memref<2x10240x128xf32, #tpu.memory_space<hbm>> -> memref<1x128x128xf32, #tpu.memory_space<hbm>>
      %dma_start3A_50 = tpu.memref_squeeze %dma_start3A_49 : memref<1x128x128xf32, #tpu.memory_space<hbm>> -> memref<128x128xf32, #tpu.memory_space<hbm>>
      %dma_start3A_51 = arith.constant 0 : i32
      %dma_start3A_52 = tpu.memref_slice %arg6[%arg0, %add3A_36, %dma_start3A_51] : memref<2x10240x128xf32, #tpu.memory_space<hbm>> -> memref<1x128x128xf32, #tpu.memory_space<hbm>>
      %dma_start3A_53 = tpu.memref_squeeze %dma_start3A_52 : memref<1x128x128xf32, #tpu.memory_space<hbm>> -> memref<128x128xf32, #tpu.memory_space<hbm>>
      tpu.enqueue_dma source(%arg10 : memref<128x128xf32, #tpu.memory_space<vmem>>) target(%dma_start3A_53 : memref<128x128xf32, #tpu.memory_space<hbm>>) target_semaphore(%run_scoped3A : memref<!tpu.dma_semaphore, #tpu.memory_space<semaphore_mem>>)
      %dma_wait3A = arith.constant 0 : i32
      %dma_wait3A_54 = tpu.memref_slice %arg6[%arg0, %add3A_36, %dma_wait3A] : memref<2x10240x128xf32, #tpu.memory_space<hbm>> -> memref<1x128x128xf32, #tpu.memory_space<hbm>>
      %dma_wait3A_55 = tpu.memref_squeeze %dma_wait3A_54 : memref<1x128x128xf32, #tpu.memory_space<hbm>> -> memref<128x128xf32, #tpu.memory_space<hbm>>
      %dma_wait3A_56 = arith.constant 0 : i32
      %dma_wait3A_57 = tpu.memref_slice %arg6[%arg0, %add3A_36, %dma_wait3A_56] : memref<2x10240x128xf32, #tpu.memory_space<hbm>> -> memref<1x128x128xf32, #tpu.memory_space<hbm>>
      %dma_wait3A_58 = tpu.memref_squeeze %dma_wait3A_57 : memref<1x128x128xf32, #tpu.memory_space<hbm>> -> memref<128x128xf32, #tpu.memory_space<hbm>>
      tpu.wait_dma2 semaphore(%run_scoped3A : memref<!tpu.dma_semaphore, #tpu.memory_space<semaphore_mem>>) src(%arg10 : memref<128x128xf32, #tpu.memory_space<vmem>>) dst(%dma_wait3A_58 : memref<128x128xf32, #tpu.memory_space<hbm>>)
      tpu.yield
    }) : () -> ()
    %mul3A_37 = arith.constant 640 : i32
    %mul3A_38 = arith.muli %arg1, %mul3A_37 : i32
    %add3A_39 = arith.constant 256 : i32
    %add3A_40 = arith.addi %mul3A_38, %add3A_39 : i32
    "tpu.region"() ({
      %run_scoped3A = tpu.sem_alloc : memref<!tpu.dma_semaphore, #tpu.memory_space<semaphore_mem>>
      %dma_start3A = arith.constant 0 : i32
      %dma_start3A_49 = tpu.memref_slice %arg11[%add3A_40, %dma_start3A] : memref<10240x128xf32, #tpu.memory_space<vmem_shared>> -> memref<128x128xf32, #tpu.memory_space<vmem_shared>>
      %dma_start3A_50 = arith.constant 0 : i32
      %dma_start3A_51 = tpu.memref_slice %arg11[%add3A_40, %dma_start3A_50] : memref<10240x128xf32, #tpu.memory_space<vmem_shared>> -> memref<128x128xf32, #tpu.memory_space<vmem_shared>>
      tpu.enqueue_dma source(%dma_start3A_51 : memref<128x128xf32, #tpu.memory_space<vmem_shared>>) target(%arg10 : memref<128x128xf32, #tpu.memory_space<vmem>>) target_semaphore(%run_scoped3A : memref<!tpu.dma_semaphore, #tpu.memory_space<semaphore_mem>>)
      %dma_wait3A = arith.constant 0 : i32
      %dma_wait3A_52 = tpu.memref_slice %arg11[%add3A_40, %dma_wait3A] : memref<10240x128xf32, #tpu.memory_space<vmem_shared>> -> memref<128x128xf32, #tpu.memory_space<vmem_shared>>
      %dma_wait3A_53 = arith.constant 0 : i32
      %dma_wait3A_54 = tpu.memref_slice %arg11[%add3A_40, %dma_wait3A_53] : memref<10240x128xf32, #tpu.memory_space<vmem_shared>> -> memref<128x128xf32, #tpu.memory_space<vmem_shared>>
      tpu.wait_dma2 semaphore(%run_scoped3A : memref<!tpu.dma_semaphore, #tpu.memory_space<semaphore_mem>>) src(%dma_wait3A_54 : memref<128x128xf32, #tpu.memory_space<vmem_shared>>) dst(%arg10 : memref<128x128xf32, #tpu.memory_space<vmem>>)
      tpu.yield
    }) : () -> ()
    "tpu.region"() ({
      %run_scoped3A = tpu.sem_alloc : memref<!tpu.dma_semaphore, #tpu.memory_space<semaphore_mem>>
      %dma_start3A = arith.constant 0 : i32
      %dma_start3A_49 = tpu.memref_slice %arg6[%arg0, %add3A_40, %dma_start3A] : memref<2x10240x128xf32, #tpu.memory_space<hbm>> -> memref<1x128x128xf32, #tpu.memory_space<hbm>>
      %dma_start3A_50 = tpu.memref_squeeze %dma_start3A_49 : memref<1x128x128xf32, #tpu.memory_space<hbm>> -> memref<128x128xf32, #tpu.memory_space<hbm>>
      %dma_start3A_51 = arith.constant 0 : i32
      %dma_start3A_52 = tpu.memref_slice %arg6[%arg0, %add3A_40, %dma_start3A_51] : memref<2x10240x128xf32, #tpu.memory_space<hbm>> -> memref<1x128x128xf32, #tpu.memory_space<hbm>>
      %dma_start3A_53 = tpu.memref_squeeze %dma_start3A_52 : memref<1x128x128xf32, #tpu.memory_space<hbm>> -> memref<128x128xf32, #tpu.memory_space<hbm>>
      tpu.enqueue_dma source(%arg10 : memref<128x128xf32, #tpu.memory_space<vmem>>) target(%dma_start3A_53 : memref<128x128xf32, #tpu.memory_space<hbm>>) target_semaphore(%run_scoped3A : memref<!tpu.dma_semaphore, #tpu.memory_space<semaphore_mem>>)
      %dma_wait3A = arith.constant 0 : i32
      %dma_wait3A_54 = tpu.memref_slice %arg6[%arg0, %add3A_40, %dma_wait3A] : memref<2x10240x128xf32, #tpu.memory_space<hbm>> -> memref<1x128x128xf32, #tpu.memory_space<hbm>>
      %dma_wait3A_55 = tpu.memref_squeeze %dma_wait3A_54 : memref<1x128x128xf32, #tpu.memory_space<hbm>> -> memref<128x128xf32, #tpu.memory_space<hbm>>
      %dma_wait3A_56 = arith.constant 0 : i32
      %dma_wait3A_57 = tpu.memref_slice %arg6[%arg0, %add3A_40, %dma_wait3A_56] : memref<2x10240x128xf32, #tpu.memory_space<hbm>> -> memref<1x128x128xf32, #tpu.memory_space<hbm>>
      %dma_wait3A_58 = tpu.memref_squeeze %dma_wait3A_57 : memref<1x128x128xf32, #tpu.memory_space<hbm>> -> memref<128x128xf32, #tpu.memory_space<hbm>>
      tpu.wait_dma2 semaphore(%run_scoped3A : memref<!tpu.dma_semaphore, #tpu.memory_space<semaphore_mem>>) src(%arg10 : memref<128x128xf32, #tpu.memory_space<vmem>>) dst(%dma_wait3A_58 : memref<128x128xf32, #tpu.memory_space<hbm>>)
      tpu.yield
    }) : () -> ()
    %mul3A_41 = arith.constant 640 : i32
    %mul3A_42 = arith.muli %arg1, %mul3A_41 : i32
    %add3A_43 = arith.constant 384 : i32
    %add3A_44 = arith.addi %mul3A_42, %add3A_43 : i32
    "tpu.region"() ({
      %run_scoped3A = tpu.sem_alloc : memref<!tpu.dma_semaphore, #tpu.memory_space<semaphore_mem>>
      %dma_start3A = arith.constant 0 : i32
      %dma_start3A_49 = tpu.memref_slice %arg11[%add3A_44, %dma_start3A] : memref<10240x128xf32, #tpu.memory_space<vmem_shared>> -> memref<128x128xf32, #tpu.memory_space<vmem_shared>>
      %dma_start3A_50 = arith.constant 0 : i32
      %dma_start3A_51 = tpu.memref_slice %arg11[%add3A_44, %dma_start3A_50] : memref<10240x128xf32, #tpu.memory_space<vmem_shared>> -> memref<128x128xf32, #tpu.memory_space<vmem_shared>>
      tpu.enqueue_dma source(%dma_start3A_51 : memref<128x128xf32, #tpu.memory_space<vmem_shared>>) target(%arg10 : memref<128x128xf32, #tpu.memory_space<vmem>>) target_semaphore(%run_scoped3A : memref<!tpu.dma_semaphore, #tpu.memory_space<semaphore_mem>>)
      %dma_wait3A = arith.constant 0 : i32
      %dma_wait3A_52 = tpu.memref_slice %arg11[%add3A_44, %dma_wait3A] : memref<10240x128xf32, #tpu.memory_space<vmem_shared>> -> memref<128x128xf32, #tpu.memory_space<vmem_shared>>
      %dma_wait3A_53 = arith.constant 0 : i32
      %dma_wait3A_54 = tpu.memref_slice %arg11[%add3A_44, %dma_wait3A_53] : memref<10240x128xf32, #tpu.memory_space<vmem_shared>> -> memref<128x128xf32, #tpu.memory_space<vmem_shared>>
      tpu.wait_dma2 semaphore(%run_scoped3A : memref<!tpu.dma_semaphore, #tpu.memory_space<semaphore_mem>>) src(%dma_wait3A_54 : memref<128x128xf32, #tpu.memory_space<vmem_shared>>) dst(%arg10 : memref<128x128xf32, #tpu.memory_space<vmem>>)
      tpu.yield
    }) : () -> ()
    "tpu.region"() ({
      %run_scoped3A = tpu.sem_alloc : memref<!tpu.dma_semaphore, #tpu.memory_space<semaphore_mem>>
      %dma_start3A = arith.constant 0 : i32
      %dma_start3A_49 = tpu.memref_slice %arg6[%arg0, %add3A_44, %dma_start3A] : memref<2x10240x128xf32, #tpu.memory_space<hbm>> -> memref<1x128x128xf32, #tpu.memory_space<hbm>>
      %dma_start3A_50 = tpu.memref_squeeze %dma_start3A_49 : memref<1x128x128xf32, #tpu.memory_space<hbm>> -> memref<128x128xf32, #tpu.memory_space<hbm>>
      %dma_start3A_51 = arith.constant 0 : i32
      %dma_start3A_52 = tpu.memref_slice %arg6[%arg0, %add3A_44, %dma_start3A_51] : memref<2x10240x128xf32, #tpu.memory_space<hbm>> -> memref<1x128x128xf32, #tpu.memory_space<hbm>>
      %dma_start3A_53 = tpu.memref_squeeze %dma_start3A_52 : memref<1x128x128xf32, #tpu.memory_space<hbm>> -> memref<128x128xf32, #tpu.memory_space<hbm>>
      tpu.enqueue_dma source(%arg10 : memref<128x128xf32, #tpu.memory_space<vmem>>) target(%dma_start3A_53 : memref<128x128xf32, #tpu.memory_space<hbm>>) target_semaphore(%run_scoped3A : memref<!tpu.dma_semaphore, #tpu.memory_space<semaphore_mem>>)
      %dma_wait3A = arith.constant 0 : i32
      %dma_wait3A_54 = tpu.memref_slice %arg6[%arg0, %add3A_44, %dma_wait3A] : memref<2x10240x128xf32, #tpu.memory_space<hbm>> -> memref<1x128x128xf32, #tpu.memory_space<hbm>>
      %dma_wait3A_55 = tpu.memref_squeeze %dma_wait3A_54 : memref<1x128x128xf32, #tpu.memory_space<hbm>> -> memref<128x128xf32, #tpu.memory_space<hbm>>
      %dma_wait3A_56 = arith.constant 0 : i32
      %dma_wait3A_57 = tpu.memref_slice %arg6[%arg0, %add3A_44, %dma_wait3A_56] : memref<2x10240x128xf32, #tpu.memory_space<hbm>> -> memref<1x128x128xf32, #tpu.memory_space<hbm>>
      %dma_wait3A_58 = tpu.memref_squeeze %dma_wait3A_57 : memref<1x128x128xf32, #tpu.memory_space<hbm>> -> memref<128x128xf32, #tpu.memory_space<hbm>>
      tpu.wait_dma2 semaphore(%run_scoped3A : memref<!tpu.dma_semaphore, #tpu.memory_space<semaphore_mem>>) src(%arg10 : memref<128x128xf32, #tpu.memory_space<vmem>>) dst(%dma_wait3A_58 : memref<128x128xf32, #tpu.memory_space<hbm>>)
      tpu.yield
    }) : () -> ()
    %mul3A_45 = arith.constant 640 : i32
    %mul3A_46 = arith.muli %arg1, %mul3A_45 : i32
    %add3A_47 = arith.constant 512 : i32
    %add3A_48 = arith.addi %mul3A_46, %add3A_47 : i32
    "tpu.region"() ({
      %run_scoped3A = tpu.sem_alloc : memref<!tpu.dma_semaphore, #tpu.memory_space<semaphore_mem>>
      %dma_start3A = arith.constant 0 : i32
      %dma_start3A_49 = tpu.memref_slice %arg11[%add3A_48, %dma_start3A] : memref<10240x128xf32, #tpu.memory_space<vmem_shared>> -> memref<128x128xf32, #tpu.memory_space<vmem_shared>>
      %dma_start3A_50 = arith.constant 0 : i32
      %dma_start3A_51 = tpu.memref_slice %arg11[%add3A_48, %dma_start3A_50] : memref<10240x128xf32, #tpu.memory_space<vmem_shared>> -> memref<128x128xf32, #tpu.memory_space<vmem_shared>>
      tpu.enqueue_dma source(%dma_start3A_51 : memref<128x128xf32, #tpu.memory_space<vmem_shared>>) target(%arg10 : memref<128x128xf32, #tpu.memory_space<vmem>>) target_semaphore(%run_scoped3A : memref<!tpu.dma_semaphore, #tpu.memory_space<semaphore_mem>>)
      %dma_wait3A = arith.constant 0 : i32
      %dma_wait3A_52 = tpu.memref_slice %arg11[%add3A_48, %dma_wait3A] : memref<10240x128xf32, #tpu.memory_space<vmem_shared>> -> memref<128x128xf32, #tpu.memory_space<vmem_shared>>
      %dma_wait3A_53 = arith.constant 0 : i32
      %dma_wait3A_54 = tpu.memref_slice %arg11[%add3A_48, %dma_wait3A_53] : memref<10240x128xf32, #tpu.memory_space<vmem_shared>> -> memref<128x128xf32, #tpu.memory_space<vmem_shared>>
      tpu.wait_dma2 semaphore(%run_scoped3A : memref<!tpu.dma_semaphore, #tpu.memory_space<semaphore_mem>>) src(%dma_wait3A_54 : memref<128x128xf32, #tpu.memory_space<vmem_shared>>) dst(%arg10 : memref<128x128xf32, #tpu.memory_space<vmem>>)
      tpu.yield
    }) : () -> ()
    "tpu.region"() ({
      %run_scoped3A = tpu.sem_alloc : memref<!tpu.dma_semaphore, #tpu.memory_space<semaphore_mem>>
      %dma_start3A = arith.constant 0 : i32
      %dma_start3A_49 = tpu.memref_slice %arg6[%arg0, %add3A_48, %dma_start3A] : memref<2x10240x128xf32, #tpu.memory_space<hbm>> -> memref<1x128x128xf32, #tpu.memory_space<hbm>>
      %dma_start3A_50 = tpu.memref_squeeze %dma_start3A_49 : memref<1x128x128xf32, #tpu.memory_space<hbm>> -> memref<128x128xf32, #tpu.memory_space<hbm>>
      %dma_start3A_51 = arith.constant 0 : i32
      %dma_start3A_52 = tpu.memref_slice %arg6[%arg0, %add3A_48, %dma_start3A_51] : memref<2x10240x128xf32, #tpu.memory_space<hbm>> -> memref<1x128x128xf32, #tpu.memory_space<hbm>>
      %dma_start3A_53 = tpu.memref_squeeze %dma_start3A_52 : memref<1x128x128xf32, #tpu.memory_space<hbm>> -> memref<128x128xf32, #tpu.memory_space<hbm>>
      tpu.enqueue_dma source(%arg10 : memref<128x128xf32, #tpu.memory_space<vmem>>) target(%dma_start3A_53 : memref<128x128xf32, #tpu.memory_space<hbm>>) target_semaphore(%run_scoped3A : memref<!tpu.dma_semaphore, #tpu.memory_space<semaphore_mem>>)
      %dma_wait3A = arith.constant 0 : i32
      %dma_wait3A_54 = tpu.memref_slice %arg6[%arg0, %add3A_48, %dma_wait3A] : memref<2x10240x128xf32, #tpu.memory_space<hbm>> -> memref<1x128x128xf32, #tpu.memory_space<hbm>>
      %dma_wait3A_55 = tpu.memref_squeeze %dma_wait3A_54 : memref<1x128x128xf32, #tpu.memory_space<hbm>> -> memref<128x128xf32, #tpu.memory_space<hbm>>
      %dma_wait3A_56 = arith.constant 0 : i32
      %dma_wait3A_57 = tpu.memref_slice %arg6[%arg0, %add3A_48, %dma_wait3A_56] : memref<2x10240x128xf32, #tpu.memory_space<hbm>> -> memref<1x128x128xf32, #tpu.memory_space<hbm>>
      %dma_wait3A_58 = tpu.memref_squeeze %dma_wait3A_57 : memref<1x128x128xf32, #tpu.memory_space<hbm>> -> memref<128x128xf32, #tpu.memory_space<hbm>>
      tpu.wait_dma2 semaphore(%run_scoped3A : memref<!tpu.dma_semaphore, #tpu.memory_space<semaphore_mem>>) src(%arg10 : memref<128x128xf32, #tpu.memory_space<vmem>>) dst(%dma_wait3A_58 : memref<128x128xf32, #tpu.memory_space<hbm>>)
      tpu.yield
    }) : () -> ()
    return
  }
}

#map = affine_map<(d0, d1) -> (0, 0)>
#map1 = affine_map<(d0, d1) -> (0)>
#map2 = affine_map<(d0, d1) -> (0, 0, 0)>
module attributes {stable_mosaic.version = 14 : i64} {
  func.func @agg_call(%arg0: i32, %arg1: i32, %arg2: memref<10240x128xf32, #tpu.memory_space<hbm>>, %arg3: memref<331776xi32, #tpu.memory_space<hbm>>, %arg4: memref<331776xi32, #tpu.memory_space<hbm>>, %arg5: memref<128x128xf32, #tpu.memory_space<hbm>>, %arg6: memref<2x10240x128xf32, #tpu.memory_space<hbm>>, %arg7: memref<128xi32, #tpu.memory_space<vmem>>, %arg8: memref<128xi32, #tpu.memory_space<vmem>>, %arg9: memref<128x128xf32, #tpu.memory_space<vmem>>, %arg10: memref<128x128xf32, #tpu.memory_space<vmem>>, %arg11: memref<10240x128xf32, #tpu.memory_space<vmem_shared>>, %arg12: memref<!tpu.dma_semaphore, #tpu.memory_space<semaphore_mem>>) attributes {dimension_semantics = [#tpu.dimension_semantics<core_parallel>, #tpu.dimension_semantics<subcore_parallel>], iteration_bounds = array<i64: 2, 16>, scalar_prefetch = 0 : i64, scratch_operands = 6 : i64, tpu.core_type = #tpu.core_type<sc_vector_subcore>, window_params = [{transform_indices = #map}, {transform_indices = #map1}, {transform_indices = #map1}, {transform_indices = #map}, {transform_indices = #map2}]} {
    %mul3A = arith.constant 2 : i32
    %mul3A_0 = arith.muli %arg1, %mul3A : i32
    %add3A = arith.addi %mul3A_0, %arg0 : i32
    "tpu.region"() ({
      %run_scoped3A = tpu.sem_alloc : memref<!tpu.dma_semaphore, #tpu.memory_space<semaphore_mem>>
      tpu.enqueue_dma source(%arg5 : memref<128x128xf32, #tpu.memory_space<hbm>>) target(%arg10 : memref<128x128xf32, #tpu.memory_space<vmem>>) target_semaphore(%run_scoped3A : memref<!tpu.dma_semaphore, #tpu.memory_space<semaphore_mem>>)
      tpu.wait_dma2 semaphore(%run_scoped3A : memref<!tpu.dma_semaphore, #tpu.memory_space<semaphore_mem>>) src(%arg5 : memref<128x128xf32, #tpu.memory_space<hbm>>) dst(%arg10 : memref<128x128xf32, #tpu.memory_space<vmem>>)
      tpu.yield
    }) : () -> ()
    %mul3A_1 = arith.constant 640 : i32
    %mul3A_2 = arith.muli %arg1, %mul3A_1 : i32
    %add3A_3 = arith.constant 0 : i32
    %add3A_4 = arith.addi %mul3A_2, %add3A_3 : i32
    "tpu.region"() ({
      %run_scoped3A = tpu.sem_alloc : memref<!tpu.dma_semaphore, #tpu.memory_space<semaphore_mem>>
      %dma_start3A = arith.constant 0 : i32
      %dma_start3A_49 = tpu.memref_slice %arg11[%add3A_4, %dma_start3A] : memref<10240x128xf32, #tpu.memory_space<vmem_shared>> -> memref<128x128xf32, #tpu.memory_space<vmem_shared>>
      %dma_start3A_50 = arith.constant 0 : i32
      %dma_start3A_51 = tpu.memref_slice %arg11[%add3A_4, %dma_start3A_50] : memref<10240x128xf32, #tpu.memory_space<vmem_shared>> -> memref<128x128xf32, #tpu.memory_space<vmem_shared>>
      tpu.enqueue_dma source(%arg10 : memref<128x128xf32, #tpu.memory_space<vmem>>) target(%dma_start3A_51 : memref<128x128xf32, #tpu.memory_space<vmem_shared>>) target_semaphore(%run_scoped3A : memref<!tpu.dma_semaphore, #tpu.memory_space<semaphore_mem>>)
      %dma_wait3A = arith.constant 0 : i32
      %dma_wait3A_52 = tpu.memref_slice %arg11[%add3A_4, %dma_wait3A] : memref<10240x128xf32, #tpu.memory_space<vmem_shared>> -> memref<128x128xf32, #tpu.memory_space<vmem_shared>>
      %dma_wait3A_53 = arith.constant 0 : i32
      %dma_wait3A_54 = tpu.memref_slice %arg11[%add3A_4, %dma_wait3A_53] : memref<10240x128xf32, #tpu.memory_space<vmem_shared>> -> memref<128x128xf32, #tpu.memory_space<vmem_shared>>
      tpu.wait_dma2 semaphore(%run_scoped3A : memref<!tpu.dma_semaphore, #tpu.memory_space<semaphore_mem>>) src(%arg10 : memref<128x128xf32, #tpu.memory_space<vmem>>) dst(%dma_wait3A_54 : memref<128x128xf32, #tpu.memory_space<vmem_shared>>)
      tpu.yield
    }) : () -> ()
    %mul3A_5 = arith.constant 640 : i32
    %mul3A_6 = arith.muli %arg1, %mul3A_5 : i32
    %add3A_7 = arith.constant 128 : i32
    %add3A_8 = arith.addi %mul3A_6, %add3A_7 : i32
    "tpu.region"() ({
      %run_scoped3A = tpu.sem_alloc : memref<!tpu.dma_semaphore, #tpu.memory_space<semaphore_mem>>
      %dma_start3A = arith.constant 0 : i32
      %dma_start3A_49 = tpu.memref_slice %arg11[%add3A_8, %dma_start3A] : memref<10240x128xf32, #tpu.memory_space<vmem_shared>> -> memref<128x128xf32, #tpu.memory_space<vmem_shared>>
      %dma_start3A_50 = arith.constant 0 : i32
      %dma_start3A_51 = tpu.memref_slice %arg11[%add3A_8, %dma_start3A_50] : memref<10240x128xf32, #tpu.memory_space<vmem_shared>> -> memref<128x128xf32, #tpu.memory_space<vmem_shared>>
      tpu.enqueue_dma source(%arg10 : memref<128x128xf32, #tpu.memory_space<vmem>>) target(%dma_start3A_51 : memref<128x128xf32, #tpu.memory_space<vmem_shared>>) target_semaphore(%run_scoped3A : memref<!tpu.dma_semaphore, #tpu.memory_space<semaphore_mem>>)
      %dma_wait3A = arith.constant 0 : i32
      %dma_wait3A_52 = tpu.memref_slice %arg11[%add3A_8, %dma_wait3A] : memref<10240x128xf32, #tpu.memory_space<vmem_shared>> -> memref<128x128xf32, #tpu.memory_space<vmem_shared>>
      %dma_wait3A_53 = arith.constant 0 : i32
      %dma_wait3A_54 = tpu.memref_slice %arg11[%add3A_8, %dma_wait3A_53] : memref<10240x128xf32, #tpu.memory_space<vmem_shared>> -> memref<128x128xf32, #tpu.memory_space<vmem_shared>>
      tpu.wait_dma2 semaphore(%run_scoped3A : memref<!tpu.dma_semaphore, #tpu.memory_space<semaphore_mem>>) src(%arg10 : memref<128x128xf32, #tpu.memory_space<vmem>>) dst(%dma_wait3A_54 : memref<128x128xf32, #tpu.memory_space<vmem_shared>>)
      tpu.yield
    }) : () -> ()
    %mul3A_9 = arith.constant 640 : i32
    %mul3A_10 = arith.muli %arg1, %mul3A_9 : i32
    %add3A_11 = arith.constant 256 : i32
    %add3A_12 = arith.addi %mul3A_10, %add3A_11 : i32
    "tpu.region"() ({
      %run_scoped3A = tpu.sem_alloc : memref<!tpu.dma_semaphore, #tpu.memory_space<semaphore_mem>>
      %dma_start3A = arith.constant 0 : i32
      %dma_start3A_49 = tpu.memref_slice %arg11[%add3A_12, %dma_start3A] : memref<10240x128xf32, #tpu.memory_space<vmem_shared>> -> memref<128x128xf32, #tpu.memory_space<vmem_shared>>
      %dma_start3A_50 = arith.constant 0 : i32
      %dma_start3A_51 = tpu.memref_slice %arg11[%add3A_12, %dma_start3A_50] : memref<10240x128xf32, #tpu.memory_space<vmem_shared>> -> memref<128x128xf32, #tpu.memory_space<vmem_shared>>
      tpu.enqueue_dma source(%arg10 : memref<128x128xf32, #tpu.memory_space<vmem>>) target(%dma_start3A_51 : memref<128x128xf32, #tpu.memory_space<vmem_shared>>) target_semaphore(%run_scoped3A : memref<!tpu.dma_semaphore, #tpu.memory_space<semaphore_mem>>)
      %dma_wait3A = arith.constant 0 : i32
      %dma_wait3A_52 = tpu.memref_slice %arg11[%add3A_12, %dma_wait3A] : memref<10240x128xf32, #tpu.memory_space<vmem_shared>> -> memref<128x128xf32, #tpu.memory_space<vmem_shared>>
      %dma_wait3A_53 = arith.constant 0 : i32
      %dma_wait3A_54 = tpu.memref_slice %arg11[%add3A_12, %dma_wait3A_53] : memref<10240x128xf32, #tpu.memory_space<vmem_shared>> -> memref<128x128xf32, #tpu.memory_space<vmem_shared>>
      tpu.wait_dma2 semaphore(%run_scoped3A : memref<!tpu.dma_semaphore, #tpu.memory_space<semaphore_mem>>) src(%arg10 : memref<128x128xf32, #tpu.memory_space<vmem>>) dst(%dma_wait3A_54 : memref<128x128xf32, #tpu.memory_space<vmem_shared>>)
      tpu.yield
    }) : () -> ()
    %mul3A_13 = arith.constant 640 : i32
    %mul3A_14 = arith.muli %arg1, %mul3A_13 : i32
    %add3A_15 = arith.constant 384 : i32
    %add3A_16 = arith.addi %mul3A_14, %add3A_15 : i32
    "tpu.region"() ({
      %run_scoped3A = tpu.sem_alloc : memref<!tpu.dma_semaphore, #tpu.memory_space<semaphore_mem>>
      %dma_start3A = arith.constant 0 : i32
      %dma_start3A_49 = tpu.memref_slice %arg11[%add3A_16, %dma_start3A] : memref<10240x128xf32, #tpu.memory_space<vmem_shared>> -> memref<128x128xf32, #tpu.memory_space<vmem_shared>>
      %dma_start3A_50 = arith.constant 0 : i32
      %dma_start3A_51 = tpu.memref_slice %arg11[%add3A_16, %dma_start3A_50] : memref<10240x128xf32, #tpu.memory_space<vmem_shared>> -> memref<128x128xf32, #tpu.memory_space<vmem_shared>>
      tpu.enqueue_dma source(%arg10 : memref<128x128xf32, #tpu.memory_space<vmem>>) target(%dma_start3A_51 : memref<128x128xf32, #tpu.memory_space<vmem_shared>>) target_semaphore(%run_scoped3A : memref<!tpu.dma_semaphore, #tpu.memory_space<semaphore_mem>>)
      %dma_wait3A = arith.constant 0 : i32
      %dma_wait3A_52 = tpu.memref_slice %arg11[%add3A_16, %dma_wait3A] : memref<10240x128xf32, #tpu.memory_space<vmem_shared>> -> memref<128x128xf32, #tpu.memory_space<vmem_shared>>
      %dma_wait3A_53 = arith.constant 0 : i32
      %dma_wait3A_54 = tpu.memref_slice %arg11[%add3A_16, %dma_wait3A_53] : memref<10240x128xf32, #tpu.memory_space<vmem_shared>> -> memref<128x128xf32, #tpu.memory_space<vmem_shared>>
      tpu.wait_dma2 semaphore(%run_scoped3A : memref<!tpu.dma_semaphore, #tpu.memory_space<semaphore_mem>>) src(%arg10 : memref<128x128xf32, #tpu.memory_space<vmem>>) dst(%dma_wait3A_54 : memref<128x128xf32, #tpu.memory_space<vmem_shared>>)
      tpu.yield
    }) : () -> ()
    %mul3A_17 = arith.constant 640 : i32
    %mul3A_18 = arith.muli %arg1, %mul3A_17 : i32
    %add3A_19 = arith.constant 512 : i32
    %add3A_20 = arith.addi %mul3A_18, %add3A_19 : i32
    "tpu.region"() ({
      %run_scoped3A = tpu.sem_alloc : memref<!tpu.dma_semaphore, #tpu.memory_space<semaphore_mem>>
      %dma_start3A = arith.constant 0 : i32
      %dma_start3A_49 = tpu.memref_slice %arg11[%add3A_20, %dma_start3A] : memref<10240x128xf32, #tpu.memory_space<vmem_shared>> -> memref<128x128xf32, #tpu.memory_space<vmem_shared>>
      %dma_start3A_50 = arith.constant 0 : i32
      %dma_start3A_51 = tpu.memref_slice %arg11[%add3A_20, %dma_start3A_50] : memref<10240x128xf32, #tpu.memory_space<vmem_shared>> -> memref<128x128xf32, #tpu.memory_space<vmem_shared>>
      tpu.enqueue_dma source(%arg10 : memref<128x128xf32, #tpu.memory_space<vmem>>) target(%dma_start3A_51 : memref<128x128xf32, #tpu.memory_space<vmem_shared>>) target_semaphore(%run_scoped3A : memref<!tpu.dma_semaphore, #tpu.memory_space<semaphore_mem>>)
      %dma_wait3A = arith.constant 0 : i32
      %dma_wait3A_52 = tpu.memref_slice %arg11[%add3A_20, %dma_wait3A] : memref<10240x128xf32, #tpu.memory_space<vmem_shared>> -> memref<128x128xf32, #tpu.memory_space<vmem_shared>>
      %dma_wait3A_53 = arith.constant 0 : i32
      %dma_wait3A_54 = tpu.memref_slice %arg11[%add3A_20, %dma_wait3A_53] : memref<10240x128xf32, #tpu.memory_space<vmem_shared>> -> memref<128x128xf32, #tpu.memory_space<vmem_shared>>
      tpu.wait_dma2 semaphore(%run_scoped3A : memref<!tpu.dma_semaphore, #tpu.memory_space<semaphore_mem>>) src(%arg10 : memref<128x128xf32, #tpu.memory_space<vmem>>) dst(%dma_wait3A_54 : memref<128x128xf32, #tpu.memory_space<vmem_shared>>)
      tpu.yield
    }) : () -> ()
    %barrier3A = arith.constant 0 : index
    tpu.barrier barrier_id(%barrier3A)
    %mul3A_21 = arith.constant 10368 : i32
    %mul3A_22 = arith.muli %add3A, %mul3A_21 : i32
    %scan3A = arith.constant 0 : i32
    %scan3A_23 = arith.constant 0 : i32
    %scan3A_24 = arith.constant 81 : i32
    %scan3A_25 = arith.addi %scan3A_23, %scan3A_24 : i32
    %scan3A_26 = arith.constant 1 : i32
    scf.for %scan3A_49 = %scan3A_23 to %scan3A_25 step %scan3A_26  : i32 {
      %mul3A_50 = arith.constant 128 : i32
      %mul3A_51 = arith.muli %scan3A_49, %mul3A_50 : i32
      %add3A_52 = arith.addi %mul3A_22, %mul3A_51 : i32
      "tpu.region"() ({
        %run_scoped3A = tpu.sem_alloc : memref<!tpu.dma_semaphore, #tpu.memory_space<semaphore_mem>>
        %dma_start3A_57 = tpu.memref_slice %arg3[%add3A_52] : memref<331776xi32, #tpu.memory_space<hbm>> -> memref<128xi32, #tpu.memory_space<hbm>>
        %dma_start3A_58 = tpu.memref_slice %arg3[%add3A_52] : memref<331776xi32, #tpu.memory_space<hbm>> -> memref<128xi32, #tpu.memory_space<hbm>>
        tpu.enqueue_dma source(%dma_start3A_58 : memref<128xi32, #tpu.memory_space<hbm>>) target(%arg7 : memref<128xi32, #tpu.memory_space<vmem>>) target_semaphore(%run_scoped3A : memref<!tpu.dma_semaphore, #tpu.memory_space<semaphore_mem>>)
        %dma_wait3A_59 = tpu.memref_slice %arg3[%add3A_52] : memref<331776xi32, #tpu.memory_space<hbm>> -> memref<128xi32, #tpu.memory_space<hbm>>
        %dma_wait3A_60 = tpu.memref_slice %arg3[%add3A_52] : memref<331776xi32, #tpu.memory_space<hbm>> -> memref<128xi32, #tpu.memory_space<hbm>>
        tpu.wait_dma2 semaphore(%run_scoped3A : memref<!tpu.dma_semaphore, #tpu.memory_space<semaphore_mem>>) src(%dma_wait3A_60 : memref<128xi32, #tpu.memory_space<hbm>>) dst(%arg7 : memref<128xi32, #tpu.memory_space<vmem>>)
        tpu.yield
      }) : () -> ()
      %dma_start3A = arith.constant 0 : i32
      %dma_start3A_53 = arith.constant 0 : i32
      %dma_start3A_54 = tpu.memref_slice %arg2[%dma_start3A, %dma_start3A_53] : memref<10240x128xf32, #tpu.memory_space<hbm>> -> memref<10240x128xf32, #tpu.memory_space<hbm>>
      tpu.enqueue_indirect_dma source(%dma_start3A_54 : memref<10240x128xf32, #tpu.memory_space<hbm>>) target(%arg9 : memref<128x128xf32, #tpu.memory_space<vmem>>) offsets(%arg7 : memref<128xi32, #tpu.memory_space<vmem>>) semaphore(%arg12 : memref<!tpu.dma_semaphore, #tpu.memory_space<semaphore_mem>>)
      %dma_wait3A = arith.constant 0 : i32
      %dma_wait3A_55 = arith.constant 0 : i32
      %dma_wait3A_56 = tpu.memref_slice %arg2[%dma_wait3A, %dma_wait3A_55] : memref<10240x128xf32, #tpu.memory_space<hbm>> -> memref<10240x128xf32, #tpu.memory_space<hbm>>
      tpu.wait_indirect_dma semaphore(%arg12 : memref<!tpu.dma_semaphore, #tpu.memory_space<semaphore_mem>>) src(%dma_wait3A_56 : memref<10240x128xf32, #tpu.memory_space<hbm>>) dst(%arg9 : memref<128x128xf32, #tpu.memory_space<vmem>>)
      "tpu.region"() ({
        %run_scoped3A = tpu.sem_alloc : memref<!tpu.dma_semaphore, #tpu.memory_space<semaphore_mem>>
        %dma_start3A_57 = tpu.memref_slice %arg4[%add3A_52] : memref<331776xi32, #tpu.memory_space<hbm>> -> memref<128xi32, #tpu.memory_space<hbm>>
        %dma_start3A_58 = tpu.memref_slice %arg4[%add3A_52] : memref<331776xi32, #tpu.memory_space<hbm>> -> memref<128xi32, #tpu.memory_space<hbm>>
        tpu.enqueue_dma source(%dma_start3A_58 : memref<128xi32, #tpu.memory_space<hbm>>) target(%arg8 : memref<128xi32, #tpu.memory_space<vmem>>) target_semaphore(%run_scoped3A : memref<!tpu.dma_semaphore, #tpu.memory_space<semaphore_mem>>)
        %dma_wait3A_59 = tpu.memref_slice %arg4[%add3A_52] : memref<331776xi32, #tpu.memory_space<hbm>> -> memref<128xi32, #tpu.memory_space<hbm>>
        %dma_wait3A_60 = tpu.memref_slice %arg4[%add3A_52] : memref<331776xi32, #tpu.memory_space<hbm>> -> memref<128xi32, #tpu.memory_space<hbm>>
        tpu.wait_dma2 semaphore(%run_scoped3A : memref<!tpu.dma_semaphore, #tpu.memory_space<semaphore_mem>>) src(%dma_wait3A_60 : memref<128xi32, #tpu.memory_space<hbm>>) dst(%arg8 : memref<128xi32, #tpu.memory_space<vmem>>)
        tpu.yield
      }) : () -> ()
      "tpu.region"() ({
        %run_scoped3A = tpu.sem_alloc : memref<!tpu.dma_semaphore, #tpu.memory_space<semaphore_mem>>
        %dma_start3A_57 = arith.constant 0 : i32
        %dma_start3A_58 = arith.constant 0 : i32
        %dma_start3A_59 = tpu.memref_slice %arg11[%dma_start3A_57, %dma_start3A_58] : memref<10240x128xf32, #tpu.memory_space<vmem_shared>> -> memref<10240x128xf32, #tpu.memory_space<vmem_shared>>
        tpu.enqueue_indirect_dma source(%arg9 : memref<128x128xf32, #tpu.memory_space<vmem>>) target(%dma_start3A_59 : memref<10240x128xf32, #tpu.memory_space<vmem_shared>>) offsets(%arg8 : memref<128xi32, #tpu.memory_space<vmem>>) semaphore(%run_scoped3A : memref<!tpu.dma_semaphore, #tpu.memory_space<semaphore_mem>>) {add = true}
        %dma_wait3A_60 = arith.constant 0 : i32
        %dma_wait3A_61 = arith.constant 0 : i32
        %dma_wait3A_62 = tpu.memref_slice %arg11[%dma_wait3A_60, %dma_wait3A_61] : memref<10240x128xf32, #tpu.memory_space<vmem_shared>> -> memref<10240x128xf32, #tpu.memory_space<vmem_shared>>
        tpu.wait_indirect_dma semaphore(%run_scoped3A : memref<!tpu.dma_semaphore, #tpu.memory_space<semaphore_mem>>) src(%arg9 : memref<128x128xf32, #tpu.memory_space<vmem>>) dst(%dma_wait3A_62 : memref<10240x128xf32, #tpu.memory_space<vmem_shared>>)
        tpu.yield
      }) : () -> ()
    }
    %scan3A_27 = arith.constant 81 : i32
    %barrier3A_28 = arith.constant 0 : index
    tpu.barrier barrier_id(%barrier3A_28)
    %mul3A_29 = arith.constant 640 : i32
    %mul3A_30 = arith.muli %arg1, %mul3A_29 : i32
    %add3A_31 = arith.constant 0 : i32
    %add3A_32 = arith.addi %mul3A_30, %add3A_31 : i32
    "tpu.region"() ({
      %run_scoped3A = tpu.sem_alloc : memref<!tpu.dma_semaphore, #tpu.memory_space<semaphore_mem>>
      %dma_start3A = arith.constant 0 : i32
      %dma_start3A_49 = tpu.memref_slice %arg11[%add3A_32, %dma_start3A] : memref<10240x128xf32, #tpu.memory_space<vmem_shared>> -> memref<128x128xf32, #tpu.memory_space<vmem_shared>>
      %dma_start3A_50 = arith.constant 0 : i32
      %dma_start3A_51 = tpu.memref_slice %arg11[%add3A_32, %dma_start3A_50] : memref<10240x128xf32, #tpu.memory_space<vmem_shared>> -> memref<128x128xf32, #tpu.memory_space<vmem_shared>>
      tpu.enqueue_dma source(%dma_start3A_51 : memref<128x128xf32, #tpu.memory_space<vmem_shared>>) target(%arg10 : memref<128x128xf32, #tpu.memory_space<vmem>>) target_semaphore(%run_scoped3A : memref<!tpu.dma_semaphore, #tpu.memory_space<semaphore_mem>>)
      %dma_wait3A = arith.constant 0 : i32
      %dma_wait3A_52 = tpu.memref_slice %arg11[%add3A_32, %dma_wait3A] : memref<10240x128xf32, #tpu.memory_space<vmem_shared>> -> memref<128x128xf32, #tpu.memory_space<vmem_shared>>
      %dma_wait3A_53 = arith.constant 0 : i32
      %dma_wait3A_54 = tpu.memref_slice %arg11[%add3A_32, %dma_wait3A_53] : memref<10240x128xf32, #tpu.memory_space<vmem_shared>> -> memref<128x128xf32, #tpu.memory_space<vmem_shared>>
      tpu.wait_dma2 semaphore(%run_scoped3A : memref<!tpu.dma_semaphore, #tpu.memory_space<semaphore_mem>>) src(%dma_wait3A_54 : memref<128x128xf32, #tpu.memory_space<vmem_shared>>) dst(%arg10 : memref<128x128xf32, #tpu.memory_space<vmem>>)
      tpu.yield
    }) : () -> ()
    "tpu.region"() ({
      %run_scoped3A = tpu.sem_alloc : memref<!tpu.dma_semaphore, #tpu.memory_space<semaphore_mem>>
      %dma_start3A = arith.constant 0 : i32
      %dma_start3A_49 = tpu.memref_slice %arg6[%arg0, %add3A_32, %dma_start3A] : memref<2x10240x128xf32, #tpu.memory_space<hbm>> -> memref<1x128x128xf32, #tpu.memory_space<hbm>>
      %dma_start3A_50 = tpu.memref_squeeze %dma_start3A_49 : memref<1x128x128xf32, #tpu.memory_space<hbm>> -> memref<128x128xf32, #tpu.memory_space<hbm>>
      %dma_start3A_51 = arith.constant 0 : i32
      %dma_start3A_52 = tpu.memref_slice %arg6[%arg0, %add3A_32, %dma_start3A_51] : memref<2x10240x128xf32, #tpu.memory_space<hbm>> -> memref<1x128x128xf32, #tpu.memory_space<hbm>>
      %dma_start3A_53 = tpu.memref_squeeze %dma_start3A_52 : memref<1x128x128xf32, #tpu.memory_space<hbm>> -> memref<128x128xf32, #tpu.memory_space<hbm>>
      tpu.enqueue_dma source(%arg10 : memref<128x128xf32, #tpu.memory_space<vmem>>) target(%dma_start3A_53 : memref<128x128xf32, #tpu.memory_space<hbm>>) target_semaphore(%run_scoped3A : memref<!tpu.dma_semaphore, #tpu.memory_space<semaphore_mem>>)
      %dma_wait3A = arith.constant 0 : i32
      %dma_wait3A_54 = tpu.memref_slice %arg6[%arg0, %add3A_32, %dma_wait3A] : memref<2x10240x128xf32, #tpu.memory_space<hbm>> -> memref<1x128x128xf32, #tpu.memory_space<hbm>>
      %dma_wait3A_55 = tpu.memref_squeeze %dma_wait3A_54 : memref<1x128x128xf32, #tpu.memory_space<hbm>> -> memref<128x128xf32, #tpu.memory_space<hbm>>
      %dma_wait3A_56 = arith.constant 0 : i32
      %dma_wait3A_57 = tpu.memref_slice %arg6[%arg0, %add3A_32, %dma_wait3A_56] : memref<2x10240x128xf32, #tpu.memory_space<hbm>> -> memref<1x128x128xf32, #tpu.memory_space<hbm>>
      %dma_wait3A_58 = tpu.memref_squeeze %dma_wait3A_57 : memref<1x128x128xf32, #tpu.memory_space<hbm>> -> memref<128x128xf32, #tpu.memory_space<hbm>>
      tpu.wait_dma2 semaphore(%run_scoped3A : memref<!tpu.dma_semaphore, #tpu.memory_space<semaphore_mem>>) src(%arg10 : memref<128x128xf32, #tpu.memory_space<vmem>>) dst(%dma_wait3A_58 : memref<128x128xf32, #tpu.memory_space<hbm>>)
      tpu.yield
    }) : () -> ()
    %mul3A_33 = arith.constant 640 : i32
    %mul3A_34 = arith.muli %arg1, %mul3A_33 : i32
    %add3A_35 = arith.constant 128 : i32
    %add3A_36 = arith.addi %mul3A_34, %add3A_35 : i32
    "tpu.region"() ({
      %run_scoped3A = tpu.sem_alloc : memref<!tpu.dma_semaphore, #tpu.memory_space<semaphore_mem>>
      %dma_start3A = arith.constant 0 : i32
      %dma_start3A_49 = tpu.memref_slice %arg11[%add3A_36, %dma_start3A] : memref<10240x128xf32, #tpu.memory_space<vmem_shared>> -> memref<128x128xf32, #tpu.memory_space<vmem_shared>>
      %dma_start3A_50 = arith.constant 0 : i32
      %dma_start3A_51 = tpu.memref_slice %arg11[%add3A_36, %dma_start3A_50] : memref<10240x128xf32, #tpu.memory_space<vmem_shared>> -> memref<128x128xf32, #tpu.memory_space<vmem_shared>>
      tpu.enqueue_dma source(%dma_start3A_51 : memref<128x128xf32, #tpu.memory_space<vmem_shared>>) target(%arg10 : memref<128x128xf32, #tpu.memory_space<vmem>>) target_semaphore(%run_scoped3A : memref<!tpu.dma_semaphore, #tpu.memory_space<semaphore_mem>>)
      %dma_wait3A = arith.constant 0 : i32
      %dma_wait3A_52 = tpu.memref_slice %arg11[%add3A_36, %dma_wait3A] : memref<10240x128xf32, #tpu.memory_space<vmem_shared>> -> memref<128x128xf32, #tpu.memory_space<vmem_shared>>
      %dma_wait3A_53 = arith.constant 0 : i32
      %dma_wait3A_54 = tpu.memref_slice %arg11[%add3A_36, %dma_wait3A_53] : memref<10240x128xf32, #tpu.memory_space<vmem_shared>> -> memref<128x128xf32, #tpu.memory_space<vmem_shared>>
      tpu.wait_dma2 semaphore(%run_scoped3A : memref<!tpu.dma_semaphore, #tpu.memory_space<semaphore_mem>>) src(%dma_wait3A_54 : memref<128x128xf32, #tpu.memory_space<vmem_shared>>) dst(%arg10 : memref<128x128xf32, #tpu.memory_space<vmem>>)
      tpu.yield
    }) : () -> ()
    "tpu.region"() ({
      %run_scoped3A = tpu.sem_alloc : memref<!tpu.dma_semaphore, #tpu.memory_space<semaphore_mem>>
      %dma_start3A = arith.constant 0 : i32
      %dma_start3A_49 = tpu.memref_slice %arg6[%arg0, %add3A_36, %dma_start3A] : memref<2x10240x128xf32, #tpu.memory_space<hbm>> -> memref<1x128x128xf32, #tpu.memory_space<hbm>>
      %dma_start3A_50 = tpu.memref_squeeze %dma_start3A_49 : memref<1x128x128xf32, #tpu.memory_space<hbm>> -> memref<128x128xf32, #tpu.memory_space<hbm>>
      %dma_start3A_51 = arith.constant 0 : i32
      %dma_start3A_52 = tpu.memref_slice %arg6[%arg0, %add3A_36, %dma_start3A_51] : memref<2x10240x128xf32, #tpu.memory_space<hbm>> -> memref<1x128x128xf32, #tpu.memory_space<hbm>>
      %dma_start3A_53 = tpu.memref_squeeze %dma_start3A_52 : memref<1x128x128xf32, #tpu.memory_space<hbm>> -> memref<128x128xf32, #tpu.memory_space<hbm>>
      tpu.enqueue_dma source(%arg10 : memref<128x128xf32, #tpu.memory_space<vmem>>) target(%dma_start3A_53 : memref<128x128xf32, #tpu.memory_space<hbm>>) target_semaphore(%run_scoped3A : memref<!tpu.dma_semaphore, #tpu.memory_space<semaphore_mem>>)
      %dma_wait3A = arith.constant 0 : i32
      %dma_wait3A_54 = tpu.memref_slice %arg6[%arg0, %add3A_36, %dma_wait3A] : memref<2x10240x128xf32, #tpu.memory_space<hbm>> -> memref<1x128x128xf32, #tpu.memory_space<hbm>>
      %dma_wait3A_55 = tpu.memref_squeeze %dma_wait3A_54 : memref<1x128x128xf32, #tpu.memory_space<hbm>> -> memref<128x128xf32, #tpu.memory_space<hbm>>
      %dma_wait3A_56 = arith.constant 0 : i32
      %dma_wait3A_57 = tpu.memref_slice %arg6[%arg0, %add3A_36, %dma_wait3A_56] : memref<2x10240x128xf32, #tpu.memory_space<hbm>> -> memref<1x128x128xf32, #tpu.memory_space<hbm>>
      %dma_wait3A_58 = tpu.memref_squeeze %dma_wait3A_57 : memref<1x128x128xf32, #tpu.memory_space<hbm>> -> memref<128x128xf32, #tpu.memory_space<hbm>>
      tpu.wait_dma2 semaphore(%run_scoped3A : memref<!tpu.dma_semaphore, #tpu.memory_space<semaphore_mem>>) src(%arg10 : memref<128x128xf32, #tpu.memory_space<vmem>>) dst(%dma_wait3A_58 : memref<128x128xf32, #tpu.memory_space<hbm>>)
      tpu.yield
    }) : () -> ()
    %mul3A_37 = arith.constant 640 : i32
    %mul3A_38 = arith.muli %arg1, %mul3A_37 : i32
    %add3A_39 = arith.constant 256 : i32
    %add3A_40 = arith.addi %mul3A_38, %add3A_39 : i32
    "tpu.region"() ({
      %run_scoped3A = tpu.sem_alloc : memref<!tpu.dma_semaphore, #tpu.memory_space<semaphore_mem>>
      %dma_start3A = arith.constant 0 : i32
      %dma_start3A_49 = tpu.memref_slice %arg11[%add3A_40, %dma_start3A] : memref<10240x128xf32, #tpu.memory_space<vmem_shared>> -> memref<128x128xf32, #tpu.memory_space<vmem_shared>>
      %dma_start3A_50 = arith.constant 0 : i32
      %dma_start3A_51 = tpu.memref_slice %arg11[%add3A_40, %dma_start3A_50] : memref<10240x128xf32, #tpu.memory_space<vmem_shared>> -> memref<128x128xf32, #tpu.memory_space<vmem_shared>>
      tpu.enqueue_dma source(%dma_start3A_51 : memref<128x128xf32, #tpu.memory_space<vmem_shared>>) target(%arg10 : memref<128x128xf32, #tpu.memory_space<vmem>>) target_semaphore(%run_scoped3A : memref<!tpu.dma_semaphore, #tpu.memory_space<semaphore_mem>>)
      %dma_wait3A = arith.constant 0 : i32
      %dma_wait3A_52 = tpu.memref_slice %arg11[%add3A_40, %dma_wait3A] : memref<10240x128xf32, #tpu.memory_space<vmem_shared>> -> memref<128x128xf32, #tpu.memory_space<vmem_shared>>
      %dma_wait3A_53 = arith.constant 0 : i32
      %dma_wait3A_54 = tpu.memref_slice %arg11[%add3A_40, %dma_wait3A_53] : memref<10240x128xf32, #tpu.memory_space<vmem_shared>> -> memref<128x128xf32, #tpu.memory_space<vmem_shared>>
      tpu.wait_dma2 semaphore(%run_scoped3A : memref<!tpu.dma_semaphore, #tpu.memory_space<semaphore_mem>>) src(%dma_wait3A_54 : memref<128x128xf32, #tpu.memory_space<vmem_shared>>) dst(%arg10 : memref<128x128xf32, #tpu.memory_space<vmem>>)
      tpu.yield
    }) : () -> ()
    "tpu.region"() ({
      %run_scoped3A = tpu.sem_alloc : memref<!tpu.dma_semaphore, #tpu.memory_space<semaphore_mem>>
      %dma_start3A = arith.constant 0 : i32
      %dma_start3A_49 = tpu.memref_slice %arg6[%arg0, %add3A_40, %dma_start3A] : memref<2x10240x128xf32, #tpu.memory_space<hbm>> -> memref<1x128x128xf32, #tpu.memory_space<hbm>>
      %dma_start3A_50 = tpu.memref_squeeze %dma_start3A_49 : memref<1x128x128xf32, #tpu.memory_space<hbm>> -> memref<128x128xf32, #tpu.memory_space<hbm>>
      %dma_start3A_51 = arith.constant 0 : i32
      %dma_start3A_52 = tpu.memref_slice %arg6[%arg0, %add3A_40, %dma_start3A_51] : memref<2x10240x128xf32, #tpu.memory_space<hbm>> -> memref<1x128x128xf32, #tpu.memory_space<hbm>>
      %dma_start3A_53 = tpu.memref_squeeze %dma_start3A_52 : memref<1x128x128xf32, #tpu.memory_space<hbm>> -> memref<128x128xf32, #tpu.memory_space<hbm>>
      tpu.enqueue_dma source(%arg10 : memref<128x128xf32, #tpu.memory_space<vmem>>) target(%dma_start3A_53 : memref<128x128xf32, #tpu.memory_space<hbm>>) target_semaphore(%run_scoped3A : memref<!tpu.dma_semaphore, #tpu.memory_space<semaphore_mem>>)
      %dma_wait3A = arith.constant 0 : i32
      %dma_wait3A_54 = tpu.memref_slice %arg6[%arg0, %add3A_40, %dma_wait3A] : memref<2x10240x128xf32, #tpu.memory_space<hbm>> -> memref<1x128x128xf32, #tpu.memory_space<hbm>>
      %dma_wait3A_55 = tpu.memref_squeeze %dma_wait3A_54 : memref<1x128x128xf32, #tpu.memory_space<hbm>> -> memref<128x128xf32, #tpu.memory_space<hbm>>
      %dma_wait3A_56 = arith.constant 0 : i32
      %dma_wait3A_57 = tpu.memref_slice %arg6[%arg0, %add3A_40, %dma_wait3A_56] : memref<2x10240x128xf32, #tpu.memory_space<hbm>> -> memref<1x128x128xf32, #tpu.memory_space<hbm>>
      %dma_wait3A_58 = tpu.memref_squeeze %dma_wait3A_57 : memref<1x128x128xf32, #tpu.memory_space<hbm>> -> memref<128x128xf32, #tpu.memory_space<hbm>>
      tpu.wait_dma2 semaphore(%run_scoped3A : memref<!tpu.dma_semaphore, #tpu.memory_space<semaphore_mem>>) src(%arg10 : memref<128x128xf32, #tpu.memory_space<vmem>>) dst(%dma_wait3A_58 : memref<128x128xf32, #tpu.memory_space<hbm>>)
      tpu.yield
    }) : () -> ()
    %mul3A_41 = arith.constant 640 : i32
    %mul3A_42 = arith.muli %arg1, %mul3A_41 : i32
    %add3A_43 = arith.constant 384 : i32
    %add3A_44 = arith.addi %mul3A_42, %add3A_43 : i32
    "tpu.region"() ({
      %run_scoped3A = tpu.sem_alloc : memref<!tpu.dma_semaphore, #tpu.memory_space<semaphore_mem>>
      %dma_start3A = arith.constant 0 : i32
      %dma_start3A_49 = tpu.memref_slice %arg11[%add3A_44, %dma_start3A] : memref<10240x128xf32, #tpu.memory_space<vmem_shared>> -> memref<128x128xf32, #tpu.memory_space<vmem_shared>>
      %dma_start3A_50 = arith.constant 0 : i32
      %dma_start3A_51 = tpu.memref_slice %arg11[%add3A_44, %dma_start3A_50] : memref<10240x128xf32, #tpu.memory_space<vmem_shared>> -> memref<128x128xf32, #tpu.memory_space<vmem_shared>>
      tpu.enqueue_dma source(%dma_start3A_51 : memref<128x128xf32, #tpu.memory_space<vmem_shared>>) target(%arg10 : memref<128x128xf32, #tpu.memory_space<vmem>>) target_semaphore(%run_scoped3A : memref<!tpu.dma_semaphore, #tpu.memory_space<semaphore_mem>>)
      %dma_wait3A = arith.constant 0 : i32
      %dma_wait3A_52 = tpu.memref_slice %arg11[%add3A_44, %dma_wait3A] : memref<10240x128xf32, #tpu.memory_space<vmem_shared>> -> memref<128x128xf32, #tpu.memory_space<vmem_shared>>
      %dma_wait3A_53 = arith.constant 0 : i32
      %dma_wait3A_54 = tpu.memref_slice %arg11[%add3A_44, %dma_wait3A_53] : memref<10240x128xf32, #tpu.memory_space<vmem_shared>> -> memref<128x128xf32, #tpu.memory_space<vmem_shared>>
      tpu.wait_dma2 semaphore(%run_scoped3A : memref<!tpu.dma_semaphore, #tpu.memory_space<semaphore_mem>>) src(%dma_wait3A_54 : memref<128x128xf32, #tpu.memory_space<vmem_shared>>) dst(%arg10 : memref<128x128xf32, #tpu.memory_space<vmem>>)
      tpu.yield
    }) : () -> ()
    "tpu.region"() ({
      %run_scoped3A = tpu.sem_alloc : memref<!tpu.dma_semaphore, #tpu.memory_space<semaphore_mem>>
      %dma_start3A = arith.constant 0 : i32
      %dma_start3A_49 = tpu.memref_slice %arg6[%arg0, %add3A_44, %dma_start3A] : memref<2x10240x128xf32, #tpu.memory_space<hbm>> -> memref<1x128x128xf32, #tpu.memory_space<hbm>>
      %dma_start3A_50 = tpu.memref_squeeze %dma_start3A_49 : memref<1x128x128xf32, #tpu.memory_space<hbm>> -> memref<128x128xf32, #tpu.memory_space<hbm>>
      %dma_start3A_51 = arith.constant 0 : i32
      %dma_start3A_52 = tpu.memref_slice %arg6[%arg0, %add3A_44, %dma_start3A_51] : memref<2x10240x128xf32, #tpu.memory_space<hbm>> -> memref<1x128x128xf32, #tpu.memory_space<hbm>>
      %dma_start3A_53 = tpu.memref_squeeze %dma_start3A_52 : memref<1x128x128xf32, #tpu.memory_space<hbm>> -> memref<128x128xf32, #tpu.memory_space<hbm>>
      tpu.enqueue_dma source(%arg10 : memref<128x128xf32, #tpu.memory_space<vmem>>) target(%dma_start3A_53 : memref<128x128xf32, #tpu.memory_space<hbm>>) target_semaphore(%run_scoped3A : memref<!tpu.dma_semaphore, #tpu.memory_space<semaphore_mem>>)
      %dma_wait3A = arith.constant 0 : i32
      %dma_wait3A_54 = tpu.memref_slice %arg6[%arg0, %add3A_44, %dma_wait3A] : memref<2x10240x128xf32, #tpu.memory_space<hbm>> -> memref<1x128x128xf32, #tpu.memory_space<hbm>>
      %dma_wait3A_55 = tpu.memref_squeeze %dma_wait3A_54 : memref<1x128x128xf32, #tpu.memory_space<hbm>> -> memref<128x128xf32, #tpu.memory_space<hbm>>
      %dma_wait3A_56 = arith.constant 0 : i32
      %dma_wait3A_57 = tpu.memref_slice %arg6[%arg0, %add3A_44, %dma_wait3A_56] : memref<2x10240x128xf32, #tpu.memory_space<hbm>> -> memref<1x128x128xf32, #tpu.memory_space<hbm>>
      %dma_wait3A_58 = tpu.memref_squeeze %dma_wait3A_57 : memref<1x128x128xf32, #tpu.memory_space<hbm>> -> memref<128x128xf32, #tpu.memory_space<hbm>>
      tpu.wait_dma2 semaphore(%run_scoped3A : memref<!tpu.dma_semaphore, #tpu.memory_space<semaphore_mem>>) src(%arg10 : memref<128x128xf32, #tpu.memory_space<vmem>>) dst(%dma_wait3A_58 : memref<128x128xf32, #tpu.memory_space<hbm>>)
      tpu.yield
    }) : () -> ()
    %mul3A_45 = arith.constant 640 : i32
    %mul3A_46 = arith.muli %arg1, %mul3A_45 : i32
    %add3A_47 = arith.constant 512 : i32
    %add3A_48 = arith.addi %mul3A_46, %add3A_47 : i32
    "tpu.region"() ({
      %run_scoped3A = tpu.sem_alloc : memref<!tpu.dma_semaphore, #tpu.memory_space<semaphore_mem>>
      %dma_start3A = arith.constant 0 : i32
      %dma_start3A_49 = tpu.memref_slice %arg11[%add3A_48, %dma_start3A] : memref<10240x128xf32, #tpu.memory_space<vmem_shared>> -> memref<128x128xf32, #tpu.memory_space<vmem_shared>>
      %dma_start3A_50 = arith.constant 0 : i32
      %dma_start3A_51 = tpu.memref_slice %arg11[%add3A_48, %dma_start3A_50] : memref<10240x128xf32, #tpu.memory_space<vmem_shared>> -> memref<128x128xf32, #tpu.memory_space<vmem_shared>>
      tpu.enqueue_dma source(%dma_start3A_51 : memref<128x128xf32, #tpu.memory_space<vmem_shared>>) target(%arg10 : memref<128x128xf32, #tpu.memory_space<vmem>>) target_semaphore(%run_scoped3A : memref<!tpu.dma_semaphore, #tpu.memory_space<semaphore_mem>>)
      %dma_wait3A = arith.constant 0 : i32
      %dma_wait3A_52 = tpu.memref_slice %arg11[%add3A_48, %dma_wait3A] : memref<10240x128xf32, #tpu.memory_space<vmem_shared>> -> memref<128x128xf32, #tpu.memory_space<vmem_shared>>
      %dma_wait3A_53 = arith.constant 0 : i32
      %dma_wait3A_54 = tpu.memref_slice %arg11[%add3A_48, %dma_wait3A_53] : memref<10240x128xf32, #tpu.memory_space<vmem_shared>> -> memref<128x128xf32, #tpu.memory_space<vmem_shared>>
      tpu.wait_dma2 semaphore(%run_scoped3A : memref<!tpu.dma_semaphore, #tpu.memory_space<semaphore_mem>>) src(%dma_wait3A_54 : memref<128x128xf32, #tpu.memory_space<vmem_shared>>) dst(%arg10 : memref<128x128xf32, #tpu.memory_space<vmem>>)
      tpu.yield
    }) : () -> ()
    "tpu.region"() ({
      %run_scoped3A = tpu.sem_alloc : memref<!tpu.dma_semaphore, #tpu.memory_space<semaphore_mem>>
      %dma_start3A = arith.constant 0 : i32
      %dma_start3A_49 = tpu.memref_slice %arg6[%arg0, %add3A_48, %dma_start3A] : memref<2x10240x128xf32, #tpu.memory_space<hbm>> -> memref<1x128x128xf32, #tpu.memory_space<hbm>>
      %dma_start3A_50 = tpu.memref_squeeze %dma_start3A_49 : memref<1x128x128xf32, #tpu.memory_space<hbm>> -> memref<128x128xf32, #tpu.memory_space<hbm>>
      %dma_start3A_51 = arith.constant 0 : i32
      %dma_start3A_52 = tpu.memref_slice %arg6[%arg0, %add3A_48, %dma_start3A_51] : memref<2x10240x128xf32, #tpu.memory_space<hbm>> -> memref<1x128x128xf32, #tpu.memory_space<hbm>>
      %dma_start3A_53 = tpu.memref_squeeze %dma_start3A_52 : memref<1x128x128xf32, #tpu.memory_space<hbm>> -> memref<128x128xf32, #tpu.memory_space<hbm>>
      tpu.enqueue_dma source(%arg10 : memref<128x128xf32, #tpu.memory_space<vmem>>) target(%dma_start3A_53 : memref<128x128xf32, #tpu.memory_space<hbm>>) target_semaphore(%run_scoped3A : memref<!tpu.dma_semaphore, #tpu.memory_space<semaphore_mem>>)
      %dma_wait3A = arith.constant 0 : i32
      %dma_wait3A_54 = tpu.memref_slice %arg6[%arg0, %add3A_48, %dma_wait3A] : memref<2x10240x128xf32, #tpu.memory_space<hbm>> -> memref<1x128x128xf32, #tpu.memory_space<hbm>>
      %dma_wait3A_55 = tpu.memref_squeeze %dma_wait3A_54 : memref<1x128x128xf32, #tpu.memory_space<hbm>> -> memref<128x128xf32, #tpu.memory_space<hbm>>
      %dma_wait3A_56 = arith.constant 0 : i32
      %dma_wait3A_57 = tpu.memref_slice %arg6[%arg0, %add3A_48, %dma_wait3A_56] : memref<2x10240x128xf32, #tpu.memory_space<hbm>> -> memref<1x128x128xf32, #tpu.memory_space<hbm>>
      %dma_wait3A_58 = tpu.memref_squeeze %dma_wait3A_57 : memref<1x128x128xf32, #tpu.memory_space<hbm>> -> memref<128x128xf32, #tpu.memory_space<hbm>>
      tpu.wait_dma2 semaphore(%run_scoped3A : memref<!tpu.dma_semaphore, #tpu.memory_space<semaphore_mem>>) src(%arg10 : memref<128x128xf32, #tpu.memory_space<vmem>>) dst(%dma_wait3A_58 : memref<128x128xf32, #tpu.memory_space<hbm>>)
      tpu.yield
    }) : () -> ()
    return
  }
}

#map = affine_map<(d0, d1) -> (0, 0)>
#map1 = affine_map<(d0, d1) -> (0)>
#map2 = affine_map<(d0, d1) -> (0, 0, 0)>
module attributes {stable_mosaic.version = 14 : i64} {
  func.func @agg_call(%arg0: i32, %arg1: i32, %arg2: memref<10240x128xf32, #tpu.memory_space<hbm>>, %arg3: memref<331776xi32, #tpu.memory_space<hbm>>, %arg4: memref<331776xi32, #tpu.memory_space<hbm>>, %arg5: memref<128x128xf32, #tpu.memory_space<hbm>>, %arg6: memref<2x10240x128xf32, #tpu.memory_space<hbm>>, %arg7: memref<128xi32, #tpu.memory_space<vmem>>, %arg8: memref<128xi32, #tpu.memory_space<vmem>>, %arg9: memref<128x128xf32, #tpu.memory_space<vmem>>, %arg10: memref<128x128xf32, #tpu.memory_space<vmem>>, %arg11: memref<10240x128xf32, #tpu.memory_space<vmem_shared>>, %arg12: memref<!tpu.dma_semaphore, #tpu.memory_space<semaphore_mem>>) attributes {dimension_semantics = [#tpu.dimension_semantics<core_parallel>, #tpu.dimension_semantics<subcore_parallel>], iteration_bounds = array<i64: 2, 16>, scalar_prefetch = 0 : i64, scratch_operands = 6 : i64, tpu.core_type = #tpu.core_type<sc_vector_subcore>, window_params = [{transform_indices = #map}, {transform_indices = #map1}, {transform_indices = #map1}, {transform_indices = #map}, {transform_indices = #map2}]} {
    %mul3A = arith.constant 2 : i32
    %mul3A_0 = arith.muli %arg1, %mul3A : i32
    %add3A = arith.addi %mul3A_0, %arg0 : i32
    "tpu.region"() ({
      %run_scoped3A = tpu.sem_alloc : memref<!tpu.dma_semaphore, #tpu.memory_space<semaphore_mem>>
      tpu.enqueue_dma source(%arg5 : memref<128x128xf32, #tpu.memory_space<hbm>>) target(%arg10 : memref<128x128xf32, #tpu.memory_space<vmem>>) target_semaphore(%run_scoped3A : memref<!tpu.dma_semaphore, #tpu.memory_space<semaphore_mem>>)
      tpu.wait_dma2 semaphore(%run_scoped3A : memref<!tpu.dma_semaphore, #tpu.memory_space<semaphore_mem>>) src(%arg5 : memref<128x128xf32, #tpu.memory_space<hbm>>) dst(%arg10 : memref<128x128xf32, #tpu.memory_space<vmem>>)
      tpu.yield
    }) : () -> ()
    %mul3A_1 = arith.constant 640 : i32
    %mul3A_2 = arith.muli %arg1, %mul3A_1 : i32
    %add3A_3 = arith.constant 0 : i32
    %add3A_4 = arith.addi %mul3A_2, %add3A_3 : i32
    "tpu.region"() ({
      %run_scoped3A = tpu.sem_alloc : memref<!tpu.dma_semaphore, #tpu.memory_space<semaphore_mem>>
      %dma_start3A = arith.constant 0 : i32
      %dma_start3A_49 = tpu.memref_slice %arg11[%add3A_4, %dma_start3A] : memref<10240x128xf32, #tpu.memory_space<vmem_shared>> -> memref<128x128xf32, #tpu.memory_space<vmem_shared>>
      %dma_start3A_50 = arith.constant 0 : i32
      %dma_start3A_51 = tpu.memref_slice %arg11[%add3A_4, %dma_start3A_50] : memref<10240x128xf32, #tpu.memory_space<vmem_shared>> -> memref<128x128xf32, #tpu.memory_space<vmem_shared>>
      tpu.enqueue_dma source(%arg10 : memref<128x128xf32, #tpu.memory_space<vmem>>) target(%dma_start3A_51 : memref<128x128xf32, #tpu.memory_space<vmem_shared>>) target_semaphore(%run_scoped3A : memref<!tpu.dma_semaphore, #tpu.memory_space<semaphore_mem>>)
      %dma_wait3A = arith.constant 0 : i32
      %dma_wait3A_52 = tpu.memref_slice %arg11[%add3A_4, %dma_wait3A] : memref<10240x128xf32, #tpu.memory_space<vmem_shared>> -> memref<128x128xf32, #tpu.memory_space<vmem_shared>>
      %dma_wait3A_53 = arith.constant 0 : i32
      %dma_wait3A_54 = tpu.memref_slice %arg11[%add3A_4, %dma_wait3A_53] : memref<10240x128xf32, #tpu.memory_space<vmem_shared>> -> memref<128x128xf32, #tpu.memory_space<vmem_shared>>
      tpu.wait_dma2 semaphore(%run_scoped3A : memref<!tpu.dma_semaphore, #tpu.memory_space<semaphore_mem>>) src(%arg10 : memref<128x128xf32, #tpu.memory_space<vmem>>) dst(%dma_wait3A_54 : memref<128x128xf32, #tpu.memory_space<vmem_shared>>)
      tpu.yield
    }) : () -> ()
    %mul3A_5 = arith.constant 640 : i32
    %mul3A_6 = arith.muli %arg1, %mul3A_5 : i32
    %add3A_7 = arith.constant 128 : i32
    %add3A_8 = arith.addi %mul3A_6, %add3A_7 : i32
    "tpu.region"() ({
      %run_scoped3A = tpu.sem_alloc : memref<!tpu.dma_semaphore, #tpu.memory_space<semaphore_mem>>
      %dma_start3A = arith.constant 0 : i32
      %dma_start3A_49 = tpu.memref_slice %arg11[%add3A_8, %dma_start3A] : memref<10240x128xf32, #tpu.memory_space<vmem_shared>> -> memref<128x128xf32, #tpu.memory_space<vmem_shared>>
      %dma_start3A_50 = arith.constant 0 : i32
      %dma_start3A_51 = tpu.memref_slice %arg11[%add3A_8, %dma_start3A_50] : memref<10240x128xf32, #tpu.memory_space<vmem_shared>> -> memref<128x128xf32, #tpu.memory_space<vmem_shared>>
      tpu.enqueue_dma source(%arg10 : memref<128x128xf32, #tpu.memory_space<vmem>>) target(%dma_start3A_51 : memref<128x128xf32, #tpu.memory_space<vmem_shared>>) target_semaphore(%run_scoped3A : memref<!tpu.dma_semaphore, #tpu.memory_space<semaphore_mem>>)
      %dma_wait3A = arith.constant 0 : i32
      %dma_wait3A_52 = tpu.memref_slice %arg11[%add3A_8, %dma_wait3A] : memref<10240x128xf32, #tpu.memory_space<vmem_shared>> -> memref<128x128xf32, #tpu.memory_space<vmem_shared>>
      %dma_wait3A_53 = arith.constant 0 : i32
      %dma_wait3A_54 = tpu.memref_slice %arg11[%add3A_8, %dma_wait3A_53] : memref<10240x128xf32, #tpu.memory_space<vmem_shared>> -> memref<128x128xf32, #tpu.memory_space<vmem_shared>>
      tpu.wait_dma2 semaphore(%run_scoped3A : memref<!tpu.dma_semaphore, #tpu.memory_space<semaphore_mem>>) src(%arg10 : memref<128x128xf32, #tpu.memory_space<vmem>>) dst(%dma_wait3A_54 : memref<128x128xf32, #tpu.memory_space<vmem_shared>>)
      tpu.yield
    }) : () -> ()
    %mul3A_9 = arith.constant 640 : i32
    %mul3A_10 = arith.muli %arg1, %mul3A_9 : i32
    %add3A_11 = arith.constant 256 : i32
    %add3A_12 = arith.addi %mul3A_10, %add3A_11 : i32
    "tpu.region"() ({
      %run_scoped3A = tpu.sem_alloc : memref<!tpu.dma_semaphore, #tpu.memory_space<semaphore_mem>>
      %dma_start3A = arith.constant 0 : i32
      %dma_start3A_49 = tpu.memref_slice %arg11[%add3A_12, %dma_start3A] : memref<10240x128xf32, #tpu.memory_space<vmem_shared>> -> memref<128x128xf32, #tpu.memory_space<vmem_shared>>
      %dma_start3A_50 = arith.constant 0 : i32
      %dma_start3A_51 = tpu.memref_slice %arg11[%add3A_12, %dma_start3A_50] : memref<10240x128xf32, #tpu.memory_space<vmem_shared>> -> memref<128x128xf32, #tpu.memory_space<vmem_shared>>
      tpu.enqueue_dma source(%arg10 : memref<128x128xf32, #tpu.memory_space<vmem>>) target(%dma_start3A_51 : memref<128x128xf32, #tpu.memory_space<vmem_shared>>) target_semaphore(%run_scoped3A : memref<!tpu.dma_semaphore, #tpu.memory_space<semaphore_mem>>)
      %dma_wait3A = arith.constant 0 : i32
      %dma_wait3A_52 = tpu.memref_slice %arg11[%add3A_12, %dma_wait3A] : memref<10240x128xf32, #tpu.memory_space<vmem_shared>> -> memref<128x128xf32, #tpu.memory_space<vmem_shared>>
      %dma_wait3A_53 = arith.constant 0 : i32
      %dma_wait3A_54 = tpu.memref_slice %arg11[%add3A_12, %dma_wait3A_53] : memref<10240x128xf32, #tpu.memory_space<vmem_shared>> -> memref<128x128xf32, #tpu.memory_space<vmem_shared>>
      tpu.wait_dma2 semaphore(%run_scoped3A : memref<!tpu.dma_semaphore, #tpu.memory_space<semaphore_mem>>) src(%arg10 : memref<128x128xf32, #tpu.memory_space<vmem>>) dst(%dma_wait3A_54 : memref<128x128xf32, #tpu.memory_space<vmem_shared>>)
      tpu.yield
    }) : () -> ()
    %mul3A_13 = arith.constant 640 : i32
    %mul3A_14 = arith.muli %arg1, %mul3A_13 : i32
    %add3A_15 = arith.constant 384 : i32
    %add3A_16 = arith.addi %mul3A_14, %add3A_15 : i32
    "tpu.region"() ({
      %run_scoped3A = tpu.sem_alloc : memref<!tpu.dma_semaphore, #tpu.memory_space<semaphore_mem>>
      %dma_start3A = arith.constant 0 : i32
      %dma_start3A_49 = tpu.memref_slice %arg11[%add3A_16, %dma_start3A] : memref<10240x128xf32, #tpu.memory_space<vmem_shared>> -> memref<128x128xf32, #tpu.memory_space<vmem_shared>>
      %dma_start3A_50 = arith.constant 0 : i32
      %dma_start3A_51 = tpu.memref_slice %arg11[%add3A_16, %dma_start3A_50] : memref<10240x128xf32, #tpu.memory_space<vmem_shared>> -> memref<128x128xf32, #tpu.memory_space<vmem_shared>>
      tpu.enqueue_dma source(%arg10 : memref<128x128xf32, #tpu.memory_space<vmem>>) target(%dma_start3A_51 : memref<128x128xf32, #tpu.memory_space<vmem_shared>>) target_semaphore(%run_scoped3A : memref<!tpu.dma_semaphore, #tpu.memory_space<semaphore_mem>>)
      %dma_wait3A = arith.constant 0 : i32
      %dma_wait3A_52 = tpu.memref_slice %arg11[%add3A_16, %dma_wait3A] : memref<10240x128xf32, #tpu.memory_space<vmem_shared>> -> memref<128x128xf32, #tpu.memory_space<vmem_shared>>
      %dma_wait3A_53 = arith.constant 0 : i32
      %dma_wait3A_54 = tpu.memref_slice %arg11[%add3A_16, %dma_wait3A_53] : memref<10240x128xf32, #tpu.memory_space<vmem_shared>> -> memref<128x128xf32, #tpu.memory_space<vmem_shared>>
      tpu.wait_dma2 semaphore(%run_scoped3A : memref<!tpu.dma_semaphore, #tpu.memory_space<semaphore_mem>>) src(%arg10 : memref<128x128xf32, #tpu.memory_space<vmem>>) dst(%dma_wait3A_54 : memref<128x128xf32, #tpu.memory_space<vmem_shared>>)
      tpu.yield
    }) : () -> ()
    %mul3A_17 = arith.constant 640 : i32
    %mul3A_18 = arith.muli %arg1, %mul3A_17 : i32
    %add3A_19 = arith.constant 512 : i32
    %add3A_20 = arith.addi %mul3A_18, %add3A_19 : i32
    "tpu.region"() ({
      %run_scoped3A = tpu.sem_alloc : memref<!tpu.dma_semaphore, #tpu.memory_space<semaphore_mem>>
      %dma_start3A = arith.constant 0 : i32
      %dma_start3A_49 = tpu.memref_slice %arg11[%add3A_20, %dma_start3A] : memref<10240x128xf32, #tpu.memory_space<vmem_shared>> -> memref<128x128xf32, #tpu.memory_space<vmem_shared>>
      %dma_start3A_50 = arith.constant 0 : i32
      %dma_start3A_51 = tpu.memref_slice %arg11[%add3A_20, %dma_start3A_50] : memref<10240x128xf32, #tpu.memory_space<vmem_shared>> -> memref<128x128xf32, #tpu.memory_space<vmem_shared>>
      tpu.enqueue_dma source(%arg10 : memref<128x128xf32, #tpu.memory_space<vmem>>) target(%dma_start3A_51 : memref<128x128xf32, #tpu.memory_space<vmem_shared>>) target_semaphore(%run_scoped3A : memref<!tpu.dma_semaphore, #tpu.memory_space<semaphore_mem>>)
      %dma_wait3A = arith.constant 0 : i32
      %dma_wait3A_52 = tpu.memref_slice %arg11[%add3A_20, %dma_wait3A] : memref<10240x128xf32, #tpu.memory_space<vmem_shared>> -> memref<128x128xf32, #tpu.memory_space<vmem_shared>>
      %dma_wait3A_53 = arith.constant 0 : i32
      %dma_wait3A_54 = tpu.memref_slice %arg11[%add3A_20, %dma_wait3A_53] : memref<10240x128xf32, #tpu.memory_space<vmem_shared>> -> memref<128x128xf32, #tpu.memory_space<vmem_shared>>
      tpu.wait_dma2 semaphore(%run_scoped3A : memref<!tpu.dma_semaphore, #tpu.memory_space<semaphore_mem>>) src(%arg10 : memref<128x128xf32, #tpu.memory_space<vmem>>) dst(%dma_wait3A_54 : memref<128x128xf32, #tpu.memory_space<vmem_shared>>)
      tpu.yield
    }) : () -> ()
    %barrier3A = arith.constant 0 : index
    tpu.barrier barrier_id(%barrier3A)
    %mul3A_21 = arith.constant 10368 : i32
    %mul3A_22 = arith.muli %add3A, %mul3A_21 : i32
    %scan3A = arith.constant 0 : i32
    %scan3A_23 = arith.constant 0 : i32
    %scan3A_24 = arith.constant 81 : i32
    %scan3A_25 = arith.addi %scan3A_23, %scan3A_24 : i32
    %scan3A_26 = arith.constant 1 : i32
    scf.for %scan3A_49 = %scan3A_23 to %scan3A_25 step %scan3A_26  : i32 {
      %mul3A_50 = arith.constant 128 : i32
      %mul3A_51 = arith.muli %scan3A_49, %mul3A_50 : i32
      %add3A_52 = arith.addi %mul3A_22, %mul3A_51 : i32
      "tpu.region"() ({
        %run_scoped3A = tpu.sem_alloc : memref<!tpu.dma_semaphore, #tpu.memory_space<semaphore_mem>>
        %dma_start3A_57 = tpu.memref_slice %arg3[%add3A_52] : memref<331776xi32, #tpu.memory_space<hbm>> -> memref<128xi32, #tpu.memory_space<hbm>>
        %dma_start3A_58 = tpu.memref_slice %arg3[%add3A_52] : memref<331776xi32, #tpu.memory_space<hbm>> -> memref<128xi32, #tpu.memory_space<hbm>>
        tpu.enqueue_dma source(%dma_start3A_58 : memref<128xi32, #tpu.memory_space<hbm>>) target(%arg7 : memref<128xi32, #tpu.memory_space<vmem>>) target_semaphore(%run_scoped3A : memref<!tpu.dma_semaphore, #tpu.memory_space<semaphore_mem>>)
        %dma_wait3A_59 = tpu.memref_slice %arg3[%add3A_52] : memref<331776xi32, #tpu.memory_space<hbm>> -> memref<128xi32, #tpu.memory_space<hbm>>
        %dma_wait3A_60 = tpu.memref_slice %arg3[%add3A_52] : memref<331776xi32, #tpu.memory_space<hbm>> -> memref<128xi32, #tpu.memory_space<hbm>>
        tpu.wait_dma2 semaphore(%run_scoped3A : memref<!tpu.dma_semaphore, #tpu.memory_space<semaphore_mem>>) src(%dma_wait3A_60 : memref<128xi32, #tpu.memory_space<hbm>>) dst(%arg7 : memref<128xi32, #tpu.memory_space<vmem>>)
        tpu.yield
      }) : () -> ()
      %dma_start3A = arith.constant 0 : i32
      %dma_start3A_53 = arith.constant 0 : i32
      %dma_start3A_54 = tpu.memref_slice %arg2[%dma_start3A, %dma_start3A_53] : memref<10240x128xf32, #tpu.memory_space<hbm>> -> memref<10240x128xf32, #tpu.memory_space<hbm>>
      tpu.enqueue_indirect_dma source(%dma_start3A_54 : memref<10240x128xf32, #tpu.memory_space<hbm>>) target(%arg9 : memref<128x128xf32, #tpu.memory_space<vmem>>) offsets(%arg7 : memref<128xi32, #tpu.memory_space<vmem>>) semaphore(%arg12 : memref<!tpu.dma_semaphore, #tpu.memory_space<semaphore_mem>>)
      %dma_wait3A = arith.constant 0 : i32
      %dma_wait3A_55 = arith.constant 0 : i32
      %dma_wait3A_56 = tpu.memref_slice %arg2[%dma_wait3A, %dma_wait3A_55] : memref<10240x128xf32, #tpu.memory_space<hbm>> -> memref<10240x128xf32, #tpu.memory_space<hbm>>
      tpu.wait_indirect_dma semaphore(%arg12 : memref<!tpu.dma_semaphore, #tpu.memory_space<semaphore_mem>>) src(%dma_wait3A_56 : memref<10240x128xf32, #tpu.memory_space<hbm>>) dst(%arg9 : memref<128x128xf32, #tpu.memory_space<vmem>>)
      "tpu.region"() ({
        %run_scoped3A = tpu.sem_alloc : memref<!tpu.dma_semaphore, #tpu.memory_space<semaphore_mem>>
        %dma_start3A_57 = tpu.memref_slice %arg4[%add3A_52] : memref<331776xi32, #tpu.memory_space<hbm>> -> memref<128xi32, #tpu.memory_space<hbm>>
        %dma_start3A_58 = tpu.memref_slice %arg4[%add3A_52] : memref<331776xi32, #tpu.memory_space<hbm>> -> memref<128xi32, #tpu.memory_space<hbm>>
        tpu.enqueue_dma source(%dma_start3A_58 : memref<128xi32, #tpu.memory_space<hbm>>) target(%arg8 : memref<128xi32, #tpu.memory_space<vmem>>) target_semaphore(%run_scoped3A : memref<!tpu.dma_semaphore, #tpu.memory_space<semaphore_mem>>)
        %dma_wait3A_59 = tpu.memref_slice %arg4[%add3A_52] : memref<331776xi32, #tpu.memory_space<hbm>> -> memref<128xi32, #tpu.memory_space<hbm>>
        %dma_wait3A_60 = tpu.memref_slice %arg4[%add3A_52] : memref<331776xi32, #tpu.memory_space<hbm>> -> memref<128xi32, #tpu.memory_space<hbm>>
        tpu.wait_dma2 semaphore(%run_scoped3A : memref<!tpu.dma_semaphore, #tpu.memory_space<semaphore_mem>>) src(%dma_wait3A_60 : memref<128xi32, #tpu.memory_space<hbm>>) dst(%arg8 : memref<128xi32, #tpu.memory_space<vmem>>)
        tpu.yield
      }) : () -> ()
      "tpu.region"() ({
        %run_scoped3A = tpu.sem_alloc : memref<!tpu.dma_semaphore, #tpu.memory_space<semaphore_mem>>
        %dma_start3A_57 = arith.constant 0 : i32
        %dma_start3A_58 = arith.constant 0 : i32
        %dma_start3A_59 = tpu.memref_slice %arg11[%dma_start3A_57, %dma_start3A_58] : memref<10240x128xf32, #tpu.memory_space<vmem_shared>> -> memref<10240x128xf32, #tpu.memory_space<vmem_shared>>
        tpu.enqueue_indirect_dma source(%arg9 : memref<128x128xf32, #tpu.memory_space<vmem>>) target(%dma_start3A_59 : memref<10240x128xf32, #tpu.memory_space<vmem_shared>>) offsets(%arg8 : memref<128xi32, #tpu.memory_space<vmem>>) semaphore(%run_scoped3A : memref<!tpu.dma_semaphore, #tpu.memory_space<semaphore_mem>>) {add = true}
        %dma_wait3A_60 = arith.constant 0 : i32
        %dma_wait3A_61 = arith.constant 0 : i32
        %dma_wait3A_62 = tpu.memref_slice %arg11[%dma_wait3A_60, %dma_wait3A_61] : memref<10240x128xf32, #tpu.memory_space<vmem_shared>> -> memref<10240x128xf32, #tpu.memory_space<vmem_shared>>
        tpu.wait_indirect_dma semaphore(%run_scoped3A : memref<!tpu.dma_semaphore, #tpu.memory_space<semaphore_mem>>) src(%arg9 : memref<128x128xf32, #tpu.memory_space<vmem>>) dst(%dma_wait3A_62 : memref<10240x128xf32, #tpu.memory_space<vmem_shared>>)
        tpu.yield
      }) : () -> ()
    }
    %scan3A_27 = arith.constant 81 : i32
    %barrier3A_28 = arith.constant 0 : index
    tpu.barrier barrier_id(%barrier3A_28)
    %mul3A_29 = arith.constant 640 : i32
    %mul3A_30 = arith.muli %arg1, %mul3A_29 : i32
    %add3A_31 = arith.constant 0 : i32
    %add3A_32 = arith.addi %mul3A_30, %add3A_31 : i32
    "tpu.region"() ({
      %run_scoped3A = tpu.sem_alloc : memref<!tpu.dma_semaphore, #tpu.memory_space<semaphore_mem>>
      %dma_start3A = arith.constant 0 : i32
      %dma_start3A_49 = tpu.memref_slice %arg11[%add3A_32, %dma_start3A] : memref<10240x128xf32, #tpu.memory_space<vmem_shared>> -> memref<128x128xf32, #tpu.memory_space<vmem_shared>>
      %dma_start3A_50 = arith.constant 0 : i32
      %dma_start3A_51 = tpu.memref_slice %arg11[%add3A_32, %dma_start3A_50] : memref<10240x128xf32, #tpu.memory_space<vmem_shared>> -> memref<128x128xf32, #tpu.memory_space<vmem_shared>>
      tpu.enqueue_dma source(%dma_start3A_51 : memref<128x128xf32, #tpu.memory_space<vmem_shared>>) target(%arg10 : memref<128x128xf32, #tpu.memory_space<vmem>>) target_semaphore(%run_scoped3A : memref<!tpu.dma_semaphore, #tpu.memory_space<semaphore_mem>>)
      %dma_wait3A = arith.constant 0 : i32
      %dma_wait3A_52 = tpu.memref_slice %arg11[%add3A_32, %dma_wait3A] : memref<10240x128xf32, #tpu.memory_space<vmem_shared>> -> memref<128x128xf32, #tpu.memory_space<vmem_shared>>
      %dma_wait3A_53 = arith.constant 0 : i32
      %dma_wait3A_54 = tpu.memref_slice %arg11[%add3A_32, %dma_wait3A_53] : memref<10240x128xf32, #tpu.memory_space<vmem_shared>> -> memref<128x128xf32, #tpu.memory_space<vmem_shared>>
      tpu.wait_dma2 semaphore(%run_scoped3A : memref<!tpu.dma_semaphore, #tpu.memory_space<semaphore_mem>>) src(%dma_wait3A_54 : memref<128x128xf32, #tpu.memory_space<vmem_shared>>) dst(%arg10 : memref<128x128xf32, #tpu.memory_space<vmem>>)
      tpu.yield
    }) : () -> ()
    "tpu.region"() ({
      %run_scoped3A = tpu.sem_alloc : memref<!tpu.dma_semaphore, #tpu.memory_space<semaphore_mem>>
      %dma_start3A = arith.constant 0 : i32
      %dma_start3A_49 = tpu.memref_slice %arg6[%arg0, %add3A_32, %dma_start3A] : memref<2x10240x128xf32, #tpu.memory_space<hbm>> -> memref<1x128x128xf32, #tpu.memory_space<hbm>>
      %dma_start3A_50 = tpu.memref_squeeze %dma_start3A_49 : memref<1x128x128xf32, #tpu.memory_space<hbm>> -> memref<128x128xf32, #tpu.memory_space<hbm>>
      %dma_start3A_51 = arith.constant 0 : i32
      %dma_start3A_52 = tpu.memref_slice %arg6[%arg0, %add3A_32, %dma_start3A_51] : memref<2x10240x128xf32, #tpu.memory_space<hbm>> -> memref<1x128x128xf32, #tpu.memory_space<hbm>>
      %dma_start3A_53 = tpu.memref_squeeze %dma_start3A_52 : memref<1x128x128xf32, #tpu.memory_space<hbm>> -> memref<128x128xf32, #tpu.memory_space<hbm>>
      tpu.enqueue_dma source(%arg10 : memref<128x128xf32, #tpu.memory_space<vmem>>) target(%dma_start3A_53 : memref<128x128xf32, #tpu.memory_space<hbm>>) target_semaphore(%run_scoped3A : memref<!tpu.dma_semaphore, #tpu.memory_space<semaphore_mem>>)
      %dma_wait3A = arith.constant 0 : i32
      %dma_wait3A_54 = tpu.memref_slice %arg6[%arg0, %add3A_32, %dma_wait3A] : memref<2x10240x128xf32, #tpu.memory_space<hbm>> -> memref<1x128x128xf32, #tpu.memory_space<hbm>>
      %dma_wait3A_55 = tpu.memref_squeeze %dma_wait3A_54 : memref<1x128x128xf32, #tpu.memory_space<hbm>> -> memref<128x128xf32, #tpu.memory_space<hbm>>
      %dma_wait3A_56 = arith.constant 0 : i32
      %dma_wait3A_57 = tpu.memref_slice %arg6[%arg0, %add3A_32, %dma_wait3A_56] : memref<2x10240x128xf32, #tpu.memory_space<hbm>> -> memref<1x128x128xf32, #tpu.memory_space<hbm>>
      %dma_wait3A_58 = tpu.memref_squeeze %dma_wait3A_57 : memref<1x128x128xf32, #tpu.memory_space<hbm>> -> memref<128x128xf32, #tpu.memory_space<hbm>>
      tpu.wait_dma2 semaphore(%run_scoped3A : memref<!tpu.dma_semaphore, #tpu.memory_space<semaphore_mem>>) src(%arg10 : memref<128x128xf32, #tpu.memory_space<vmem>>) dst(%dma_wait3A_58 : memref<128x128xf32, #tpu.memory_space<hbm>>)
      tpu.yield
    }) : () -> ()
    %mul3A_33 = arith.constant 640 : i32
    %mul3A_34 = arith.muli %arg1, %mul3A_33 : i32
    %add3A_35 = arith.constant 128 : i32
    %add3A_36 = arith.addi %mul3A_34, %add3A_35 : i32
    "tpu.region"() ({
      %run_scoped3A = tpu.sem_alloc : memref<!tpu.dma_semaphore, #tpu.memory_space<semaphore_mem>>
      %dma_start3A = arith.constant 0 : i32
      %dma_start3A_49 = tpu.memref_slice %arg11[%add3A_36, %dma_start3A] : memref<10240x128xf32, #tpu.memory_space<vmem_shared>> -> memref<128x128xf32, #tpu.memory_space<vmem_shared>>
      %dma_start3A_50 = arith.constant 0 : i32
      %dma_start3A_51 = tpu.memref_slice %arg11[%add3A_36, %dma_start3A_50] : memref<10240x128xf32, #tpu.memory_space<vmem_shared>> -> memref<128x128xf32, #tpu.memory_space<vmem_shared>>
      tpu.enqueue_dma source(%dma_start3A_51 : memref<128x128xf32, #tpu.memory_space<vmem_shared>>) target(%arg10 : memref<128x128xf32, #tpu.memory_space<vmem>>) target_semaphore(%run_scoped3A : memref<!tpu.dma_semaphore, #tpu.memory_space<semaphore_mem>>)
      %dma_wait3A = arith.constant 0 : i32
      %dma_wait3A_52 = tpu.memref_slice %arg11[%add3A_36, %dma_wait3A] : memref<10240x128xf32, #tpu.memory_space<vmem_shared>> -> memref<128x128xf32, #tpu.memory_space<vmem_shared>>
      %dma_wait3A_53 = arith.constant 0 : i32
      %dma_wait3A_54 = tpu.memref_slice %arg11[%add3A_36, %dma_wait3A_53] : memref<10240x128xf32, #tpu.memory_space<vmem_shared>> -> memref<128x128xf32, #tpu.memory_space<vmem_shared>>
      tpu.wait_dma2 semaphore(%run_scoped3A : memref<!tpu.dma_semaphore, #tpu.memory_space<semaphore_mem>>) src(%dma_wait3A_54 : memref<128x128xf32, #tpu.memory_space<vmem_shared>>) dst(%arg10 : memref<128x128xf32, #tpu.memory_space<vmem>>)
      tpu.yield
    }) : () -> ()
    "tpu.region"() ({
      %run_scoped3A = tpu.sem_alloc : memref<!tpu.dma_semaphore, #tpu.memory_space<semaphore_mem>>
      %dma_start3A = arith.constant 0 : i32
      %dma_start3A_49 = tpu.memref_slice %arg6[%arg0, %add3A_36, %dma_start3A] : memref<2x10240x128xf32, #tpu.memory_space<hbm>> -> memref<1x128x128xf32, #tpu.memory_space<hbm>>
      %dma_start3A_50 = tpu.memref_squeeze %dma_start3A_49 : memref<1x128x128xf32, #tpu.memory_space<hbm>> -> memref<128x128xf32, #tpu.memory_space<hbm>>
      %dma_start3A_51 = arith.constant 0 : i32
      %dma_start3A_52 = tpu.memref_slice %arg6[%arg0, %add3A_36, %dma_start3A_51] : memref<2x10240x128xf32, #tpu.memory_space<hbm>> -> memref<1x128x128xf32, #tpu.memory_space<hbm>>
      %dma_start3A_53 = tpu.memref_squeeze %dma_start3A_52 : memref<1x128x128xf32, #tpu.memory_space<hbm>> -> memref<128x128xf32, #tpu.memory_space<hbm>>
      tpu.enqueue_dma source(%arg10 : memref<128x128xf32, #tpu.memory_space<vmem>>) target(%dma_start3A_53 : memref<128x128xf32, #tpu.memory_space<hbm>>) target_semaphore(%run_scoped3A : memref<!tpu.dma_semaphore, #tpu.memory_space<semaphore_mem>>)
      %dma_wait3A = arith.constant 0 : i32
      %dma_wait3A_54 = tpu.memref_slice %arg6[%arg0, %add3A_36, %dma_wait3A] : memref<2x10240x128xf32, #tpu.memory_space<hbm>> -> memref<1x128x128xf32, #tpu.memory_space<hbm>>
      %dma_wait3A_55 = tpu.memref_squeeze %dma_wait3A_54 : memref<1x128x128xf32, #tpu.memory_space<hbm>> -> memref<128x128xf32, #tpu.memory_space<hbm>>
      %dma_wait3A_56 = arith.constant 0 : i32
      %dma_wait3A_57 = tpu.memref_slice %arg6[%arg0, %add3A_36, %dma_wait3A_56] : memref<2x10240x128xf32, #tpu.memory_space<hbm>> -> memref<1x128x128xf32, #tpu.memory_space<hbm>>
      %dma_wait3A_58 = tpu.memref_squeeze %dma_wait3A_57 : memref<1x128x128xf32, #tpu.memory_space<hbm>> -> memref<128x128xf32, #tpu.memory_space<hbm>>
      tpu.wait_dma2 semaphore(%run_scoped3A : memref<!tpu.dma_semaphore, #tpu.memory_space<semaphore_mem>>) src(%arg10 : memref<128x128xf32, #tpu.memory_space<vmem>>) dst(%dma_wait3A_58 : memref<128x128xf32, #tpu.memory_space<hbm>>)
      tpu.yield
    }) : () -> ()
    %mul3A_37 = arith.constant 640 : i32
    %mul3A_38 = arith.muli %arg1, %mul3A_37 : i32
    %add3A_39 = arith.constant 256 : i32
    %add3A_40 = arith.addi %mul3A_38, %add3A_39 : i32
    "tpu.region"() ({
      %run_scoped3A = tpu.sem_alloc : memref<!tpu.dma_semaphore, #tpu.memory_space<semaphore_mem>>
      %dma_start3A = arith.constant 0 : i32
      %dma_start3A_49 = tpu.memref_slice %arg11[%add3A_40, %dma_start3A] : memref<10240x128xf32, #tpu.memory_space<vmem_shared>> -> memref<128x128xf32, #tpu.memory_space<vmem_shared>>
      %dma_start3A_50 = arith.constant 0 : i32
      %dma_start3A_51 = tpu.memref_slice %arg11[%add3A_40, %dma_start3A_50] : memref<10240x128xf32, #tpu.memory_space<vmem_shared>> -> memref<128x128xf32, #tpu.memory_space<vmem_shared>>
      tpu.enqueue_dma source(%dma_start3A_51 : memref<128x128xf32, #tpu.memory_space<vmem_shared>>) target(%arg10 : memref<128x128xf32, #tpu.memory_space<vmem>>) target_semaphore(%run_scoped3A : memref<!tpu.dma_semaphore, #tpu.memory_space<semaphore_mem>>)
      %dma_wait3A = arith.constant 0 : i32
      %dma_wait3A_52 = tpu.memref_slice %arg11[%add3A_40, %dma_wait3A] : memref<10240x128xf32, #tpu.memory_space<vmem_shared>> -> memref<128x128xf32, #tpu.memory_space<vmem_shared>>
      %dma_wait3A_53 = arith.constant 0 : i32
      %dma_wait3A_54 = tpu.memref_slice %arg11[%add3A_40, %dma_wait3A_53] : memref<10240x128xf32, #tpu.memory_space<vmem_shared>> -> memref<128x128xf32, #tpu.memory_space<vmem_shared>>
      tpu.wait_dma2 semaphore(%run_scoped3A : memref<!tpu.dma_semaphore, #tpu.memory_space<semaphore_mem>>) src(%dma_wait3A_54 : memref<128x128xf32, #tpu.memory_space<vmem_shared>>) dst(%arg10 : memref<128x128xf32, #tpu.memory_space<vmem>>)
      tpu.yield
    }) : () -> ()
    "tpu.region"() ({
      %run_scoped3A = tpu.sem_alloc : memref<!tpu.dma_semaphore, #tpu.memory_space<semaphore_mem>>
      %dma_start3A = arith.constant 0 : i32
      %dma_start3A_49 = tpu.memref_slice %arg6[%arg0, %add3A_40, %dma_start3A] : memref<2x10240x128xf32, #tpu.memory_space<hbm>> -> memref<1x128x128xf32, #tpu.memory_space<hbm>>
      %dma_start3A_50 = tpu.memref_squeeze %dma_start3A_49 : memref<1x128x128xf32, #tpu.memory_space<hbm>> -> memref<128x128xf32, #tpu.memory_space<hbm>>
      %dma_start3A_51 = arith.constant 0 : i32
      %dma_start3A_52 = tpu.memref_slice %arg6[%arg0, %add3A_40, %dma_start3A_51] : memref<2x10240x128xf32, #tpu.memory_space<hbm>> -> memref<1x128x128xf32, #tpu.memory_space<hbm>>
      %dma_start3A_53 = tpu.memref_squeeze %dma_start3A_52 : memref<1x128x128xf32, #tpu.memory_space<hbm>> -> memref<128x128xf32, #tpu.memory_space<hbm>>
      tpu.enqueue_dma source(%arg10 : memref<128x128xf32, #tpu.memory_space<vmem>>) target(%dma_start3A_53 : memref<128x128xf32, #tpu.memory_space<hbm>>) target_semaphore(%run_scoped3A : memref<!tpu.dma_semaphore, #tpu.memory_space<semaphore_mem>>)
      %dma_wait3A = arith.constant 0 : i32
      %dma_wait3A_54 = tpu.memref_slice %arg6[%arg0, %add3A_40, %dma_wait3A] : memref<2x10240x128xf32, #tpu.memory_space<hbm>> -> memref<1x128x128xf32, #tpu.memory_space<hbm>>
      %dma_wait3A_55 = tpu.memref_squeeze %dma_wait3A_54 : memref<1x128x128xf32, #tpu.memory_space<hbm>> -> memref<128x128xf32, #tpu.memory_space<hbm>>
      %dma_wait3A_56 = arith.constant 0 : i32
      %dma_wait3A_57 = tpu.memref_slice %arg6[%arg0, %add3A_40, %dma_wait3A_56] : memref<2x10240x128xf32, #tpu.memory_space<hbm>> -> memref<1x128x128xf32, #tpu.memory_space<hbm>>
      %dma_wait3A_58 = tpu.memref_squeeze %dma_wait3A_57 : memref<1x128x128xf32, #tpu.memory_space<hbm>> -> memref<128x128xf32, #tpu.memory_space<hbm>>
      tpu.wait_dma2 semaphore(%run_scoped3A : memref<!tpu.dma_semaphore, #tpu.memory_space<semaphore_mem>>) src(%arg10 : memref<128x128xf32, #tpu.memory_space<vmem>>) dst(%dma_wait3A_58 : memref<128x128xf32, #tpu.memory_space<hbm>>)
      tpu.yield
    }) : () -> ()
    %mul3A_41 = arith.constant 640 : i32
    %mul3A_42 = arith.muli %arg1, %mul3A_41 : i32
    %add3A_43 = arith.constant 384 : i32
    %add3A_44 = arith.addi %mul3A_42, %add3A_43 : i32
    "tpu.region"() ({
      %run_scoped3A = tpu.sem_alloc : memref<!tpu.dma_semaphore, #tpu.memory_space<semaphore_mem>>
      %dma_start3A = arith.constant 0 : i32
      %dma_start3A_49 = tpu.memref_slice %arg11[%add3A_44, %dma_start3A] : memref<10240x128xf32, #tpu.memory_space<vmem_shared>> -> memref<128x128xf32, #tpu.memory_space<vmem_shared>>
      %dma_start3A_50 = arith.constant 0 : i32
      %dma_start3A_51 = tpu.memref_slice %arg11[%add3A_44, %dma_start3A_50] : memref<10240x128xf32, #tpu.memory_space<vmem_shared>> -> memref<128x128xf32, #tpu.memory_space<vmem_shared>>
      tpu.enqueue_dma source(%dma_start3A_51 : memref<128x128xf32, #tpu.memory_space<vmem_shared>>) target(%arg10 : memref<128x128xf32, #tpu.memory_space<vmem>>) target_semaphore(%run_scoped3A : memref<!tpu.dma_semaphore, #tpu.memory_space<semaphore_mem>>)
      %dma_wait3A = arith.constant 0 : i32
      %dma_wait3A_52 = tpu.memref_slice %arg11[%add3A_44, %dma_wait3A] : memref<10240x128xf32, #tpu.memory_space<vmem_shared>> -> memref<128x128xf32, #tpu.memory_space<vmem_shared>>
      %dma_wait3A_53 = arith.constant 0 : i32
      %dma_wait3A_54 = tpu.memref_slice %arg11[%add3A_44, %dma_wait3A_53] : memref<10240x128xf32, #tpu.memory_space<vmem_shared>> -> memref<128x128xf32, #tpu.memory_space<vmem_shared>>
      tpu.wait_dma2 semaphore(%run_scoped3A : memref<!tpu.dma_semaphore, #tpu.memory_space<semaphore_mem>>) src(%dma_wait3A_54 : memref<128x128xf32, #tpu.memory_space<vmem_shared>>) dst(%arg10 : memref<128x128xf32, #tpu.memory_space<vmem>>)
      tpu.yield
    }) : () -> ()
    "tpu.region"() ({
      %run_scoped3A = tpu.sem_alloc : memref<!tpu.dma_semaphore, #tpu.memory_space<semaphore_mem>>
      %dma_start3A = arith.constant 0 : i32
      %dma_start3A_49 = tpu.memref_slice %arg6[%arg0, %add3A_44, %dma_start3A] : memref<2x10240x128xf32, #tpu.memory_space<hbm>> -> memref<1x128x128xf32, #tpu.memory_space<hbm>>
      %dma_start3A_50 = tpu.memref_squeeze %dma_start3A_49 : memref<1x128x128xf32, #tpu.memory_space<hbm>> -> memref<128x128xf32, #tpu.memory_space<hbm>>
      %dma_start3A_51 = arith.constant 0 : i32
      %dma_start3A_52 = tpu.memref_slice %arg6[%arg0, %add3A_44, %dma_start3A_51] : memref<2x10240x128xf32, #tpu.memory_space<hbm>> -> memref<1x128x128xf32, #tpu.memory_space<hbm>>
      %dma_start3A_53 = tpu.memref_squeeze %dma_start3A_52 : memref<1x128x128xf32, #tpu.memory_space<hbm>> -> memref<128x128xf32, #tpu.memory_space<hbm>>
      tpu.enqueue_dma source(%arg10 : memref<128x128xf32, #tpu.memory_space<vmem>>) target(%dma_start3A_53 : memref<128x128xf32, #tpu.memory_space<hbm>>) target_semaphore(%run_scoped3A : memref<!tpu.dma_semaphore, #tpu.memory_space<semaphore_mem>>)
      %dma_wait3A = arith.constant 0 : i32
      %dma_wait3A_54 = tpu.memref_slice %arg6[%arg0, %add3A_44, %dma_wait3A] : memref<2x10240x128xf32, #tpu.memory_space<hbm>> -> memref<1x128x128xf32, #tpu.memory_space<hbm>>
      %dma_wait3A_55 = tpu.memref_squeeze %dma_wait3A_54 : memref<1x128x128xf32, #tpu.memory_space<hbm>> -> memref<128x128xf32, #tpu.memory_space<hbm>>
      %dma_wait3A_56 = arith.constant 0 : i32
      %dma_wait3A_57 = tpu.memref_slice %arg6[%arg0, %add3A_44, %dma_wait3A_56] : memref<2x10240x128xf32, #tpu.memory_space<hbm>> -> memref<1x128x128xf32, #tpu.memory_space<hbm>>
      %dma_wait3A_58 = tpu.memref_squeeze %dma_wait3A_57 : memref<1x128x128xf32, #tpu.memory_space<hbm>> -> memref<128x128xf32, #tpu.memory_space<hbm>>
      tpu.wait_dma2 semaphore(%run_scoped3A : memref<!tpu.dma_semaphore, #tpu.memory_space<semaphore_mem>>) src(%arg10 : memref<128x128xf32, #tpu.memory_space<vmem>>) dst(%dma_wait3A_58 : memref<128x128xf32, #tpu.memory_space<hbm>>)
      tpu.yield
    }) : () -> ()
    %mul3A_45 = arith.constant 640 : i32
    %mul3A_46 = arith.muli %arg1, %mul3A_45 : i32
    %add3A_47 = arith.constant 512 : i32
    %add3A_48 = arith.addi %mul3A_46, %add3A_47 : i32
    "tpu.region"() ({
      %run_scoped3A = tpu.sem_alloc : memref<!tpu.dma_semaphore, #tpu.memory_space<semaphore_mem>>
      %dma_start3A = arith.constant 0 : i32
      %dma_start3A_49 = tpu.memref_slice %arg11[%add3A_48, %dma_start3A] : memref<10240x128xf32, #tpu.memory_space<vmem_shared>> -> memref<128x128xf32, #tpu.memory_space<vmem_shared>>
      %dma_start3A_50 = arith.constant 0 : i32
      %dma_start3A_51 = tpu.memref_slice %arg11[%add3A_48, %dma_start3A_50] : memref<10240x128xf32, #tpu.memory_space<vmem_shared>> -> memref<128x128xf32, #tpu.memory_space<vmem_shared>>
      tpu.enqueue_dma source(%dma_start3A_51 : memref<128x128xf32, #tpu.memory_space<vmem_shared>>) target(%arg10 : memref<128x128xf32, #tpu.memory_space<vmem>>) target_semaphore(%run_scoped3A : memref<!tpu.dma_semaphore, #tpu.memory_space<semaphore_mem>>)
      %dma_wait3A = arith.constant 0 : i32
      %dma_wait3A_52 = tpu.memref_slice %arg11[%add3A_48, %dma_wait3A] : memref<10240x128xf32, #tpu.memory_space<vmem_shared>> -> memref<128x128xf32, #tpu.memory_space<vmem_shared>>
      %dma_wait3A_53 = arith.constant 0 : i32
      %dma_wait3A_54 = tpu.memref_slice %arg11[%add3A_48, %dma_wait3A_53] : memref<10240x128xf32, #tpu.memory_space<vmem_shared>> -> memref<128x128xf32, #tpu.memory_space<vmem_shared>>
      tpu.wait_dma2 semaphore(%run_scoped3A : memref<!tpu.dma_semaphore, #tpu.memory_space<semaphore_mem>>) src(%dma_wait3A_54 : memref<128x128xf32, #tpu.memory_space<vmem_shared>>) dst(%arg10 : memref<128x128xf32, #tpu.memory_space<vmem>>)
      tpu.yield
    }) : () -> ()
    "tpu.region"() ({
      %run_scoped3A = tpu.sem_alloc : memref<!tpu.dma_semaphore, #tpu.memory_space<semaphore_mem>>
      %dma_start3A = arith.constant 0 : i32
      %dma_start3A_49 = tpu.memref_slice %arg6[%arg0, %add3A_48, %dma_start3A] : memref<2x10240x128xf32, #tpu.memory_space<hbm>> -> memref<1x128x128xf32, #tpu.memory_space<hbm>>
      %dma_start3A_50 = tpu.memref_squeeze %dma_start3A_49 : memref<1x128x128xf32, #tpu.memory_space<hbm>> -> memref<128x128xf32, #tpu.memory_space<hbm>>
      %dma_start3A_51 = arith.constant 0 : i32
      %dma_start3A_52 = tpu.memref_slice %arg6[%arg0, %add3A_48, %dma_start3A_51] : memref<2x10240x128xf32, #tpu.memory_space<hbm>> -> memref<1x128x128xf32, #tpu.memory_space<hbm>>
      %dma_start3A_53 = tpu.memref_squeeze %dma_start3A_52 : memref<1x128x128xf32, #tpu.memory_space<hbm>> -> memref<128x128xf32, #tpu.memory_space<hbm>>
      tpu.enqueue_dma source(%arg10 : memref<128x128xf32, #tpu.memory_space<vmem>>) target(%dma_start3A_53 : memref<128x128xf32, #tpu.memory_space<hbm>>) target_semaphore(%run_scoped3A : memref<!tpu.dma_semaphore, #tpu.memory_space<semaphore_mem>>)
      %dma_wait3A = arith.constant 0 : i32
      %dma_wait3A_54 = tpu.memref_slice %arg6[%arg0, %add3A_48, %dma_wait3A] : memref<2x10240x128xf32, #tpu.memory_space<hbm>> -> memref<1x128x128xf32, #tpu.memory_space<hbm>>
      %dma_wait3A_55 = tpu.memref_squeeze %dma_wait3A_54 : memref<1x128x128xf32, #tpu.memory_space<hbm>> -> memref<128x128xf32, #tpu.memory_space<hbm>>
      %dma_wait3A_56 = arith.constant 0 : i32
      %dma_wait3A_57 = tpu.memref_slice %arg6[%arg0, %add3A_48, %dma_wait3A_56] : memref<2x10240x128xf32, #tpu.memory_space<hbm>> -> memref<1x128x128xf32, #tpu.memory_space<hbm>>
      %dma_wait3A_58 = tpu.memref_squeeze %dma_wait3A_57 : memref<1x128x128xf32, #tpu.memory_space<hbm>> -> memref<128x128xf32, #tpu.memory_space<hbm>>
      tpu.wait_dma2 semaphore(%run_scoped3A : memref<!tpu.dma_semaphore, #tpu.memory_space<semaphore_mem>>) src(%arg10 : memref<128x128xf32, #tpu.memory_space<vmem>>) dst(%dma_wait3A_58 : memref<128x128xf32, #tpu.memory_space<hbm>>)
      tpu.yield
    }) : () -> ()
    return
  }
}

module attributes {stable_mosaic.version = 14 : i64} {
  func.func @_tc1_body(%arg0: memref<10240x32xf32, #tpu.memory_space<vmem>>, %arg1: memref<10240x128xf32, #tpu.memory_space<vmem>>, %arg2: memref<128x128xf32, #tpu.memory_space<vmem>>, %arg3: memref<10240x128xf32, #tpu.memory_space<vmem>>, %arg4: memref<10240x1xf32, #tpu.memory_space<vmem>>) attributes {dimension_semantics = [], scalar_prefetch = 0 : i64, scratch_operands = 0 : i64, tpu.core_type = #tpu.core_type<tc>} {
    %get3A = arith.constant 0 : index
    %get3A_0 = arith.constant 0 : index
    %get3A_1 = vector.load %arg0[%get3A, %get3A_0] : memref<10240x32xf32, #tpu.memory_space<vmem>>, vector<10240x32xf32>
    %reduce_sum3A = arith.constant dense<0.000000e+00> : vector<10240xf32>
    %reduce_sum3A_2 = vector.multi_reduction <add>, %get3A_1, %reduce_sum3A [1] : vector<10240x32xf32> to vector<10240xf32>
    %broadcast_in_dim3A = vector.shape_cast %reduce_sum3A_2 : vector<10240xf32> to vector<10240x1xf32>
    %gt3A = arith.constant 0.000000e+00 : f32
    %gt3A_3 = vector.broadcast %gt3A : f32 to vector<10240x1xf32>
    %gt3A_4 = arith.cmpf ogt, %broadcast_in_dim3A, %gt3A_3 : vector<10240x1xf32>
    %max3A = arith.constant 9.99999996E-13 : f32
    %max3A_5 = vector.broadcast %max3A : f32 to vector<10240x1xf32>
    %max3A_6 = arith.maximumf %broadcast_in_dim3A, %max3A_5 : vector<10240x1xf32>
    %rsqrt3A = math.rsqrt %max3A_6 : vector<10240x1xf32>
    %jit3A = arith.constant 0.000000e+00 : f32
    %broadcast_in_dim3A_7 = vector.broadcast %jit3A : f32 to vector<10240x1xf32>
    %select_n3A = arith.select %gt3A_4, %rsqrt3A, %broadcast_in_dim3A_7 : vector<10240x1xi1>, vector<10240x1xf32>
    %get3A_8 = arith.constant 0 : index
    %get3A_9 = arith.constant 0 : index
    %get3A_10 = vector.load %arg1[%get3A_8, %get3A_9] : memref<10240x128xf32, #tpu.memory_space<vmem>>, vector<10240x128xf32>
    %get3A_11 = arith.constant 0 : index
    %get3A_12 = arith.constant 0 : index
    %get3A_13 = vector.load %arg2[%get3A_11, %get3A_12] : memref<128x128xf32, #tpu.memory_space<vmem>>, vector<128x128xf32>
    %dot_general3A = arith.constant dense<0.000000e+00> : vector<10240x128xf32>
    %dot_general3A_14 = tpu.matmul %get3A_10, %get3A_13, %dot_general3A {dimension_numbers = #tpu.dot_dimension_numbers<[1], [0], [0], [1], [0, 0, 1, 1], [], []>, transpose_lhs_hint = false} : vector<10240x128xf32>, vector<128x128xf32>, vector<10240x128xf32> -> vector<10240x128xf32>
    %mul3A = vector.broadcast %select_n3A : vector<10240x1xf32> to vector<10240x128xf32>
    %mul3A_15 = arith.mulf %dot_general3A_14, %mul3A : vector<10240x128xf32>
    %swap3A = arith.constant 0 : index
    %swap3A_16 = arith.constant 0 : index
    %swap3A_17 = vector.load %arg3[%swap3A, %swap3A_16] : memref<10240x128xf32, #tpu.memory_space<vmem>>, vector<10240x128xf32>
    tpu.vector_store %arg3[%swap3A, %swap3A_16], %mul3A_15 {strides = array<i32>} : memref<10240x128xf32, #tpu.memory_space<vmem>>, vector<10240x128xf32>,
    %swap3A_18 = arith.constant 0 : index
    %swap3A_19 = arith.constant 0 : index
    %swap3A_20 = vector.load %arg4[%swap3A_18, %swap3A_19] : memref<10240x1xf32, #tpu.memory_space<vmem>>, vector<10240x1xf32>
    tpu.vector_store %arg4[%swap3A_18, %swap3A_19], %select_n3A {strides = array<i32>} : memref<10240x1xf32, #tpu.memory_space<vmem>>, vector<10240x1xf32>,
    return
  }
}

module attributes {stable_mosaic.version = 14 : i64} {
  func.func @_tc2_body(%arg0: memref<2x10240x128xf32, #tpu.memory_space<vmem>>, %arg1: memref<10240x1xf32, #tpu.memory_space<vmem>>, %arg2: memref<1x128xf32, #tpu.memory_space<vmem>>, %arg3: memref<128x128xf32, #tpu.memory_space<vmem>>, %arg4: memref<10240x128xf32, #tpu.memory_space<vmem>>) attributes {dimension_semantics = [], scalar_prefetch = 0 : i64, scratch_operands = 0 : i64, tpu.core_type = #tpu.core_type<tc>} {
    %get3A = arith.constant 0 : index
    %get3A_0 = arith.constant 0 : index
    %get3A_1 = arith.constant 0 : index
    %get3A_2 = vector.load %arg0[%get3A, %get3A_0, %get3A_1] : memref<2x10240x128xf32, #tpu.memory_space<vmem>>, vector<1x10240x128xf32>
    %get3A_3 = vector.shape_cast %get3A_2 : vector<1x10240x128xf32> to vector<10240x128xf32>
    %get3A_4 = arith.constant 1 : index
    %get3A_5 = arith.constant 0 : index
    %get3A_6 = arith.constant 0 : index
    %get3A_7 = vector.load %arg0[%get3A_4, %get3A_5, %get3A_6] : memref<2x10240x128xf32, #tpu.memory_space<vmem>>, vector<1x10240x128xf32>
    %get3A_8 = vector.shape_cast %get3A_7 : vector<1x10240x128xf32> to vector<10240x128xf32>
    %add3A = arith.addf %get3A_3, %get3A_8 : vector<10240x128xf32>
    %get3A_9 = arith.constant 0 : index
    %get3A_10 = arith.constant 0 : index
    %get3A_11 = vector.load %arg1[%get3A_9, %get3A_10] : memref<10240x1xf32, #tpu.memory_space<vmem>>, vector<10240x1xf32>
    %mul3A = vector.broadcast %get3A_11 : vector<10240x1xf32> to vector<10240x128xf32>
    %mul3A_12 = arith.mulf %add3A, %mul3A : vector<10240x128xf32>
    %get3A_13 = arith.constant 0 : index
    %get3A_14 = arith.constant 0 : index
    %get3A_15 = vector.load %arg2[%get3A_13, %get3A_14] : memref<1x128xf32, #tpu.memory_space<vmem>>, vector<1x128xf32>
    %add3A_16 = vector.broadcast %get3A_15 : vector<1x128xf32> to vector<10240x128xf32>
    %add3A_17 = arith.addf %mul3A_12, %add3A_16 : vector<10240x128xf32>
    %max3A = arith.constant 0.000000e+00 : f32
    %max3A_18 = vector.broadcast %max3A : f32 to vector<10240x128xf32>
    %max3A_19 = arith.maximumf %add3A_17, %max3A_18 : vector<10240x128xf32>
    %get3A_20 = arith.constant 0 : index
    %get3A_21 = arith.constant 0 : index
    %get3A_22 = vector.load %arg3[%get3A_20, %get3A_21] : memref<128x128xf32, #tpu.memory_space<vmem>>, vector<128x128xf32>
    %dot_general3A = arith.constant dense<0.000000e+00> : vector<10240x128xf32>
    %dot_general3A_23 = tpu.matmul %max3A_19, %get3A_22, %dot_general3A {dimension_numbers = #tpu.dot_dimension_numbers<[1], [0], [0], [1], [0, 0, 1, 1], [], []>, transpose_lhs_hint = false} : vector<10240x128xf32>, vector<128x128xf32>, vector<10240x128xf32> -> vector<10240x128xf32>
    %get3A_24 = arith.constant 0 : index
    %get3A_25 = arith.constant 0 : index
    %get3A_26 = vector.load %arg1[%get3A_24, %get3A_25] : memref<10240x1xf32, #tpu.memory_space<vmem>>, vector<10240x1xf32>
    %mul3A_27 = vector.broadcast %get3A_26 : vector<10240x1xf32> to vector<10240x128xf32>
    %mul3A_28 = arith.mulf %dot_general3A_23, %mul3A_27 : vector<10240x128xf32>
    %swap3A = arith.constant 0 : index
    %swap3A_29 = arith.constant 0 : index
    %swap3A_30 = vector.load %arg4[%swap3A, %swap3A_29] : memref<10240x128xf32, #tpu.memory_space<vmem>>, vector<10240x128xf32>
    tpu.vector_store %arg4[%swap3A, %swap3A_29], %mul3A_28 {strides = array<i32>} : memref<10240x128xf32, #tpu.memory_space<vmem>>, vector<10240x128xf32>,
    return
  }
}

module attributes {stable_mosaic.version = 14 : i64} {
  func.func @_tc3_body(%arg0: memref<2x10240x128xf32, #tpu.memory_space<vmem>>, %arg1: memref<10240x1xf32, #tpu.memory_space<vmem>>, %arg2: memref<1x128xf32, #tpu.memory_space<vmem>>, %arg3: memref<1x10240xi32, #tpu.memory_space<vmem>>, %arg4: memref<128x256xf32, #tpu.memory_space<vmem>>, %arg5: memref<1x256xf32, #tpu.memory_space<vmem>>, %arg6: memref<256x256xf32, #tpu.memory_space<vmem>>, %arg7: memref<1x256xf32, #tpu.memory_space<vmem>>, %arg8: memref<64x256xf32, #tpu.memory_space<vmem>>) attributes {dimension_semantics = [], scalar_prefetch = 0 : i64, scratch_operands = 0 : i64, tpu.core_type = #tpu.core_type<tc>} {
    %get3A = arith.constant 0 : index
    %get3A_0 = arith.constant 0 : index
    %get3A_1 = arith.constant 0 : index
    %get3A_2 = vector.load %arg0[%get3A, %get3A_0, %get3A_1] : memref<2x10240x128xf32, #tpu.memory_space<vmem>>, vector<1x10240x128xf32>
    %get3A_3 = vector.shape_cast %get3A_2 : vector<1x10240x128xf32> to vector<10240x128xf32>
    %get3A_4 = arith.constant 1 : index
    %get3A_5 = arith.constant 0 : index
    %get3A_6 = arith.constant 0 : index
    %get3A_7 = vector.load %arg0[%get3A_4, %get3A_5, %get3A_6] : memref<2x10240x128xf32, #tpu.memory_space<vmem>>, vector<1x10240x128xf32>
    %get3A_8 = vector.shape_cast %get3A_7 : vector<1x10240x128xf32> to vector<10240x128xf32>
    %add3A = arith.addf %get3A_3, %get3A_8 : vector<10240x128xf32>
    %get3A_9 = arith.constant 0 : index
    %get3A_10 = arith.constant 0 : index
    %get3A_11 = vector.load %arg1[%get3A_9, %get3A_10] : memref<10240x1xf32, #tpu.memory_space<vmem>>, vector<10240x1xf32>
    %mul3A = vector.broadcast %get3A_11 : vector<10240x1xf32> to vector<10240x128xf32>
    %mul3A_12 = arith.mulf %add3A, %mul3A : vector<10240x128xf32>
    %get3A_13 = arith.constant 0 : index
    %get3A_14 = arith.constant 0 : index
    %get3A_15 = vector.load %arg2[%get3A_13, %get3A_14] : memref<1x128xf32, #tpu.memory_space<vmem>>, vector<1x128xf32>
    %add3A_16 = vector.broadcast %get3A_15 : vector<1x128xf32> to vector<10240x128xf32>
    %add3A_17 = arith.addf %mul3A_12, %add3A_16 : vector<10240x128xf32>
    %get3A_18 = arith.constant 0 : index
    %get3A_19 = arith.constant 0 : index
    %get3A_20 = vector.load %arg3[%get3A_18, %get3A_19] : memref<1x10240xi32, #tpu.memory_space<vmem>>, vector<1x10240xi32>
    %iota3A = tpu.iota {dimensions = array<i32: 0>} : vector<64x10240xi32>
    %eq3A = vector.broadcast %get3A_20 : vector<1x10240xi32> to vector<64x10240xi32>
    %eq3A_21 = arith.cmpi eq, %iota3A, %eq3A : vector<64x10240xi32>
    %convert_element_type3A = arith.extui %eq3A_21 : vector<64x10240xi1> to vector<64x10240xi32>
    %convert_element_type3A_22 = arith.sitofp %convert_element_type3A : vector<64x10240xi32> to vector<64x10240xf32>
    %dot_general3A = arith.constant dense<0.000000e+00> : vector<64x128xf32>
    %dot_general3A_23 = tpu.matmul %convert_element_type3A_22, %add3A_17, %dot_general3A {dimension_numbers = #tpu.dot_dimension_numbers<[1], [0], [0], [1], [0, 0, 1, 1], [], []>, transpose_lhs_hint = false} : vector<64x10240xf32>, vector<10240x128xf32>, vector<64x128xf32> -> vector<64x128xf32>
    %reduce_sum3A = arith.constant dense<0.000000e+00> : vector<64xf32>
    %reduce_sum3A_24 = vector.multi_reduction <add>, %convert_element_type3A_22, %reduce_sum3A [1] : vector<64x10240xf32> to vector<64xf32>
    %broadcast_in_dim3A = vector.shape_cast %reduce_sum3A_24 : vector<64xf32> to vector<64x1xf32>
    %max3A = arith.constant 1.000000e+00 : f32
    %max3A_25 = vector.broadcast %max3A : f32 to vector<64x1xf32>
    %max3A_26 = arith.maximumf %broadcast_in_dim3A, %max3A_25 : vector<64x1xf32>
    %div3A = vector.broadcast %max3A_26 : vector<64x1xf32> to vector<64x128xf32>
    %div3A_27 = arith.divf %dot_general3A_23, %div3A : vector<64x128xf32>
    %get3A_28 = arith.constant 0 : index
    %get3A_29 = arith.constant 0 : index
    %get3A_30 = vector.load %arg4[%get3A_28, %get3A_29] : memref<128x256xf32, #tpu.memory_space<vmem>>, vector<128x256xf32>
    %dot_general3A_31 = arith.constant dense<0.000000e+00> : vector<64x256xf32>
    %dot_general3A_32 = tpu.matmul %div3A_27, %get3A_30, %dot_general3A_31 {dimension_numbers = #tpu.dot_dimension_numbers<[1], [0], [0], [1], [0, 0, 1, 1], [], []>, transpose_lhs_hint = false} : vector<64x128xf32>, vector<128x256xf32>, vector<64x256xf32> -> vector<64x256xf32>
    %get3A_33 = arith.constant 0 : index
    %get3A_34 = arith.constant 0 : index
    %get3A_35 = vector.load %arg5[%get3A_33, %get3A_34] : memref<1x256xf32, #tpu.memory_space<vmem>>, vector<1x256xf32>
    %add3A_36 = vector.broadcast %get3A_35 : vector<1x256xf32> to vector<64x256xf32>
    %add3A_37 = arith.addf %dot_general3A_32, %add3A_36 : vector<64x256xf32>
    %max3A_38 = arith.constant 0.000000e+00 : f32
    %max3A_39 = vector.broadcast %max3A_38 : f32 to vector<64x256xf32>
    %max3A_40 = arith.maximumf %add3A_37, %max3A_39 : vector<64x256xf32>
    %get3A_41 = arith.constant 0 : index
    %get3A_42 = arith.constant 0 : index
    %get3A_43 = vector.load %arg6[%get3A_41, %get3A_42] : memref<256x256xf32, #tpu.memory_space<vmem>>, vector<256x256xf32>
    %dot_general3A_44 = arith.constant dense<0.000000e+00> : vector<64x256xf32>
    %dot_general3A_45 = tpu.matmul %max3A_40, %get3A_43, %dot_general3A_44 {dimension_numbers = #tpu.dot_dimension_numbers<[1], [0], [0], [1], [0, 0, 1, 1], [], []>, transpose_lhs_hint = false} : vector<64x256xf32>, vector<256x256xf32>, vector<64x256xf32> -> vector<64x256xf32>
    %get3A_46 = arith.constant 0 : index
    %get3A_47 = arith.constant 0 : index
    %get3A_48 = vector.load %arg7[%get3A_46, %get3A_47] : memref<1x256xf32, #tpu.memory_space<vmem>>, vector<1x256xf32>
    %add3A_49 = vector.broadcast %get3A_48 : vector<1x256xf32> to vector<64x256xf32>
    %add3A_50 = arith.addf %dot_general3A_45, %add3A_49 : vector<64x256xf32>
    %swap3A = arith.constant 0 : index
    %swap3A_51 = arith.constant 0 : index
    %swap3A_52 = vector.load %arg8[%swap3A, %swap3A_51] : memref<64x256xf32, #tpu.memory_space<vmem>>, vector<64x256xf32>
    tpu.vector_store %arg8[%swap3A, %swap3A_51], %add3A_50 {strides = array<i32>} : memref<64x256xf32, #tpu.memory_space<vmem>>, vector<64x256xf32>,
    return
  }
}

</mosaic_0001>

<sc_bundles>
// kernel: kernel.10.cloned.1.call-start
scs
__scs_entry_jumppad:
0x0: {  	(pc) =	sbr.rel $0x88, $3  }
0x1: {  	(tag) =	ssettag $0x0;
	lr =	simm.s32 $0x1  }
0x2: {  	[smem:$0x3F94] =	sst lr;
	_ =	strace $0xD0000000  }
0x3: {  	_ = 	snop  }
0x4: {  	_ = 	snop  }
0x5: {  	_ = 	snop  }
0x6: {  	_ = 	snop  }
0x7: {  	_ = 	snop  }
__scs_overlays_trampoline_lowered:
0x8: {  	[smem:$0x3FA3] =	sst s0  }
0x9: {  	[smem:$0x3FA4] =	sst s1  }
0xa: {  	[smem:$0x3FA5] =	sst s2  }
0xb: {  	[smem:$0x3FA6] =	sst s3  }
0xc: {  	[smem:$0x3FA7] =	sst s4  }
0xd: {  	[smem:$0x3FA8] =	sst s5  }
0xe: {  	[smem:$0x3FA9] =	sst s6  }
0xf: {  	[smem:$0x3FAA] =	sst s7  }
0x10: {  	[smem:$0x3FAB] =	sst s8  }
0x11: {  	[smem:$0x3FAC] =	sst s9;
	s0 =	simm.s32 @!p0 $0x0  }
0x12: {  	s1 =	sld [smem:$0x3F92];
	s0 =	simm.s32 @p0 $0x1  }
0x13: {  	[smem:$0x3FAD] =	sst s0;
	s0 =	simm.s32 @!p1 $0x0  }
0x14: {  	s2 =	sld [smem:$0x3F91];
	s0 =	simm.s32 @p1 $0x1  }
0x15: {  	[smem:$0x3FAE] =	sst s0;
	s0 =	simm.s32 @!p2 $0x0  }
0x16: {  	s3 =	sld [smem:$0x3FDB];
	s0 =	simm.s32 @p2 $0x1  }
0x17: {  	s4 =	simm.s32 $0x1BF5;
	[smem:$0x3FB0] =	sst s0  }
0x18: {  	s0 =	sld [smem:$0x3F93];
	_ =	swait.ge [sflag:s4], $0x0  }
0x19: {  	s7 =	sld [smem:$0x3F94]  }
0x1a: {  	s8 =	sadd.s32 $0xFFFFE003, lr  }
0x1b: {  	s9 =	sadd.s32 $0xFFFFFEF7, lr;
	s5 =	simm.s32 $0xFFFFFFFF;
	p2 =	slt.u32 s8, $0xFFFFF086  }
0x1c: {  	p1 =	slt.u32 s9, $0xF7A;
	s5 =	simm.s32 @!p2 $0x0  }
0x1d: {  	s5 =	simm.s32 @p1 $0x1;
	p0 =	seq.s32 s7, s2  }
0x1e: {  	s7 =	smul.u32 @!p0 $0xF7A, s2;
	p2 =	seq.s32 @!p0 s5, $0x0  }
0x1f: {  	s9 =	smul.u32 $0xF7A, s1;
	s8 =	simm.s32 @!p0 $0x1BF5;
	p2 =	por !p2, p0  }
0x20: {  	[sflag:s8] =	ssyncset.s32 @!p0 $0xFFFFF086;
	s6 =	sadd.s32 @!p0 s3, s7;
	s7 =	simm.s32 @!p0 $0x108  }
0x21: {  	s3 =	sadd.s32 s3, s9;
	s6 =	sadd.s32 @!p0 $0x88, s6;
	s7 =	simm.s32 @p2 $0x1082  }
0x22: {  	[simem:s7], [sflag:s8] =	dma.local @!p0 [hbm:s6], $0xF7A  }
0x23: {  	s9 =	sor.u32 $0xD0000000, s2;
	s6 =	simm.s32 $0x108;
	_ =	swait.ge @!p0 [sflag:s8], $0x0  }
0x24: {  	s3 =	sadd.s32 $0x88, s3;
	s6 =	simm.s32 @!p1 $0x1082;
	[sflag:s4] =	ssyncset.s32 $0xFFFFF086  }
0x25: {  	[simem:s6], [sflag:s4] =	dma.local [hbm:s3], $0xF7A  }
0x26: {  	[smem:$0x3F94] =	sst s1;
	(tag) =	ssettag s2;
	_ =	strace s9  }
0x27: {  	s1 =	sld [smem:$0x3FA4]  }
0x28: {  	s2 =	sld [smem:$0x3FA5]  }
0x29: {  	s4 =	sld [smem:$0x3FA7]  }
0x2a: {  	p0 =	seq.s32 s5, $0x0;
	s5 =	sld [smem:$0x3FA8]  }
0x2b: {  	s6 =	sld [smem:$0x3FA9]  }
0x2c: {  	s7 =	sld [smem:$0x3FAA]  }
0x2d: {  	s3 =	simm.s32 $0x108;
	s8 =	sld [smem:$0x3FAB]  }
0x2e: {  	s3 =	simm.s32 @!p0 $0x1082;
	s9 =	sld [smem:$0x3FAC]  }
0x2f: {  	lr =	sadd.s32 s0, s3;
	s0 =	sld [smem:$0x3FA3]  }
0x30: {  	s3 =	sld [smem:$0x3FA6]  }
0x31: {  	[smem:$0x3FAF] =	sst s10  }
0x32: {  	s10 =	sld [smem:$0x3FAD];
	_ =	sdelay $0x3  }
0x33: {  	p0 =	seq.s32 s10, $0x1;
	s10 =	sld [smem:$0x3FAF];
	_ =	sdelay $0x3  }
0x34: {  	[smem:$0x3FAF] =	sst s10  }
0x35: {  	s10 =	sld [smem:$0x3FAE];
	_ =	sdelay $0x3  }
0x36: {  	p1 =	seq.s32 s10, $0x1;
	s10 =	sld [smem:$0x3FAF];
	_ =	sdelay $0x3  }
0x37: {  	[smem:$0x3FAF] =	sst s10  }
0x38: {  	s10 =	sld [smem:$0x3FB0]  }
0x39: {  	_ = 	snop;
	(pc) =	sbr.ind lr, $3  }
0x3a: {  	_ = 	snop  }
0x3b: {  	_ = 	snop  }
0x3c: {  	p2 =	seq.s32 s10, $0x1;
	s10 =	sld [smem:$0x3FAF]  }
0x3d: {  	_ =	shalt  }
0x3e: {  	_ =	shalt  }
0x3f: {  	_ =	shalt  }
0x40: {  	_ =	shalt  }
0x41: {  	_ =	shalt  }
0x42: {  	_ =	shalt  }
0x43: {  	_ =	shalt  }
0x44: {  	_ =	shalt  }
0x45: {  	_ =	shalt  }
0x46: {  	_ =	shalt  }
0x47: {  	_ =	shalt  }
0x48: {  	_ =	shalt  }
0x49: {  	_ =	shalt  }
0x4a: {  	_ =	shalt  }
0x4b: {  	_ =	shalt  }
0x4c: {  	_ =	shalt  }
0x4d: {  	_ =	shalt  }
0x4e: {  	_ =	shalt  }
0x4f: {  	_ =	shalt  }
0x50: {  	_ =	shalt  }
0x51: {  	_ =	shalt  }
0x52: {  	_ =	shalt  }
0x53: {  	_ =	shalt  }
0x54: {  	_ =	shalt  }
0x55: {  	_ =	shalt  }
0x56: {  	_ =	shalt  }
0x57: {  	_ =	shalt  }
0x58: {  	_ =	shalt  }
0x59: {  	_ =	shalt  }
0x5a: {  	_ =	shalt  }
0x5b: {  	_ =	shalt  }
0x5c: {  	_ =	shalt  }
0x5d: {  	_ =	shalt  }
0x5e: {  	_ =	shalt  }
0x5f: {  	_ =	shalt  }
0x60: {  	_ =	shalt  }
0x61: {  	_ =	shalt  }
0x62: {  	_ =	shalt  }
0x63: {  	_ =	shalt  }
0x64: {  	_ =	shalt  }
0x65: {  	_ =	shalt  }
0x66: {  	_ =	shalt  }
0x67: {  	_ =	shalt  }
0x68: {  	_ =	shalt  }
0x69: {  	_ =	shalt  }
0x6a: {  	_ =	shalt  }
0x6b: {  	_ =	shalt  }
0x6c: {  	_ =	shalt  }
0x6d: {  	_ =	shalt  }
0x6e: {  	_ =	shalt  }
0x6f: {  	_ =	shalt  }
0x70: {  	_ =	shalt  }
0x71: {  	_ =	shalt  }
0x72: {  	_ =	shalt  }
0x73: {  	_ =	shalt  }
0x74: {  	_ =	shalt  }
0x75: {  	_ =	shalt  }
0x76: {  	_ =	shalt  }
0x77: {  	_ =	shalt  }
0x78: {  	_ =	shalt  }
0x79: {  	_ =	shalt  }
0x7a: {  	_ =	shalt  }
0x7b: {  	_ =	shalt  }
0x7c: {  	_ =	shalt  }
0x7d: {  	_ =	shalt  }
0x7e: {  	_ =	shalt  }
0x7f: {  	_ =	shalt  }
0x80: {  	_ =	shalt  }
0x81: {  	_ =	shalt  }
0x82: {  	_ =	shalt  }
0x83: {  	_ =	shalt  }
0x84: {  	_ =	shalt  }
0x85: {  	_ =	shalt  }
0x86: {  	_ =	shalt  }
0x87: {  	_ =	shalt  }
.Lfunc_end0:
.L_simem_size_0:
called_computation_lowered:
.L_overlay_start_0:
0x88: {  	s2 =	sld [smem:$0x3FD9]  }
0x89: {  	s3 =	sld [smem:$0x3FFE];
	_ =	sdelay $0x1  }
0x8a: {  	s1 =	srdreg.scid  }
0x8b: {  	s0 =	sand.u32 $0x1, s1  }
0x8c: {  	s17 =	sshll.u32 s0, $0xA;
	s2 =	sadd.s32 s3, s2  }
0x8d: {  	s2 =	sadd.s32 s2, s17  }
0x8e: {  	[smem:$0x3FBB] =	sst s2  }
0x8f: {  	_ = 	snop  }
0x90: {  	s2 =	sld [smem:$0x3FD0];
	(tm) =	ssettm $0x1  }
0x91: {  	s18 =	sld [smem:$0x3FFB];
	_ =	sdelay $0x3  }
0x92: {  	_ =	strace s18  }
0x93: {  	s3 =	sld [smem:$0x3FFC];
	_ =	sdelay $0x3  }
0x94: {  	_ =	strace s3  }
0x95: {  	s3 =	sld [smem:$0x3FFD];
	_ =	sdelay $0x3  }
0x96: {  	_ =	strace s3  }
0x97: {  	_ =	strace $0x8FFFFFFF  }
0x98: {  	s19 =	sld [smem:$0x3FDB];
	_ =	sdelay $0x1  }
0x99: {  	s4 =	simm.s32 $_scs_section_size  }
0x9a: {  	s5 =	simm.s32 $_size__tile_overlayer_lowered;
	s6 =	simm.s32 $_tile_overlayer_lowered  }
0x9b: {  	s22 =	simm.s32 $0x1BFF;
	s21 =	sshll.u32 s6, $0x1;
	s3 =	sadd.s32 s4, s19  }
0x9c: {  	s7 =	simm.s32 $0x0;
	s20 =	sshll.u32 s5, $0x1;
	s5 =	sadd.s32 s21, s3  }
0x9d: {  	[timem:s7], [sflag:s22] =	dma.local [hbm:s5], s20  }
0x9e: {  	_ =	swait.ge [sflag:s22], s20  }
0x9f: {  	s4 =	ssub.s32 $0x0, s20;
	[sflag:s22] =	ssyncset.done $0x0  }
0xa0: {  	[sflag:s22] =	ssyncadd.s32 s4;
	_ =	sdelay $0x1  }
0xa1: {  	s23 =	simm.s32 $0x1B8B  }
0xa2: {  	_ =	swait.ge [sflag:s23], $0x1  }
0xa3: {  	[sflag:s23] =	ssyncset.done $0x0  }
0xa4: {  	s25 =	simm.s32 $0x1B8E;
	s24 =	sld [smem:$0x3FFE];
	[sflag:s23] =	ssyncadd.s32 $0xFFFFFFFF  }
0xa5: {  	s26 =	simm.s32 $execute0_lowered;
	[smem:$0x3FD2] =	sst s25  }
0xa6: {  	s5 =	sshll.u32 s26, $0x1;
	_ =	strace $0x80000046;
	[dreg:$0x1] =	wrdreg $0xFFFFFFFF  }
0xa7: {  	s28 =	simm.s32 $_size_execute0_lowered;
	s3 =	sadd.s32 s3, s5;
	[dreg:$0x0] =	wrdreg $0x0  }
0xa8: {  	s5 =	sshll.u32 s28, $0x1;
	[dreg:$0x2] =	wrdreg s3  }
0xa9: {  	[dreg:$0x3] =	wrdreg s5  }
0xaa: {  	[dreg:$0x4] =	wrdreg $0xC0  }
0xab: {  	_ =	task [dreg:s7], $0x5FFFF  }
0xac: {  	[dreg:$0x1] =	wrdreg $0xFFFFFFFF  }
0xad: {  	[dreg:$0x0] =	wrdreg $0x60  }
0xae: {  	[dreg:$0x2] =	wrdreg s24  }
0xaf: {  	[dreg:$0x3] =	wrdreg s2  }
0xb0: {  	[dreg:$0x4] =	wrdreg $0x9  }
0xb1: {  	_ =	task.clear_ibuf [dreg:s7], $0x5FFFF;
	_ =	strace $0x90000046  }
0xb2: {  	s29 =	simm.s32 $0x9;
	_ =	strace $0x80000048  }
0xb3: {  	_ =	swait.ge [sflag:s29], $0x1  }
0xb4: {  	[sflag:s29] =	ssyncadd.s32 $0xFFFFFFFF  }
0xb5: {  	_ =	strace $0x90000048  }
0xb6: {  	_ =	sfence  }
0xb7: {  	s30 =	sld [smem:$0x0];
	_ =	sdelay $0x2  }
0xb8: {  	s31 =	sshll.u32 s1, $0xD;
	s1 =	sshrl.u32 s1, $0x2  }
0xb9: {  	s3 =	sand.u32 $0x4000, s31;
	s1 =	sadd.s32 s1, s30  }
0xba: {  	s0 =	sor.u32 s3, s0;
	s1 =	sshll.u32 s1, $0x11  }
0xbb: {  	s0 =	sor.u32 s1, s0  }
0xbc: {  	s0 =	sadd.s32 $0x8F2B, s0  }
0xbd: {  	[sflag:s0] =	ssyncadd.remote.s32 $0x1  }
0xbe: {  	_ =	sfence.sel $0xFFFF  }
0xbf: {  	[dreg:$0x0] =	wrdreg $0xFFFFFFFF;
	(pc) =	sbr.abs _section_cstart, $3  }
0xc0: {  	[dreg:$0x1] =	wrdreg $0xFFFFFFFF  }
0xc1: {  	_ =	task.clear_ibuf [dreg:s7], $0x2FFFF;
	_ =	strace $0x9FFFFFFF  }
0xc2: {  	(tm) =	ssettm $0x7FFFFFFF  }
0xc3: {  	_ =	shalt  }
tec
execute0_lowered:
.L_overlay_start_1:
0x0: {  	(tag) =	ssettag $0x1  }
0x1: {  	s4 =	rddreg [dreg:$0x0]  }
0x2: {  	s2 =	rddreg [dreg:$0x1]  }
0x3: {  	s3 =	srdreg.scid;
	s1 =	stileid.u32  }
0x4: {  	s0 =	rddreg [dreg:$0x2];
	s10 =	simm.s32 $0x400;
	s11 =	simm.s32 $0x0  }
0x5: {  	s5 =	sand.u32 $0x1, s3;
	s6 =	smul.u32 $0x5100, s1;
	s7 =	sshrl.u32 s1, $0x2  }
0x6: {  	s8 =	sshll.u32 s1, $0x8;
	s3 =	simm.s32 $0x0;
	s7 =	smul.u32 $0x14000, s7  }
0x7: {  	s9 =	sshll.u32 s5, $0x7;
	[smem:$0x7FF] =	sst s3;
	s30 =	smul.u32 $0x2880, s5  }
0x8: {  	s5 =	ssub.s32 $0x2, s5;
	s8 =	sor.u32 s9, s8;
	_ =	strace $0x80000047  }
0x9: {  	s31 =	sshrl.u32 s5, $0x1;
	s9 =	simm.s32 $0x80;
	s8 =	sand.u32 $0x380, s8  }
0xa: {  	s6 =	sadd.s32 s30, s6;
	s5 =	ssub.s32 s5, s31;
	s7 =	sor.u32 s7, s8  }
0xb: {  	s6 =	sshrl.u32 s6, $0x3;
	s5 =	smax.u32 s5, $0x1;
	s7 =	sshrl.u32 s7, $0x3  }
0xc: {  	s8 =	simm.s32 $0x1;
	s6 =	sadd.s32 s6, s4;
	s7 =	sadd.s32 s7, s4  }
0xd: {  	v0 =	vimm.f32 $1.000000000e+00;
	s6 =	sadd.s32 $0x3400, s6;
	s4 =	sadd.s32 $0xD600, s7;
	s7 =	simm.s32 $0x580  }
.LBB2_1:
0xe: {  	[tilespmem:s7], [sflag:$0x1] =	stream.linear.gather [hbm4b:s2+s3], $0x2800, $0x38;
	[tilespmem:$0x2D80] =	vst v63  }
0xf: {  	_ =	swait.ge [sflag:s8], $0x2800  }
0x10: {  	[sflag:s8] =	ssyncset.done $0x0  }
0x11: {  	s12 =	simm.s32 $0x0;
	[sflag:s8] =	ssyncadd.s32 $0xFFFFD800  }
.LBB2_2:
0x12: {  	s13 =	sadd.s32 s12, s6  }
0x13: {  	[tilespmem:s3], [sflag:$0x1] =	stream.linear.gather [hbm4b:s13+s3], $0x510, $0x38;
	[tilespmem:$0x2D80] =	vst v63  }
0x14: {  	_ =	swait.ge [sflag:s8], $0x510  }
0x15: {  	[sflag:s8] =	ssyncset.done $0x0  }
0x16: {  	[sflag:s8] =	ssyncadd.s32 $0xFFFFFAF0  }
0x17: {  	v1 =	vld [tilespmem:$0x0];
	_ =	sdelay $0x7  }
0x18: {  	[tilespmem:v1+s7+$0x0] =	vst.idx.add.f32.msk $0xffff, v0  }
0x19: {  	v1 =	vld [tilespmem:$0x10];
	_ =	sdelay $0x7  }
0x1a: {  	[tilespmem:v1+s7+$0x0] =	vst.idx.add.f32.msk $0xffff, v0  }
0x1b: {  	v1 =	vld [tilespmem:$0x20];
	_ =	sdelay $0x7  }
0x1c: {  	[tilespmem:v1+s7+$0x0] =	vst.idx.add.f32.msk $0xffff, v0  }
0x1d: {  	v1 =	vld [tilespmem:$0x30];
	_ =	sdelay $0x7  }
0x1e: {  	[tilespmem:v1+s7+$0x0] =	vst.idx.add.f32.msk $0xffff, v0  }
0x1f: {  	v1 =	vld [tilespmem:$0x40];
	_ =	sdelay $0x7  }
0x20: {  	[tilespmem:v1+s7+$0x0] =	vst.idx.add.f32.msk $0xffff, v0  }
0x21: {  	v1 =	vld [tilespmem:$0x50];
	_ =	sdelay $0x7  }
0x22: {  	[tilespmem:v1+s7+$0x0] =	vst.idx.add.f32.msk $0xffff, v0  }
0x23: {  	v1 =	vld [tilespmem:$0x60];
	_ =	sdelay $0x7  }
0x24: {  	[tilespmem:v1+s7+$0x0] =	vst.idx.add.f32.msk $0xffff, v0  }
0x25: {  	v1 =	vld [tilespmem:$0x70];
	_ =	sdelay $0x7  }
0x26: {  	[tilespmem:v1+s7+$0x0] =	vst.idx.add.f32.msk $0xffff, v0  }
0x27: {  	v1 =	vld [tilespmem:$0x80];
	_ =	sdelay $0x7  }
0x28: {  	[tilespmem:v1+s7+$0x0] =	vst.idx.add.f32.msk $0xffff, v0  }
0x29: {  	v1 =	vld [tilespmem:$0x90];
	_ =	sdelay $0x7  }
0x2a: {  	[tilespmem:v1+s7+$0x0] =	vst.idx.add.f32.msk $0xffff, v0  }
0x2b: {  	v1 =	vld [tilespmem:$0xA0];
	_ =	sdelay $0x7  }
0x2c: {  	[tilespmem:v1+s7+$0x0] =	vst.idx.add.f32.msk $0xffff, v0  }
0x2d: {  	v1 =	vld [tilespmem:$0xB0];
	_ =	sdelay $0x7  }
0x2e: {  	[tilespmem:v1+s7+$0x0] =	vst.idx.add.f32.msk $0xffff, v0  }
0x2f: {  	v1 =	vld [tilespmem:$0xC0];
	_ =	sdelay $0x7  }
0x30: {  	[tilespmem:v1+s7+$0x0] =	vst.idx.add.f32.msk $0xffff, v0  }
0x31: {  	v1 =	vld [tilespmem:$0xD0];
	_ =	sdelay $0x7  }
0x32: {  	[tilespmem:v1+s7+$0x0] =	vst.idx.add.f32.msk $0xffff, v0  }
0x33: {  	v1 =	vld [tilespmem:$0xE0];
	_ =	sdelay $0x7  }
0x34: {  	[tilespmem:v1+s7+$0x0] =	vst.idx.add.f32.msk $0xffff, v0  }
0x35: {  	v1 =	vld [tilespmem:$0xF0];
	_ =	sdelay $0x7  }
0x36: {  	[tilespmem:v1+s7+$0x0] =	vst.idx.add.f32.msk $0xffff, v0  }
0x37: {  	v1 =	vld [tilespmem:$0x100];
	_ =	sdelay $0x7  }
0x38: {  	[tilespmem:v1+s7+$0x0] =	vst.idx.add.f32.msk $0xffff, v0  }
0x39: {  	v1 =	vld [tilespmem:$0x110];
	_ =	sdelay $0x7  }
0x3a: {  	[tilespmem:v1+s7+$0x0] =	vst.idx.add.f32.msk $0xffff, v0  }
0x3b: {  	v1 =	vld [tilespmem:$0x120];
	_ =	sdelay $0x7  }
0x3c: {  	[tilespmem:v1+s7+$0x0] =	vst.idx.add.f32.msk $0xffff, v0  }
0x3d: {  	v1 =	vld [tilespmem:$0x130];
	_ =	sdelay $0x7  }
0x3e: {  	[tilespmem:v1+s7+$0x0] =	vst.idx.add.f32.msk $0xffff, v0  }
0x3f: {  	v1 =	vld [tilespmem:$0x140];
	_ =	sdelay $0x7  }
0x40: {  	[tilespmem:v1+s7+$0x0] =	vst.idx.add.f32.msk $0xffff, v0  }
0x41: {  	v1 =	vld [tilespmem:$0x150];
	_ =	sdelay $0x7  }
0x42: {  	[tilespmem:v1+s7+$0x0] =	vst.idx.add.f32.msk $0xffff, v0  }
0x43: {  	v1 =	vld [tilespmem:$0x160];
	_ =	sdelay $0x7  }
0x44: {  	[tilespmem:v1+s7+$0x0] =	vst.idx.add.f32.msk $0xffff, v0  }
0x45: {  	v1 =	vld [tilespmem:$0x170];
	_ =	sdelay $0x7  }
0x46: {  	[tilespmem:v1+s7+$0x0] =	vst.idx.add.f32.msk $0xffff, v0  }
0x47: {  	v1 =	vld [tilespmem:$0x180];
	_ =	sdelay $0x7  }
0x48: {  	[tilespmem:v1+s7+$0x0] =	vst.idx.add.f32.msk $0xffff, v0  }
0x49: {  	v1 =	vld [tilespmem:$0x190];
	_ =	sdelay $0x7  }
0x4a: {  	[tilespmem:v1+s7+$0x0] =	vst.idx.add.f32.msk $0xffff, v0  }
0x4b: {  	v1 =	vld [tilespmem:$0x1A0];
	_ =	sdelay $0x7  }
0x4c: {  	[tilespmem:v1+s7+$0x0] =	vst.idx.add.f32.msk $0xffff, v0  }
0x4d: {  	v1 =	vld [tilespmem:$0x1B0];
	_ =	sdelay $0x7  }
0x4e: {  	[tilespmem:v1+s7+$0x0] =	vst.idx.add.f32.msk $0xffff, v0  }
0x4f: {  	v1 =	vld [tilespmem:$0x1C0];
	_ =	sdelay $0x7  }
0x50: {  	[tilespmem:v1+s7+$0x0] =	vst.idx.add.f32.msk $0xffff, v0  }
0x51: {  	v1 =	vld [tilespmem:$0x1D0];
	_ =	sdelay $0x7  }
0x52: {  	[tilespmem:v1+s7+$0x0] =	vst.idx.add.f32.msk $0xffff, v0  }
0x53: {  	v1 =	vld [tilespmem:$0x1E0];
	_ =	sdelay $0x7  }
0x54: {  	[tilespmem:v1+s7+$0x0] =	vst.idx.add.f32.msk $0xffff, v0  }
0x55: {  	v1 =	vld [tilespmem:$0x1F0];
	_ =	sdelay $0x7  }
0x56: {  	[tilespmem:v1+s7+$0x0] =	vst.idx.add.f32.msk $0xffff, v0  }
0x57: {  	v1 =	vld [tilespmem:$0x200];
	_ =	sdelay $0x7  }
0x58: {  	[tilespmem:v1+s7+$0x0] =	vst.idx.add.f32.msk $0xffff, v0  }
0x59: {  	v1 =	vld [tilespmem:$0x210];
	_ =	sdelay $0x7  }
0x5a: {  	[tilespmem:v1+s7+$0x0] =	vst.idx.add.f32.msk $0xffff, v0  }
0x5b: {  	v1 =	vld [tilespmem:$0x220];
	_ =	sdelay $0x7  }
0x5c: {  	[tilespmem:v1+s7+$0x0] =	vst.idx.add.f32.msk $0xffff, v0  }
0x5d: {  	v1 =	vld [tilespmem:$0x230];
	_ =	sdelay $0x7  }
0x5e: {  	[tilespmem:v1+s7+$0x0] =	vst.idx.add.f32.msk $0xffff, v0  }
0x5f: {  	v1 =	vld [tilespmem:$0x240];
	_ =	sdelay $0x7  }
0x60: {  	[tilespmem:v1+s7+$0x0] =	vst.idx.add.f32.msk $0xffff, v0  }
0x61: {  	v1 =	vld [tilespmem:$0x250];
	_ =	sdelay $0x7  }
0x62: {  	[tilespmem:v1+s7+$0x0] =	vst.idx.add.f32.msk $0xffff, v0  }
0x63: {  	v1 =	vld [tilespmem:$0x260];
	_ =	sdelay $0x7  }
0x64: {  	[tilespmem:v1+s7+$0x0] =	vst.idx.add.f32.msk $0xffff, v0  }
0x65: {  	v1 =	vld [tilespmem:$0x270];
	_ =	sdelay $0x7  }
0x66: {  	[tilespmem:v1+s7+$0x0] =	vst.idx.add.f32.msk $0xffff, v0  }
0x67: {  	v1 =	vld [tilespmem:$0x280];
	_ =	sdelay $0x7  }
0x68: {  	[tilespmem:v1+s7+$0x0] =	vst.idx.add.f32.msk $0xffff, v0  }
0x69: {  	v1 =	vld [tilespmem:$0x290];
	_ =	sdelay $0x7  }
0x6a: {  	[tilespmem:v1+s7+$0x0] =	vst.idx.add.f32.msk $0xffff, v0  }
0x6b: {  	v1 =	vld [tilespmem:$0x2A0];
	_ =	sdelay $0x7  }
0x6c: {  	[tilespmem:v1+s7+$0x0] =	vst.idx.add.f32.msk $0xffff, v0  }
0x6d: {  	v1 =	vld [tilespmem:$0x2B0];
	_ =	sdelay $0x7  }
0x6e: {  	[tilespmem:v1+s7+$0x0] =	vst.idx.add.f32.msk $0xffff, v0  }
0x6f: {  	v1 =	vld [tilespmem:$0x2C0];
	_ =	sdelay $0x7  }
0x70: {  	[tilespmem:v1+s7+$0x0] =	vst.idx.add.f32.msk $0xffff, v0  }
0x71: {  	v1 =	vld [tilespmem:$0x2D0];
	_ =	sdelay $0x7  }
0x72: {  	[tilespmem:v1+s7+$0x0] =	vst.idx.add.f32.msk $0xffff, v0  }
0x73: {  	v1 =	vld [tilespmem:$0x2E0];
	_ =	sdelay $0x7  }
0x74: {  	[tilespmem:v1+s7+$0x0] =	vst.idx.add.f32.msk $0xffff, v0  }
0x75: {  	v1 =	vld [tilespmem:$0x2F0];
	_ =	sdelay $0x7  }
0x76: {  	[tilespmem:v1+s7+$0x0] =	vst.idx.add.f32.msk $0xffff, v0  }
0x77: {  	v1 =	vld [tilespmem:$0x300];
	_ =	sdelay $0x7  }
0x78: {  	[tilespmem:v1+s7+$0x0] =	vst.idx.add.f32.msk $0xffff, v0  }
0x79: {  	v1 =	vld [tilespmem:$0x310];
	_ =	sdelay $0x7  }
0x7a: {  	[tilespmem:v1+s7+$0x0] =	vst.idx.add.f32.msk $0xffff, v0  }
0x7b: {  	v1 =	vld [tilespmem:$0x320];
	_ =	sdelay $0x7  }
0x7c: {  	[tilespmem:v1+s7+$0x0] =	vst.idx.add.f32.msk $0xffff, v0  }
0x7d: {  	v1 =	vld [tilespmem:$0x330];
	_ =	sdelay $0x7  }
0x7e: {  	[tilespmem:v1+s7+$0x0] =	vst.idx.add.f32.msk $0xffff, v0  }
0x7f: {  	v1 =	vld [tilespmem:$0x340];
	_ =	sdelay $0x7  }
0x80: {  	[tilespmem:v1+s7+$0x0] =	vst.idx.add.f32.msk $0xffff, v0  }
0x81: {  	v1 =	vld [tilespmem:$0x350];
	_ =	sdelay $0x7  }
0x82: {  	[tilespmem:v1+s7+$0x0] =	vst.idx.add.f32.msk $0xffff, v0  }
0x83: {  	v1 =	vld [tilespmem:$0x360];
	_ =	sdelay $0x7  }
0x84: {  	[tilespmem:v1+s7+$0x0] =	vst.idx.add.f32.msk $0xffff, v0  }
0x85: {  	v1 =	vld [tilespmem:$0x370];
	_ =	sdelay $0x7  }
0x86: {  	[tilespmem:v1+s7+$0x0] =	vst.idx.add.f32.msk $0xffff, v0  }
0x87: {  	v1 =	vld [tilespmem:$0x380];
	_ =	sdelay $0x7  }
0x88: {  	[tilespmem:v1+s7+$0x0] =	vst.idx.add.f32.msk $0xffff, v0  }
0x89: {  	v1 =	vld [tilespmem:$0x390];
	_ =	sdelay $0x7  }
0x8a: {  	[tilespmem:v1+s7+$0x0] =	vst.idx.add.f32.msk $0xffff, v0  }
0x8b: {  	v1 =	vld [tilespmem:$0x3A0];
	_ =	sdelay $0x7  }
0x8c: {  	[tilespmem:v1+s7+$0x0] =	vst.idx.add.f32.msk $0xffff, v0  }
0x8d: {  	v1 =	vld [tilespmem:$0x3B0];
	_ =	sdelay $0x7  }
0x8e: {  	[tilespmem:v1+s7+$0x0] =	vst.idx.add.f32.msk $0xffff, v0  }
0x8f: {  	v1 =	vld [tilespmem:$0x3C0];
	_ =	sdelay $0x7  }
0x90: {  	[tilespmem:v1+s7+$0x0] =	vst.idx.add.f32.msk $0xffff, v0  }
0x91: {  	v1 =	vld [tilespmem:$0x3D0];
	_ =	sdelay $0x7  }
0x92: {  	[tilespmem:v1+s7+$0x0] =	vst.idx.add.f32.msk $0xffff, v0  }
0x93: {  	v1 =	vld [tilespmem:$0x3E0];
	_ =	sdelay $0x7  }
0x94: {  	[tilespmem:v1+s7+$0x0] =	vst.idx.add.f32.msk $0xffff, v0  }
0x95: {  	v1 =	vld [tilespmem:$0x3F0];
	_ =	sdelay $0x7  }
0x96: {  	[tilespmem:v1+s7+$0x0] =	vst.idx.add.f32.msk $0xffff, v0  }
0x97: {  	v1 =	vld [tilespmem:$0x400];
	_ =	sdelay $0x7  }
0x98: {  	[tilespmem:v1+s7+$0x0] =	vst.idx.add.f32.msk $0xffff, v0  }
0x99: {  	v1 =	vld [tilespmem:$0x410];
	_ =	sdelay $0x7  }
0x9a: {  	[tilespmem:v1+s7+$0x0] =	vst.idx.add.f32.msk $0xffff, v0  }
0x9b: {  	v1 =	vld [tilespmem:$0x420];
	_ =	sdelay $0x7  }
0x9c: {  	[tilespmem:v1+s7+$0x0] =	vst.idx.add.f32.msk $0xffff, v0  }
0x9d: {  	v1 =	vld [tilespmem:$0x430];
	_ =	sdelay $0x7  }
0x9e: {  	[tilespmem:v1+s7+$0x0] =	vst.idx.add.f32.msk $0xffff, v0  }
0x9f: {  	v1 =	vld [tilespmem:$0x440];
	_ =	sdelay $0x7  }
0xa0: {  	[tilespmem:v1+s7+$0x0] =	vst.idx.add.f32.msk $0xffff, v0  }
0xa1: {  	v1 =	vld [tilespmem:$0x450];
	_ =	sdelay $0x7  }
0xa2: {  	[tilespmem:v1+s7+$0x0] =	vst.idx.add.f32.msk $0xffff, v0  }
0xa3: {  	v1 =	vld [tilespmem:$0x460];
	_ =	sdelay $0x7  }
0xa4: {  	[tilespmem:v1+s7+$0x0] =	vst.idx.add.f32.msk $0xffff, v0  }
0xa5: {  	v1 =	vld [tilespmem:$0x470];
	_ =	sdelay $0x7  }
0xa6: {  	[tilespmem:v1+s7+$0x0] =	vst.idx.add.f32.msk $0xffff, v0  }
0xa7: {  	v1 =	vld [tilespmem:$0x480];
	_ =	sdelay $0x7  }
0xa8: {  	[tilespmem:v1+s7+$0x0] =	vst.idx.add.f32.msk $0xffff, v0  }
0xa9: {  	v1 =	vld [tilespmem:$0x490];
	_ =	sdelay $0x7  }
0xaa: {  	[tilespmem:v1+s7+$0x0] =	vst.idx.add.f32.msk $0xffff, v0  }
0xab: {  	v1 =	vld [tilespmem:$0x4A0];
	_ =	sdelay $0x7  }
0xac: {  	[tilespmem:v1+s7+$0x0] =	vst.idx.add.f32.msk $0xffff, v0  }
0xad: {  	v1 =	vld [tilespmem:$0x4B0];
	_ =	sdelay $0x7  }
0xae: {  	[tilespmem:v1+s7+$0x0] =	vst.idx.add.f32.msk $0xffff, v0  }
0xaf: {  	v1 =	vld [tilespmem:$0x4C0];
	_ =	sdelay $0x7  }
0xb0: {  	[tilespmem:v1+s7+$0x0] =	vst.idx.add.f32.msk $0xffff, v0  }
0xb1: {  	v1 =	vld [tilespmem:$0x4D0];
	_ =	sdelay $0x7  }
0xb2: {  	[tilespmem:v1+s7+$0x0] =	vst.idx.add.f32.msk $0xffff, v0  }
0xb3: {  	v1 =	vld [tilespmem:$0x4E0];
	_ =	sdelay $0x7  }
0xb4: {  	[tilespmem:v1+s7+$0x0] =	vst.idx.add.f32.msk $0xffff, v0  }
0xb5: {  	v1 =	vld [tilespmem:$0x4F0];
	_ =	sdelay $0x7  }
0xb6: {  	[tilespmem:v1+s7+$0x0] =	vst.idx.add.f32.msk $0xffff, v0  }
0xb7: {  	v1 =	vld [tilespmem:$0x500];
	_ =	sdelay $0x2  }
0xb8: {  	p0 =	sne.s32 s12, $0x46E  }
.Ltmp0:
0xb9: {  	_ = 	snop;
	(pc) =	sbr.rel @p0 .LBB2_2-.Ltmp0, $2  }
0xba: {  	_ =	sdelay $0x2  }
0xbb: {  	s12 =	sadd.s32 $0xA2, s12;
	[tilespmem:v1+s7+$0x0] =	vst.idx.add.f32.msk $0xffff, v0  }
0xbc: {  	s11 =	sadd.s32 $0x1, s11  }
0xbd: {  	p0 =	sne.s32 s11, s5  }
.Ltmp1:
0xbe: {  	_ = 	snop;
	(pc) =	sbr.rel @p0 .LBB2_1-.Ltmp1, $4  }
0xbf: {  	[hbm4b:s4+s9] =	stream.strided.scatter [tilespmem:s7], [sflag:$0x1], $0x2800, s10, s9, $0x38;
	[tilespmem:$0x2D80] =	vst v63  }
0xc0: {  	_ =	swait.ge [sflag:s8], $0x2800  }
0xc1: {  	[sflag:s8] =	ssyncset.done $0x0  }
0xc2: {  	[sflag:s8] =	ssyncadd.s32 $0xFFFFD800  }
0xc3: {  	_ =	sfence.sel $0x180000  }
0xc4: {  	[bflag:$0x0] =	sbarrier.arrive $0xFFFF  }
0xc5: {  	p0 =	sne.s32 s1, $0x0;
	_ =	strace $0x90000047  }
0xc6: {  	s0 =	sadd.s32 @!p0 $0x100000, s0;
	[bflag:$0x2] =	sbarrier.arrive $0xFFFF  }
0xc7: {  	[sflag:s0] =	ssyncadd.tile.s32 @!p0 $0x1;
	_ =	shalt  }
.Lfunc_end2:
_tile_overlayer_lowered:
.L_overlay_start_2:
0xc8: {  	(tag) =	ssettag $0x2  }
0xc9: {  	s0 =	rddreg [dreg:$0x0];
	s2 =	stileid.u32  }
0xca: {  	s1 =	rddreg [dreg:$0x1];
	p0 =	sne.s32 s2, $0x0  }
0xcb: {  	s3 =	rddreg [dreg:$0x2];
	[bflag:$0x3] =	sbarrier.arrive $0xFFFF;
	s2 =	simm.s32 @!p0 $0x1C01  }
0xcc: {  	[timem:s3], [sflag:s2] =	dma.local @!p0 [hbm:s0], s1  }
0xcd: {  	s0 =	simm.s32 @!p0 $0x1  }
0xce: {  	_ =	swait.ge @!p0 [sflag:s0], s1  }
0xcf: {  	s1 =	ssub.s32 @!p0 $0x0, s1;
	[sflag:s0] =	ssyncset.done @!p0 $0x0  }
0xd0: {  	[sflag:s0] =	ssyncadd.s32 @!p0 s1  }
0xd1: {  	[bflag:$0x3] =	sbarrier.arrive $0xFFFF  }
0xd2: {  	_ =	shalt  }

// kernel: kernel.13.cloned.1.call-start
scs
__scs_entry_jumppad:
0x0: {  	(pc) =	sbr.rel $0x88, $3  }
0x1: {  	(tag) =	ssettag $0x0;
	lr =	simm.s32 $0x1  }
0x2: {  	[smem:$0x3F94] =	sst lr;
	_ =	strace $0xD0000000  }
0x3: {  	_ = 	snop  }
0x4: {  	_ = 	snop  }
0x5: {  	_ = 	snop  }
0x6: {  	_ = 	snop  }
0x7: {  	_ = 	snop  }
__scs_overlays_trampoline_lowered:
0x8: {  	[smem:$0x3FA3] =	sst s0  }
0x9: {  	[smem:$0x3FA4] =	sst s1  }
0xa: {  	[smem:$0x3FA5] =	sst s2  }
0xb: {  	[smem:$0x3FA6] =	sst s3  }
0xc: {  	[smem:$0x3FA7] =	sst s4  }
0xd: {  	[smem:$0x3FA8] =	sst s5  }
0xe: {  	[smem:$0x3FA9] =	sst s6  }
0xf: {  	[smem:$0x3FAA] =	sst s7  }
0x10: {  	[smem:$0x3FAB] =	sst s8  }
0x11: {  	[smem:$0x3FAC] =	sst s9;
	s0 =	simm.s32 @!p0 $0x0  }
0x12: {  	s1 =	sld [smem:$0x3F92];
	s0 =	simm.s32 @p0 $0x1  }
0x13: {  	[smem:$0x3FAD] =	sst s0;
	s0 =	simm.s32 @!p1 $0x0  }
0x14: {  	s2 =	sld [smem:$0x3F91];
	s0 =	simm.s32 @p1 $0x1  }
0x15: {  	[smem:$0x3FAE] =	sst s0;
	s0 =	simm.s32 @!p2 $0x0  }
0x16: {  	s3 =	sld [smem:$0x3FDB];
	s0 =	simm.s32 @p2 $0x1  }
0x17: {  	s4 =	simm.s32 $0x1BF5;
	[smem:$0x3FB0] =	sst s0  }
0x18: {  	s0 =	sld [smem:$0x3F93];
	_ =	swait.ge [sflag:s4], $0x0  }
0x19: {  	s7 =	sld [smem:$0x3F94]  }
0x1a: {  	s8 =	sadd.s32 $0xFFFFE003, lr  }
0x1b: {  	s9 =	sadd.s32 $0xFFFFFEF7, lr;
	s5 =	simm.s32 $0xFFFFFFFF;
	p2 =	slt.u32 s8, $0xFFFFF086  }
0x1c: {  	p1 =	slt.u32 s9, $0xF7A;
	s5 =	simm.s32 @!p2 $0x0  }
0x1d: {  	s5 =	simm.s32 @p1 $0x1;
	p0 =	seq.s32 s7, s2  }
0x1e: {  	s7 =	smul.u32 @!p0 $0xF7A, s2;
	p2 =	seq.s32 @!p0 s5, $0x0  }
0x1f: {  	s9 =	smul.u32 $0xF7A, s1;
	s8 =	simm.s32 @!p0 $0x1BF5;
	p2 =	por !p2, p0  }
0x20: {  	[sflag:s8] =	ssyncset.s32 @!p0 $0xFFFFF086;
	s6 =	sadd.s32 @!p0 s3, s7;
	s7 =	simm.s32 @!p0 $0x108  }
0x21: {  	s3 =	sadd.s32 s3, s9;
	s6 =	sadd.s32 @!p0 $0x88, s6;
	s7 =	simm.s32 @p2 $0x1082  }
0x22: {  	[simem:s7], [sflag:s8] =	dma.local @!p0 [hbm:s6], $0xF7A  }
0x23: {  	s9 =	sor.u32 $0xD0000000, s2;
	s6 =	simm.s32 $0x108;
	_ =	swait.ge @!p0 [sflag:s8], $0x0  }
0x24: {  	s3 =	sadd.s32 $0x88, s3;
	s6 =	simm.s32 @!p1 $0x1082;
	[sflag:s4] =	ssyncset.s32 $0xFFFFF086  }
0x25: {  	[simem:s6], [sflag:s4] =	dma.local [hbm:s3], $0xF7A  }
0x26: {  	[smem:$0x3F94] =	sst s1;
	(tag) =	ssettag s2;
	_ =	strace s9  }
0x27: {  	s1 =	sld [smem:$0x3FA4]  }
0x28: {  	s2 =	sld [smem:$0x3FA5]  }
0x29: {  	s4 =	sld [smem:$0x3FA7]  }
0x2a: {  	p0 =	seq.s32 s5, $0x0;
	s5 =	sld [smem:$0x3FA8]  }
0x2b: {  	s6 =	sld [smem:$0x3FA9]  }
0x2c: {  	s7 =	sld [smem:$0x3FAA]  }
0x2d: {  	s3 =	simm.s32 $0x108;
	s8 =	sld [smem:$0x3FAB]  }
0x2e: {  	s3 =	simm.s32 @!p0 $0x1082;
	s9 =	sld [smem:$0x3FAC]  }
0x2f: {  	lr =	sadd.s32 s0, s3;
	s0 =	sld [smem:$0x3FA3]  }
0x30: {  	s3 =	sld [smem:$0x3FA6]  }
0x31: {  	[smem:$0x3FAF] =	sst s10  }
0x32: {  	s10 =	sld [smem:$0x3FAD];
	_ =	sdelay $0x3  }
0x33: {  	p0 =	seq.s32 s10, $0x1;
	s10 =	sld [smem:$0x3FAF];
	_ =	sdelay $0x3  }
0x34: {  	[smem:$0x3FAF] =	sst s10  }
0x35: {  	s10 =	sld [smem:$0x3FAE];
	_ =	sdelay $0x3  }
0x36: {  	p1 =	seq.s32 s10, $0x1;
	s10 =	sld [smem:$0x3FAF];
	_ =	sdelay $0x3  }
0x37: {  	[smem:$0x3FAF] =	sst s10  }
0x38: {  	s10 =	sld [smem:$0x3FB0]  }
0x39: {  	_ = 	snop;
	(pc) =	sbr.ind lr, $3  }
0x3a: {  	_ = 	snop  }
0x3b: {  	_ = 	snop  }
0x3c: {  	p2 =	seq.s32 s10, $0x1;
	s10 =	sld [smem:$0x3FAF]  }
0x3d: {  	_ =	shalt  }
0x3e: {  	_ =	shalt  }
0x3f: {  	_ =	shalt  }
0x40: {  	_ =	shalt  }
0x41: {  	_ =	shalt  }
0x42: {  	_ =	shalt  }
0x43: {  	_ =	shalt  }
0x44: {  	_ =	shalt  }
0x45: {  	_ =	shalt  }
0x46: {  	_ =	shalt  }
0x47: {  	_ =	shalt  }
0x48: {  	_ =	shalt  }
0x49: {  	_ =	shalt  }
0x4a: {  	_ =	shalt  }
0x4b: {  	_ =	shalt  }
0x4c: {  	_ =	shalt  }
0x4d: {  	_ =	shalt  }
0x4e: {  	_ =	shalt  }
0x4f: {  	_ =	shalt  }
0x50: {  	_ =	shalt  }
0x51: {  	_ =	shalt  }
0x52: {  	_ =	shalt  }
0x53: {  	_ =	shalt  }
0x54: {  	_ =	shalt  }
0x55: {  	_ =	shalt  }
0x56: {  	_ =	shalt  }
0x57: {  	_ =	shalt  }
0x58: {  	_ =	shalt  }
0x59: {  	_ =	shalt  }
0x5a: {  	_ =	shalt  }
0x5b: {  	_ =	shalt  }
0x5c: {  	_ =	shalt  }
0x5d: {  	_ =	shalt  }
0x5e: {  	_ =	shalt  }
0x5f: {  	_ =	shalt  }
0x60: {  	_ =	shalt  }
0x61: {  	_ =	shalt  }
0x62: {  	_ =	shalt  }
0x63: {  	_ =	shalt  }
0x64: {  	_ =	shalt  }
0x65: {  	_ =	shalt  }
0x66: {  	_ =	shalt  }
0x67: {  	_ =	shalt  }
0x68: {  	_ =	shalt  }
0x69: {  	_ =	shalt  }
0x6a: {  	_ =	shalt  }
0x6b: {  	_ =	shalt  }
0x6c: {  	_ =	shalt  }
0x6d: {  	_ =	shalt  }
0x6e: {  	_ =	shalt  }
0x6f: {  	_ =	shalt  }
0x70: {  	_ =	shalt  }
0x71: {  	_ =	shalt  }
0x72: {  	_ =	shalt  }
0x73: {  	_ =	shalt  }
0x74: {  	_ =	shalt  }
0x75: {  	_ =	shalt  }
0x76: {  	_ =	shalt  }
0x77: {  	_ =	shalt  }
0x78: {  	_ =	shalt  }
0x79: {  	_ =	shalt  }
0x7a: {  	_ =	shalt  }
0x7b: {  	_ =	shalt  }
0x7c: {  	_ =	shalt  }
0x7d: {  	_ =	shalt  }
0x7e: {  	_ =	shalt  }
0x7f: {  	_ =	shalt  }
0x80: {  	_ =	shalt  }
0x81: {  	_ =	shalt  }
0x82: {  	_ =	shalt  }
0x83: {  	_ =	shalt  }
0x84: {  	_ =	shalt  }
0x85: {  	_ =	shalt  }
0x86: {  	_ =	shalt  }
0x87: {  	_ =	shalt  }
.Lfunc_end0:
.L_simem_size_0:
called_computation.1_lowered:
.L_overlay_start_0:
0x88: {  	s2 =	sld [smem:$0x3FD9]  }
0x89: {  	s3 =	sld [smem:$0x3FFE];
	_ =	sdelay $0x1  }
0x8a: {  	s1 =	srdreg.scid  }
0x8b: {  	s0 =	sand.u32 $0x1, s1  }
0x8c: {  	s17 =	sshll.u32 s0, $0xA;
	s2 =	sadd.s32 s3, s2  }
0x8d: {  	s2 =	sadd.s32 s2, s17  }
0x8e: {  	[smem:$0x3FBB] =	sst s2  }
0x8f: {  	_ = 	snop  }
0x90: {  	s2 =	sld [smem:$0x3FD0];
	(tm) =	ssettm $0x1  }
0x91: {  	s18 =	sld [smem:$0x3FFB];
	_ =	sdelay $0x3  }
0x92: {  	_ =	strace s18  }
0x93: {  	s3 =	sld [smem:$0x3FFC];
	_ =	sdelay $0x3  }
0x94: {  	_ =	strace s3  }
0x95: {  	s3 =	sld [smem:$0x3FFD];
	_ =	sdelay $0x3  }
0x96: {  	_ =	strace s3  }
0x97: {  	_ =	strace $0x8FFFFFFF  }
0x98: {  	s19 =	sld [smem:$0x3FDB];
	_ =	sdelay $0x1  }
0x99: {  	s4 =	simm.s32 $_scs_section_size  }
0x9a: {  	s5 =	simm.s32 $_size__tile_overlayer_lowered;
	s6 =	simm.s32 $_tile_overlayer_lowered  }
0x9b: {  	s22 =	simm.s32 $0x1BFF;
	s21 =	sshll.u32 s6, $0x1;
	s3 =	sadd.s32 s4, s19  }
0x9c: {  	s7 =	simm.s32 $0x0;
	s20 =	sshll.u32 s5, $0x1;
	s5 =	sadd.s32 s21, s3  }
0x9d: {  	[timem:s7], [sflag:s22] =	dma.local [hbm:s5], s20  }
0x9e: {  	_ =	swait.ge [sflag:s22], s20  }
0x9f: {  	s4 =	ssub.s32 $0x0, s20;
	[sflag:s22] =	ssyncset.done $0x0  }
0xa0: {  	[sflag:s22] =	ssyncadd.s32 s4;
	_ =	sdelay $0x1  }
0xa1: {  	s23 =	simm.s32 $0x1B8B  }
0xa2: {  	_ =	swait.ge [sflag:s23], $0x1  }
0xa3: {  	[sflag:s23] =	ssyncset.done $0x0  }
0xa4: {  	s25 =	simm.s32 $0x1B8E;
	s24 =	sld [smem:$0x3FFE];
	[sflag:s23] =	ssyncadd.s32 $0xFFFFFFFF  }
0xa5: {  	s26 =	simm.s32 $execute0_lowered;
	[smem:$0x3FD2] =	sst s25  }
0xa6: {  	s5 =	sshll.u32 s26, $0x1;
	_ =	strace $0x80000049;
	[dreg:$0x1] =	wrdreg $0xFFFFFFFF  }
0xa7: {  	s28 =	simm.s32 $_size_execute0_lowered;
	s3 =	sadd.s32 s3, s5;
	[dreg:$0x0] =	wrdreg $0x0  }
0xa8: {  	s5 =	sshll.u32 s28, $0x1;
	[dreg:$0x2] =	wrdreg s3  }
0xa9: {  	[dreg:$0x3] =	wrdreg s5  }
0xaa: {  	[dreg:$0x4] =	wrdreg $0xC0  }
0xab: {  	_ =	task [dreg:s7], $0x5FFFF  }
0xac: {  	[dreg:$0x1] =	wrdreg $0xFFFFFFFF  }
0xad: {  	[dreg:$0x0] =	wrdreg $0x60  }
0xae: {  	[dreg:$0x2] =	wrdreg s24  }
0xaf: {  	[dreg:$0x3] =	wrdreg s2  }
0xb0: {  	[dreg:$0x4] =	wrdreg $0x81000  }
0xb1: {  	[dreg:$0x5] =	wrdreg $0x9  }
0xb2: {  	_ =	task.clear_ibuf [dreg:s7], $0x6FFFF;
	_ =	strace $0x90000049  }
0xb3: {  	s29 =	simm.s32 $0x9;
	_ =	strace $0x8000004B  }
0xb4: {  	_ =	swait.ge [sflag:s29], $0x1  }
0xb5: {  	[sflag:s29] =	ssyncadd.s32 $0xFFFFFFFF  }
0xb6: {  	_ =	strace $0x9000004B  }
0xb7: {  	_ =	sfence  }
0xb8: {  	s30 =	sld [smem:$0x0];
	_ =	sdelay $0x2  }
0xb9: {  	s31 =	sshll.u32 s1, $0xD;
	s1 =	sshrl.u32 s1, $0x2  }
0xba: {  	s3 =	sand.u32 $0x4000, s31;
	s1 =	sadd.s32 s1, s30  }
0xbb: {  	s0 =	sor.u32 s3, s0;
	s1 =	sshll.u32 s1, $0x11  }
0xbc: {  	s0 =	sor.u32 s1, s0  }
0xbd: {  	s0 =	sadd.s32 $0x8F2B, s0  }
0xbe: {  	[sflag:s0] =	ssyncadd.remote.s32 $0x1  }
0xbf: {  	_ =	sfence.sel $0xFFFF  }
0xc0: {  	[dreg:$0x0] =	wrdreg $0xFFFFFFFF;
	(pc) =	sbr.abs _section_cstart, $3  }
0xc1: {  	[dreg:$0x1] =	wrdreg $0xFFFFFFFF  }
0xc2: {  	_ =	task.clear_ibuf [dreg:s7], $0x2FFFF;
	_ =	strace $0x9FFFFFFF  }
0xc3: {  	(tm) =	ssettm $0x7FFFFFFF  }
tec
execute0_lowered:
.L_overlay_start_1:
0x0: {  	(tag) =	ssettag $0x1  }
0x1: {  	s6 =	rddreg [dreg:$0x0]  }
0x2: {  	s2 =	rddreg [dreg:$0x1]  }
0x3: {  	s3 =	rddreg [dreg:$0x2]  }
0x4: {  	s0 =	rddreg [dreg:$0x3];
	s4 =	simm.s32 $0x0  }
0x5: {  	s1 =	stileid.u32;
	s8 =	srdreg.scid;
	s21 =	simm.s32 $0x80  }
0x6: {  	s22 =	simm.s32 $0x100;
	s23 =	simm.s32 $0x1;
	s7 =	smul.u32 $0xA20, s1  }
0x7: {  	[smem:$0x7FF] =	sst s4;
	s9 =	smul.u32 $0x50000, s1;
	s5 =	sadd.s32 $0x21800, s6  }
0x8: {  	s13 =	sand.u32 $0x1, s8;
	s11 =	smul.u32 $0x14000, s1;
	s15 =	sadd.s32 $0x49800, s6  }
0x9: {  	_ =	strace $0x8000004A;
	s24 =	ssub.s32 $0x2, s13;
	s19 =	smul.u32 $0x140000, s13  }
0xa: {  	s28 =	smul.u32 $0x510, s13;
	s16 =	sadd.s32 s7, s6;
	s25 =	sshrl.u32 s24, $0x1  }
0xb: {  	s26 =	sshrl.u32 s9, $0x2;
	s12 =	sadd.s32 $0x4000, s11;
	s14 =	sadd.s32 $0x8000, s11  }
0xc: {  	s18 =	sadd.s32 $0xC000, s11;
	s20 =	sadd.s32 $0x10000, s11;
	s17 =	ssub.s32 s24, s25  }
0xd: {  	s6 =	sadd.s32 s26, s3;
	s7 =	sadd.s32 s12, s3;
	s8 =	sadd.s32 s14, s3  }
0xe: {  	s9 =	sadd.s32 s18, s3;
	s10 =	sadd.s32 s20, s3;
	s11 =	sadd.s32 s11, s19  }
0xf: {  	s12 =	sadd.s32 s19, s12;
	s14 =	sadd.s32 s19, s14;
	s18 =	sadd.s32 s19, s18  }
0x10: {  	s19 =	sadd.s32 s19, s20;
	s31 =	sadd.s32 s28, s16;
	s20 =	simm.s32 $0x2  }
0x11: {  	s24 =	simm.s32 $0x0;
	s11 =	sshrl.u32 s11, $0x3;
	s12 =	sshrl.u32 s12, $0x3  }
0x12: {  	s14 =	sshrl.u32 s14, $0x3;
	s29 =	sshrl.u32 s18, $0x3;
	s30 =	sshrl.u32 s19, $0x3  }
0x13: {  	s16 =	smax.u32 s17, $0x1;
	s17 =	sadd.s32 $0x3400, s31;
	s18 =	sadd.s32 $0x17600, s31  }
0x14: {  	s19 =	simm.s32 $0x4100;
	s11 =	sadd.s32 s15, s11;
	s12 =	sadd.s32 s15, s12  }
0x15: {  	s13 =	sadd.s32 s15, s14;
	s14 =	sadd.s32 s15, s29;
	s15 =	sadd.s32 s15, s30  }
.LBB2_1:
0x16: {  	[tilespmem:s19], [sflag:$0x2] =	stream.linear.gather [hbm4b:s2+s4], $0x4000, $0x38;
	[tilespmem:$0x1C100] =	vst v63  }
0x17: {  	_ =	swait.ge [sflag:s20], $0x4000  }
0x18: {  	[sflag:s20] =	ssyncset.done $0x0  }
0x19: {  	[sflag:s20] =	ssyncadd.s32 $0xFFFFC000  }
0x1a: {  	[spmem:s6] =	stream.linear.scatter [tilespmem:s19], [sflag:$0x2], $0x4000, $0x38;
	[tilespmem:$0x1C100] =	vst v63  }
0x1b: {  	_ =	swait.ge [sflag:s20], $0x4000  }
0x1c: {  	[sflag:s20] =	ssyncset.done $0x0  }
0x1d: {  	[sflag:s20] =	ssyncadd.s32 $0xFFFFC000  }
0x1e: {  	[spmem:s7] =	stream.linear.scatter [tilespmem:s19], [sflag:$0x2], $0x4000, $0x38;
	[tilespmem:$0x1C100] =	vst v63  }
0x1f: {  	_ =	swait.ge [sflag:s20], $0x4000  }
0x20: {  	[sflag:s20] =	ssyncset.done $0x0  }
0x21: {  	[sflag:s20] =	ssyncadd.s32 $0xFFFFC000  }
0x22: {  	[spmem:s8] =	stream.linear.scatter [tilespmem:s19], [sflag:$0x2], $0x4000, $0x38;
	[tilespmem:$0x1C100] =	vst v63  }
0x23: {  	_ =	swait.ge [sflag:s20], $0x4000  }
0x24: {  	[sflag:s20] =	ssyncset.done $0x0  }
0x25: {  	[sflag:s20] =	ssyncadd.s32 $0xFFFFC000  }
0x26: {  	[spmem:s9] =	stream.linear.scatter [tilespmem:s19], [sflag:$0x2], $0x4000, $0x38;
	[tilespmem:$0x1C100] =	vst v63  }
0x27: {  	_ =	swait.ge [sflag:s20], $0x4000  }
0x28: {  	[sflag:s20] =	ssyncset.done $0x0  }
0x29: {  	[sflag:s20] =	ssyncadd.s32 $0xFFFFC000  }
0x2a: {  	[spmem:s10] =	stream.linear.scatter [tilespmem:s19], [sflag:$0x2], $0x4000, $0x38;
	[tilespmem:$0x1C100] =	vst v63  }
0x2b: {  	_ =	swait.ge [sflag:s20], $0x4000  }
0x2c: {  	[sflag:s20] =	ssyncset.done $0x0  }
0x2d: {  	[sflag:s20] =	ssyncadd.s32 $0xFFFFC000  }
0x2e: {  	s25 =	sadd.s32 $0x0, s18;
	[bflag:$0x0] =	sbarrier.arrive $0xFFFF  }
0x2f: {  	[tilespmem:s4], [sflag:$0x2] =	stream.linear.gather [hbm4b:s25+s4], $0x80, $0x38;
	[tilespmem:$0x1C100] =	vst v63  }
0x30: {  	_ =	swait.ge [sflag:s20], $0x80  }
0x31: {  	[sflag:s20] =	ssyncset.done $0x0  }
0x32: {  	[sflag:s20] =	ssyncadd.s32 $0xFFFFFF80  }
0x33: {  	[tilespmem:s22], [sflag:$0x1] =	stream.indirect.gather [hbm4b:s5+s21], $0x80, s4, s21, $0xb8;
	[tilespmem:$0x1C100] =	vst v63  }
0x34: {  	_ =	swait.ge [sflag:s23], $0x4000  }
0x35: {  	[sflag:s23] =	ssyncset.done $0x0  }
0x36: {  	s31 =	sadd.s32 $0x0, s17;
	[sflag:s23] =	ssyncadd.s32 $0xFFFFC000  }
0x37: {  	[tilespmem:s21], [sflag:$0x2] =	stream.linear.gather [hbm4b:s31+s4], $0x80, $0x38;
	[tilespmem:$0x1C100] =	vst v63  }
0x38: {  	_ =	swait.ge [sflag:s20], $0x80  }
0x39: {  	[sflag:s20] =	ssyncset.done $0x0  }
0x3a: {  	[sflag:s20] =	ssyncadd.s32 $0xFFFFFF80  }
0x3b: {  	[spmem:s3] =	stream.indirect.scatter.add.f32 [tilespmem:s22], [sflag:$0x2], $0x80, s21, s21, $0xb8;
	[tilespmem:$0x1C100] =	vst v63  }
0x3c: {  	_ =	swait.ge [sflag:s20], $0x4000  }
0x3d: {  	s26 =	simm.s32 $0x20;
	s25 =	simm.s32 $0x10;
	[sflag:s20] =	ssyncset.done $0x0  }
.LBB2_2:
0x3e: {  	s28 =	sadd.s32 s25, s18  }
0x3f: {  	[sflag:s20] =	ssyncadd.s32 $0xFFFFC000;
	s29 =	smov.u32 s26;
	s30 =	sadd.s32 $0x10, s26  }
0x40: {  	[tilespmem:s4], [sflag:$0x2] =	stream.linear.gather [hbm4b:s28+s4], $0x80, $0x38;
	[tilespmem:$0x1C100] =	vst v63  }
0x41: {  	p0 =	sne.s32 s26, $0x500;
	_ =	swait.ge [sflag:s20], $0x80  }
0x42: {  	[sflag:s20] =	ssyncset.done $0x0  }
0x43: {  	[sflag:s20] =	ssyncadd.s32 $0xFFFFFF80  }
0x44: {  	[tilespmem:s22], [sflag:$0x1] =	stream.indirect.gather [hbm4b:s5+s21], $0x80, s4, s21, $0xb8;
	[tilespmem:$0x1C100] =	vst v63  }
0x45: {  	_ =	swait.ge [sflag:s23], $0x4000  }
0x46: {  	[sflag:s23] =	ssyncset.done $0x0  }
0x47: {  	s26 =	sadd.s32 s25, s17;
	s25 =	smov.u32 s29;
	[sflag:s23] =	ssyncadd.s32 $0xFFFFC000  }
0x48: {  	[tilespmem:s21], [sflag:$0x2] =	stream.linear.gather [hbm4b:s26+s4], $0x80, $0x38;
	[tilespmem:$0x1C100] =	vst v63  }
0x49: {  	_ =	swait.ge [sflag:s20], $0x80  }
.Ltmp0:
0x4a: {  	[sflag:s20] =	ssyncset.done $0x0;
	(pc) =	sbr.rel @p0 .LBB2_2-.Ltmp0, $4  }
0x4b: {  	[sflag:s20] =	ssyncadd.s32 $0xFFFFFF80  }
0x4c: {  	[spmem:s3] =	stream.indirect.scatter.add.f32 [tilespmem:s22], [sflag:$0x2], $0x80, s21, s21, $0xb8;
	[tilespmem:$0x1C100] =	vst v63  }
0x4d: {  	_ =	swait.ge [sflag:s20], $0x4000  }
0x4e: {  	s26 =	smov.u32 s30;
	[sflag:s20] =	ssyncset.done $0x0  }
0x4f: {  	s26 =	sadd.s32 s25, s18;
	[sflag:s20] =	ssyncadd.s32 $0xFFFFC000  }
0x50: {  	[tilespmem:s4], [sflag:$0x2] =	stream.linear.gather [hbm4b:s26+s4], $0x80, $0x38;
	[tilespmem:$0x1C100] =	vst v63  }
0x51: {  	_ =	swait.ge [sflag:s20], $0x80  }
0x52: {  	[sflag:s20] =	ssyncset.done $0x0  }
0x53: {  	[sflag:s20] =	ssyncadd.s32 $0xFFFFFF80  }
0x54: {  	[tilespmem:s22], [sflag:$0x1] =	stream.indirect.gather [hbm4b:s5+s21], $0x80, s4, s21, $0xb8;
	[tilespmem:$0x1C100] =	vst v63  }
0x55: {  	_ =	swait.ge [sflag:s23], $0x4000  }
0x56: {  	[sflag:s23] =	ssyncset.done $0x0  }
0x57: {  	s31 =	sadd.s32 s25, s17;
	[sflag:s23] =	ssyncadd.s32 $0xFFFFC000  }
0x58: {  	[tilespmem:s21], [sflag:$0x2] =	stream.linear.gather [hbm4b:s31+s4], $0x80, $0x38;
	[tilespmem:$0x1C100] =	vst v63  }
0x59: {  	_ =	swait.ge [sflag:s20], $0x80  }
0x5a: {  	[sflag:s20] =	ssyncset.done $0x0  }
0x5b: {  	[sflag:s20] =	ssyncadd.s32 $0xFFFFFF80  }
0x5c: {  	[spmem:s3] =	stream.indirect.scatter.add.f32 [tilespmem:s22], [sflag:$0x2], $0x80, s21, s21, $0xb8;
	[tilespmem:$0x1C100] =	vst v63  }
0x5d: {  	_ =	swait.ge [sflag:s20], $0x4000  }
0x5e: {  	[sflag:s20] =	ssyncset.done $0x0  }
0x5f: {  	[sflag:s20] =	ssyncadd.s32 $0xFFFFC000  }
0x60: {  	[bflag:$0x0] =	sbarrier.arrive $0xFFFF  }
0x61: {  	[tilespmem:s19], [sflag:$0x2] =	stream.linear.gather [spmem:s6], $0x4000, $0x38;
	[tilespmem:$0x1C100] =	vst v63  }
0x62: {  	_ =	swait.ge [sflag:s20], $0x4000  }
0x63: {  	[sflag:s20] =	ssyncset.done $0x0  }
0x64: {  	[sflag:s20] =	ssyncadd.s32 $0xFFFFC000  }
0x65: {  	[hbm4b:s11+s4] =	stream.linear.scatter [tilespmem:s19], [sflag:$0x2], $0x4000, $0x38;
	[tilespmem:$0x1C100] =	vst v63  }
0x66: {  	_ =	swait.ge [sflag:s20], $0x4000  }
0x67: {  	[sflag:s20] =	ssyncset.done $0x0  }
0x68: {  	[sflag:s20] =	ssyncadd.s32 $0xFFFFC000  }
0x69: {  	[tilespmem:s19], [sflag:$0x2] =	stream.linear.gather [spmem:s7], $0x4000, $0x38;
	[tilespmem:$0x1C100] =	vst v63  }
0x6a: {  	_ =	swait.ge [sflag:s20], $0x4000  }
0x6b: {  	[sflag:s20] =	ssyncset.done $0x0  }
0x6c: {  	[sflag:s20] =	ssyncadd.s32 $0xFFFFC000  }
0x6d: {  	[hbm4b:s12+s4] =	stream.linear.scatter [tilespmem:s19], [sflag:$0x2], $0x4000, $0x38;
	[tilespmem:$0x1C100] =	vst v63  }
0x6e: {  	_ =	swait.ge [sflag:s20], $0x4000  }
0x6f: {  	[sflag:s20] =	ssyncset.done $0x0  }
0x70: {  	[sflag:s20] =	ssyncadd.s32 $0xFFFFC000  }
0x71: {  	[tilespmem:s19], [sflag:$0x2] =	stream.linear.gather [spmem:s8], $0x4000, $0x38;
	[tilespmem:$0x1C100] =	vst v63  }
0x72: {  	_ =	swait.ge [sflag:s20], $0x4000  }
0x73: {  	[sflag:s20] =	ssyncset.done $0x0  }
0x74: {  	[sflag:s20] =	ssyncadd.s32 $0xFFFFC000  }
0x75: {  	[hbm4b:s13+s4] =	stream.linear.scatter [tilespmem:s19], [sflag:$0x2], $0x4000, $0x38;
	[tilespmem:$0x1C100] =	vst v63  }
0x76: {  	_ =	swait.ge [sflag:s20], $0x4000  }
0x77: {  	[sflag:s20] =	ssyncset.done $0x0  }
0x78: {  	[sflag:s20] =	ssyncadd.s32 $0xFFFFC000  }
0x79: {  	[tilespmem:s19], [sflag:$0x2] =	stream.linear.gather [spmem:s9], $0x4000, $0x38;
	[tilespmem:$0x1C100] =	vst v63  }
0x7a: {  	_ =	swait.ge [sflag:s20], $0x4000  }
0x7b: {  	[sflag:s20] =	ssyncset.done $0x0  }
0x7c: {  	[sflag:s20] =	ssyncadd.s32 $0xFFFFC000  }
0x7d: {  	[hbm4b:s14+s4] =	stream.linear.scatter [tilespmem:s19], [sflag:$0x2], $0x4000, $0x38;
	[tilespmem:$0x1C100] =	vst v63  }
0x7e: {  	_ =	swait.ge [sflag:s20], $0x4000  }
0x7f: {  	[sflag:s20] =	ssyncset.done $0x0  }
0x80: {  	[sflag:s20] =	ssyncadd.s32 $0xFFFFC000  }
0x81: {  	[tilespmem:s19], [sflag:$0x2] =	stream.linear.gather [spmem:s10], $0x4000, $0x38;
	[tilespmem:$0x1C100] =	vst v63  }
0x82: {  	s24 =	sadd.s32 $0x1, s24;
	_ =	swait.ge [sflag:s20], $0x4000  }
0x83: {  	p0 =	sne.s32 s24, s16;
	[sflag:s20] =	ssyncset.done $0x0  }
.Ltmp1:
0x84: {  	[sflag:s20] =	ssyncadd.s32 $0xFFFFC000;
	(pc) =	sbr.rel @p0 .LBB2_1-.Ltmp1, $4  }
0x85: {  	[hbm4b:s15+s4] =	stream.linear.scatter [tilespmem:s19], [sflag:$0x2], $0x4000, $0x38;
	[tilespmem:$0x1C100] =	vst v63  }
0x86: {  	_ =	swait.ge [sflag:s20], $0x4000  }
0x87: {  	[sflag:s20] =	ssyncset.done $0x0  }
0x88: {  	[sflag:s20] =	ssyncadd.s32 $0xFFFFC000  }
0x89: {  	_ =	sfence.sel $0x180000  }
0x8a: {  	[bflag:$0x0] =	sbarrier.arrive $0xFFFF  }
0x8b: {  	p0 =	sne.s32 s1, $0x0;
	_ =	strace $0x9000004A  }
0x8c: {  	s0 =	sadd.s32 @!p0 $0x100000, s0;
	[bflag:$0x2] =	sbarrier.arrive $0xFFFF  }
0x8d: {  	[sflag:s0] =	ssyncadd.tile.s32 @!p0 $0x1;
	_ =	shalt  }
.Lfunc_end2:
_tile_overlayer_lowered:
.L_overlay_start_2:
0x8e: {  	(tag) =	ssettag $0x2  }
0x8f: {  	s0 =	rddreg [dreg:$0x0];
	s2 =	stileid.u32  }
0x90: {  	s1 =	rddreg [dreg:$0x1];
	p0 =	sne.s32 s2, $0x0  }
0x91: {  	s3 =	rddreg [dreg:$0x2];
	[bflag:$0x3] =	sbarrier.arrive $0xFFFF;
	s2 =	simm.s32 @!p0 $0x1C02  }
0x92: {  	[timem:s3], [sflag:s2] =	dma.local @!p0 [hbm:s0], s1  }
0x93: {  	s0 =	simm.s32 @!p0 $0x2  }
0x94: {  	_ =	swait.ge @!p0 [sflag:s0], s1  }
0x95: {  	s1 =	ssub.s32 @!p0 $0x0, s1;
	[sflag:s0] =	ssyncset.done @!p0 $0x0  }
0x96: {  	[sflag:s0] =	ssyncadd.s32 @!p0 s1  }
0x97: {  	[bflag:$0x3] =	sbarrier.arrive $0xFFFF  }
0x98: {  	_ =	shalt  }

// kernel: kernel.16.cloned.1.call-start
scs
__scs_entry_jumppad:
0x0: {  	(pc) =	sbr.rel $0x88, $3  }
0x1: {  	(tag) =	ssettag $0x0;
	lr =	simm.s32 $0x1  }
0x2: {  	[smem:$0x3F94] =	sst lr;
	_ =	strace $0xD0000000  }
0x3: {  	_ = 	snop  }
0x4: {  	_ = 	snop  }
0x5: {  	_ = 	snop  }
0x6: {  	_ = 	snop  }
0x7: {  	_ = 	snop  }
__scs_overlays_trampoline_lowered:
0x8: {  	[smem:$0x3FA3] =	sst s0  }
0x9: {  	[smem:$0x3FA4] =	sst s1  }
0xa: {  	[smem:$0x3FA5] =	sst s2  }
0xb: {  	[smem:$0x3FA6] =	sst s3  }
0xc: {  	[smem:$0x3FA7] =	sst s4  }
0xd: {  	[smem:$0x3FA8] =	sst s5  }
0xe: {  	[smem:$0x3FA9] =	sst s6  }
0xf: {  	[smem:$0x3FAA] =	sst s7  }
0x10: {  	[smem:$0x3FAB] =	sst s8  }
0x11: {  	[smem:$0x3FAC] =	sst s9;
	s0 =	simm.s32 @!p0 $0x0  }
0x12: {  	s1 =	sld [smem:$0x3F92];
	s0 =	simm.s32 @p0 $0x1  }
0x13: {  	[smem:$0x3FAD] =	sst s0;
	s0 =	simm.s32 @!p1 $0x0  }
0x14: {  	s2 =	sld [smem:$0x3F91];
	s0 =	simm.s32 @p1 $0x1  }
0x15: {  	[smem:$0x3FAE] =	sst s0;
	s0 =	simm.s32 @!p2 $0x0  }
0x16: {  	s3 =	sld [smem:$0x3FDB];
	s0 =	simm.s32 @p2 $0x1  }
0x17: {  	s4 =	simm.s32 $0x1BF5;
	[smem:$0x3FB0] =	sst s0  }
0x18: {  	s0 =	sld [smem:$0x3F93];
	_ =	swait.ge [sflag:s4], $0x0  }
0x19: {  	s7 =	sld [smem:$0x3F94]  }
0x1a: {  	s8 =	sadd.s32 $0xFFFFE003, lr  }
0x1b: {  	s9 =	sadd.s32 $0xFFFFFEF7, lr;
	s5 =	simm.s32 $0xFFFFFFFF;
	p2 =	slt.u32 s8, $0xFFFFF086  }
0x1c: {  	p1 =	slt.u32 s9, $0xF7A;
	s5 =	simm.s32 @!p2 $0x0  }
0x1d: {  	s5 =	simm.s32 @p1 $0x1;
	p0 =	seq.s32 s7, s2  }
0x1e: {  	s7 =	smul.u32 @!p0 $0xF7A, s2;
	p2 =	seq.s32 @!p0 s5, $0x0  }
0x1f: {  	s9 =	smul.u32 $0xF7A, s1;
	s8 =	simm.s32 @!p0 $0x1BF5;
	p2 =	por !p2, p0  }
0x20: {  	[sflag:s8] =	ssyncset.s32 @!p0 $0xFFFFF086;
	s6 =	sadd.s32 @!p0 s3, s7;
	s7 =	simm.s32 @!p0 $0x108  }
0x21: {  	s3 =	sadd.s32 s3, s9;
	s6 =	sadd.s32 @!p0 $0x88, s6;
	s7 =	simm.s32 @p2 $0x1082  }
0x22: {  	[simem:s7], [sflag:s8] =	dma.local @!p0 [hbm:s6], $0xF7A  }
0x23: {  	s9 =	sor.u32 $0xD0000000, s2;
	s6 =	simm.s32 $0x108;
	_ =	swait.ge @!p0 [sflag:s8], $0x0  }
0x24: {  	s3 =	sadd.s32 $0x88, s3;
	s6 =	simm.s32 @!p1 $0x1082;
	[sflag:s4] =	ssyncset.s32 $0xFFFFF086  }
0x25: {  	[simem:s6], [sflag:s4] =	dma.local [hbm:s3], $0xF7A  }
0x26: {  	[smem:$0x3F94] =	sst s1;
	(tag) =	ssettag s2;
	_ =	strace s9  }
0x27: {  	s1 =	sld [smem:$0x3FA4]  }
0x28: {  	s2 =	sld [smem:$0x3FA5]  }
0x29: {  	s4 =	sld [smem:$0x3FA7]  }
0x2a: {  	p0 =	seq.s32 s5, $0x0;
	s5 =	sld [smem:$0x3FA8]  }
0x2b: {  	s6 =	sld [smem:$0x3FA9]  }
0x2c: {  	s7 =	sld [smem:$0x3FAA]  }
0x2d: {  	s3 =	simm.s32 $0x108;
	s8 =	sld [smem:$0x3FAB]  }
0x2e: {  	s3 =	simm.s32 @!p0 $0x1082;
	s9 =	sld [smem:$0x3FAC]  }
0x2f: {  	lr =	sadd.s32 s0, s3;
	s0 =	sld [smem:$0x3FA3]  }
0x30: {  	s3 =	sld [smem:$0x3FA6]  }
0x31: {  	[smem:$0x3FAF] =	sst s10  }
0x32: {  	s10 =	sld [smem:$0x3FAD];
	_ =	sdelay $0x3  }
0x33: {  	p0 =	seq.s32 s10, $0x1;
	s10 =	sld [smem:$0x3FAF];
	_ =	sdelay $0x3  }
0x34: {  	[smem:$0x3FAF] =	sst s10  }
0x35: {  	s10 =	sld [smem:$0x3FAE];
	_ =	sdelay $0x3  }
0x36: {  	p1 =	seq.s32 s10, $0x1;
	s10 =	sld [smem:$0x3FAF];
	_ =	sdelay $0x3  }
0x37: {  	[smem:$0x3FAF] =	sst s10  }
0x38: {  	s10 =	sld [smem:$0x3FB0]  }
0x39: {  	_ = 	snop;
	(pc) =	sbr.ind lr, $3  }
0x3a: {  	_ = 	snop  }
0x3b: {  	_ = 	snop  }
0x3c: {  	p2 =	seq.s32 s10, $0x1;
	s10 =	sld [smem:$0x3FAF]  }
0x3d: {  	_ =	shalt  }
0x3e: {  	_ =	shalt  }
0x3f: {  	_ =	shalt  }
0x40: {  	_ =	shalt  }
0x41: {  	_ =	shalt  }
0x42: {  	_ =	shalt  }
0x43: {  	_ =	shalt  }
0x44: {  	_ =	shalt  }
0x45: {  	_ =	shalt  }
0x46: {  	_ =	shalt  }
0x47: {  	_ =	shalt  }
0x48: {  	_ =	shalt  }
0x49: {  	_ =	shalt  }
0x4a: {  	_ =	shalt  }
0x4b: {  	_ =	shalt  }
0x4c: {  	_ =	shalt  }
0x4d: {  	_ =	shalt  }
0x4e: {  	_ =	shalt  }
0x4f: {  	_ =	shalt  }
0x50: {  	_ =	shalt  }
0x51: {  	_ =	shalt  }
0x52: {  	_ =	shalt  }
0x53: {  	_ =	shalt  }
0x54: {  	_ =	shalt  }
0x55: {  	_ =	shalt  }
0x56: {  	_ =	shalt  }
0x57: {  	_ =	shalt  }
0x58: {  	_ =	shalt  }
0x59: {  	_ =	shalt  }
0x5a: {  	_ =	shalt  }
0x5b: {  	_ =	shalt  }
0x5c: {  	_ =	shalt  }
0x5d: {  	_ =	shalt  }
0x5e: {  	_ =	shalt  }
0x5f: {  	_ =	shalt  }
0x60: {  	_ =	shalt  }
0x61: {  	_ =	shalt  }
0x62: {  	_ =	shalt  }
0x63: {  	_ =	shalt  }
0x64: {  	_ =	shalt  }
0x65: {  	_ =	shalt  }
0x66: {  	_ =	shalt  }
0x67: {  	_ =	shalt  }
0x68: {  	_ =	shalt  }
0x69: {  	_ =	shalt  }
0x6a: {  	_ =	shalt  }
0x6b: {  	_ =	shalt  }
0x6c: {  	_ =	shalt  }
0x6d: {  	_ =	shalt  }
0x6e: {  	_ =	shalt  }
0x6f: {  	_ =	shalt  }
0x70: {  	_ =	shalt  }
0x71: {  	_ =	shalt  }
0x72: {  	_ =	shalt  }
0x73: {  	_ =	shalt  }
0x74: {  	_ =	shalt  }
0x75: {  	_ =	shalt  }
0x76: {  	_ =	shalt  }
0x77: {  	_ =	shalt  }
0x78: {  	_ =	shalt  }
0x79: {  	_ =	shalt  }
0x7a: {  	_ =	shalt  }
0x7b: {  	_ =	shalt  }
0x7c: {  	_ =	shalt  }
0x7d: {  	_ =	shalt  }
0x7e: {  	_ =	shalt  }
0x7f: {  	_ =	shalt  }
0x80: {  	_ =	shalt  }
0x81: {  	_ =	shalt  }
0x82: {  	_ =	shalt  }
0x83: {  	_ =	shalt  }
0x84: {  	_ =	shalt  }
0x85: {  	_ =	shalt  }
0x86: {  	_ =	shalt  }
0x87: {  	_ =	shalt  }
.Lfunc_end0:
.L_simem_size_0:
called_computation.2_lowered:
.L_overlay_start_0:
0x88: {  	s2 =	sld [smem:$0x3FD9]  }
0x89: {  	s3 =	sld [smem:$0x3FFE];
	_ =	sdelay $0x1  }
0x8a: {  	s1 =	srdreg.scid  }
0x8b: {  	s0 =	sand.u32 $0x1, s1  }
0x8c: {  	s17 =	sshll.u32 s0, $0xA;
	s2 =	sadd.s32 s3, s2  }
0x8d: {  	s2 =	sadd.s32 s2, s17  }
0x8e: {  	[smem:$0x3FBB] =	sst s2  }
0x8f: {  	_ = 	snop  }
0x90: {  	s2 =	sld [smem:$0x3FD0];
	(tm) =	ssettm $0x1  }
0x91: {  	s18 =	sld [smem:$0x3FFB];
	_ =	sdelay $0x3  }
0x92: {  	_ =	strace s18  }
0x93: {  	s3 =	sld [smem:$0x3FFC];
	_ =	sdelay $0x3  }
0x94: {  	_ =	strace s3  }
0x95: {  	s3 =	sld [smem:$0x3FFD];
	_ =	sdelay $0x3  }
0x96: {  	_ =	strace s3  }
0x97: {  	_ =	strace $0x8FFFFFFF  }
0x98: {  	s19 =	sld [smem:$0x3FDB];
	_ =	sdelay $0x1  }
0x99: {  	s4 =	simm.s32 $_scs_section_size  }
0x9a: {  	s5 =	simm.s32 $_size__tile_overlayer_lowered;
	s6 =	simm.s32 $_tile_overlayer_lowered  }
0x9b: {  	s22 =	simm.s32 $0x1BFF;
	s21 =	sshll.u32 s6, $0x1;
	s3 =	sadd.s32 s4, s19  }
0x9c: {  	s7 =	simm.s32 $0x0;
	s20 =	sshll.u32 s5, $0x1;
	s5 =	sadd.s32 s21, s3  }
0x9d: {  	[timem:s7], [sflag:s22] =	dma.local [hbm:s5], s20  }
0x9e: {  	_ =	swait.ge [sflag:s22], s20  }
0x9f: {  	s4 =	ssub.s32 $0x0, s20;
	[sflag:s22] =	ssyncset.done $0x0  }
0xa0: {  	[sflag:s22] =	ssyncadd.s32 s4;
	_ =	sdelay $0x1  }
0xa1: {  	s23 =	simm.s32 $0x1B8B  }
0xa2: {  	_ =	swait.ge [sflag:s23], $0x1  }
0xa3: {  	[sflag:s23] =	ssyncset.done $0x0  }
0xa4: {  	s25 =	simm.s32 $0x1B8E;
	s24 =	sld [smem:$0x3FFE];
	[sflag:s23] =	ssyncadd.s32 $0xFFFFFFFF  }
0xa5: {  	s26 =	simm.s32 $execute0_lowered;
	[smem:$0x3FD2] =	sst s25  }
0xa6: {  	s5 =	sshll.u32 s26, $0x1;
	_ =	strace $0x8000004C;
	[dreg:$0x1] =	wrdreg $0xFFFFFFFF  }
0xa7: {  	s28 =	simm.s32 $_size_execute0_lowered;
	s3 =	sadd.s32 s3, s5;
	[dreg:$0x0] =	wrdreg $0x0  }
0xa8: {  	s5 =	sshll.u32 s28, $0x1;
	[dreg:$0x2] =	wrdreg s3  }
0xa9: {  	[dreg:$0x3] =	wrdreg s5  }
0xaa: {  	[dreg:$0x4] =	wrdreg $0xC0  }
0xab: {  	_ =	task [dreg:s7], $0x5FFFF  }
0xac: {  	[dreg:$0x1] =	wrdreg $0xFFFFFFFF  }
0xad: {  	[dreg:$0x0] =	wrdreg $0x60  }
0xae: {  	[dreg:$0x2] =	wrdreg s24  }
0xaf: {  	[dreg:$0x3] =	wrdreg s2  }
0xb0: {  	[dreg:$0x4] =	wrdreg $0x81000  }
0xb1: {  	[dreg:$0x5] =	wrdreg $0x9  }
0xb2: {  	_ =	task.clear_ibuf [dreg:s7], $0x6FFFF;
	_ =	strace $0x9000004C  }
0xb3: {  	s29 =	simm.s32 $0x9;
	_ =	strace $0x8000004E  }
0xb4: {  	_ =	swait.ge [sflag:s29], $0x1  }
0xb5: {  	[sflag:s29] =	ssyncadd.s32 $0xFFFFFFFF  }
0xb6: {  	_ =	strace $0x9000004E  }
0xb7: {  	_ =	sfence  }
0xb8: {  	s30 =	sld [smem:$0x0];
	_ =	sdelay $0x2  }
0xb9: {  	s31 =	sshll.u32 s1, $0xD;
	s1 =	sshrl.u32 s1, $0x2  }
0xba: {  	s3 =	sand.u32 $0x4000, s31;
	s1 =	sadd.s32 s1, s30  }
0xbb: {  	s0 =	sor.u32 s3, s0;
	s1 =	sshll.u32 s1, $0x11  }
0xbc: {  	s0 =	sor.u32 s1, s0  }
0xbd: {  	s0 =	sadd.s32 $0x8F2B, s0  }
0xbe: {  	[sflag:s0] =	ssyncadd.remote.s32 $0x1  }
0xbf: {  	_ =	sfence.sel $0xFFFF  }
0xc0: {  	[dreg:$0x0] =	wrdreg $0xFFFFFFFF;
	(pc) =	sbr.abs _section_cstart, $3  }
0xc1: {  	[dreg:$0x1] =	wrdreg $0xFFFFFFFF  }
0xc2: {  	_ =	task.clear_ibuf [dreg:s7], $0x2FFFF;
	_ =	strace $0x9FFFFFFF  }
0xc3: {  	(tm) =	ssettm $0x7FFFFFFF  }
tec
execute0_lowered:
.L_overlay_start_1:
0x0: {  	(tag) =	ssettag $0x1  }
0x1: {  	s6 =	rddreg [dreg:$0x0]  }
0x2: {  	s2 =	rddreg [dreg:$0x1]  }
0x3: {  	s3 =	rddreg [dreg:$0x2]  }
0x4: {  	s0 =	rddreg [dreg:$0x3];
	s4 =	simm.s32 $0x0  }
0x5: {  	s1 =	stileid.u32;
	s8 =	srdreg.scid;
	s21 =	simm.s32 $0x80  }
0x6: {  	s22 =	simm.s32 $0x100;
	s23 =	simm.s32 $0x1;
	s7 =	smul.u32 $0xA20, s1  }
0x7: {  	[smem:$0x7FF] =	sst s4;
	s9 =	smul.u32 $0x50000, s1;
	s5 =	sadd.s32 $0x21800, s6  }
0x8: {  	s13 =	sand.u32 $0x1, s8;
	s11 =	smul.u32 $0x14000, s1;
	s15 =	sadd.s32 $0x49800, s6  }
0x9: {  	_ =	strace $0x8000004D;
	s24 =	ssub.s32 $0x2, s13;
	s19 =	smul.u32 $0x140000, s13  }
0xa: {  	s28 =	smul.u32 $0x510, s13;
	s16 =	sadd.s32 s7, s6;
	s25 =	sshrl.u32 s24, $0x1  }
0xb: {  	s26 =	sshrl.u32 s9, $0x2;
	s12 =	sadd.s32 $0x4000, s11;
	s14 =	sadd.s32 $0x8000, s11  }
0xc: {  	s18 =	sadd.s32 $0xC000, s11;
	s20 =	sadd.s32 $0x10000, s11;
	s17 =	ssub.s32 s24, s25  }
0xd: {  	s6 =	sadd.s32 s26, s3;
	s7 =	sadd.s32 s12, s3;
	s8 =	sadd.s32 s14, s3  }
0xe: {  	s9 =	sadd.s32 s18, s3;
	s10 =	sadd.s32 s20, s3;
	s11 =	sadd.s32 s11, s19  }
0xf: {  	s12 =	sadd.s32 s19, s12;
	s14 =	sadd.s32 s19, s14;
	s18 =	sadd.s32 s19, s18  }
0x10: {  	s19 =	sadd.s32 s19, s20;
	s31 =	sadd.s32 s28, s16;
	s20 =	simm.s32 $0x2  }
0x11: {  	s24 =	simm.s32 $0x0;
	s11 =	sshrl.u32 s11, $0x3;
	s12 =	sshrl.u32 s12, $0x3  }
0x12: {  	s14 =	sshrl.u32 s14, $0x3;
	s29 =	sshrl.u32 s18, $0x3;
	s30 =	sshrl.u32 s19, $0x3  }
0x13: {  	s16 =	smax.u32 s17, $0x1;
	s17 =	sadd.s32 $0x3400, s31;
	s18 =	sadd.s32 $0x17600, s31  }
0x14: {  	s19 =	simm.s32 $0x4100;
	s11 =	sadd.s32 s15, s11;
	s12 =	sadd.s32 s15, s12  }
0x15: {  	s13 =	sadd.s32 s15, s14;
	s14 =	sadd.s32 s15, s29;
	s15 =	sadd.s32 s15, s30  }
.LBB2_1:
0x16: {  	[tilespmem:s19], [sflag:$0x2] =	stream.linear.gather [hbm4b:s2+s4], $0x4000, $0x38;
	[tilespmem:$0x1C100] =	vst v63  }
0x17: {  	_ =	swait.ge [sflag:s20], $0x4000  }
0x18: {  	[sflag:s20] =	ssyncset.done $0x0  }
0x19: {  	[sflag:s20] =	ssyncadd.s32 $0xFFFFC000  }
0x1a: {  	[spmem:s6] =	stream.linear.scatter [tilespmem:s19], [sflag:$0x2], $0x4000, $0x38;
	[tilespmem:$0x1C100] =	vst v63  }
0x1b: {  	_ =	swait.ge [sflag:s20], $0x4000  }
0x1c: {  	[sflag:s20] =	ssyncset.done $0x0  }
0x1d: {  	[sflag:s20] =	ssyncadd.s32 $0xFFFFC000  }
0x1e: {  	[spmem:s7] =	stream.linear.scatter [tilespmem:s19], [sflag:$0x2], $0x4000, $0x38;
	[tilespmem:$0x1C100] =	vst v63  }
0x1f: {  	_ =	swait.ge [sflag:s20], $0x4000  }
0x20: {  	[sflag:s20] =	ssyncset.done $0x0  }
0x21: {  	[sflag:s20] =	ssyncadd.s32 $0xFFFFC000  }
0x22: {  	[spmem:s8] =	stream.linear.scatter [tilespmem:s19], [sflag:$0x2], $0x4000, $0x38;
	[tilespmem:$0x1C100] =	vst v63  }
0x23: {  	_ =	swait.ge [sflag:s20], $0x4000  }
0x24: {  	[sflag:s20] =	ssyncset.done $0x0  }
0x25: {  	[sflag:s20] =	ssyncadd.s32 $0xFFFFC000  }
0x26: {  	[spmem:s9] =	stream.linear.scatter [tilespmem:s19], [sflag:$0x2], $0x4000, $0x38;
	[tilespmem:$0x1C100] =	vst v63  }
0x27: {  	_ =	swait.ge [sflag:s20], $0x4000  }
0x28: {  	[sflag:s20] =	ssyncset.done $0x0  }
0x29: {  	[sflag:s20] =	ssyncadd.s32 $0xFFFFC000  }
0x2a: {  	[spmem:s10] =	stream.linear.scatter [tilespmem:s19], [sflag:$0x2], $0x4000, $0x38;
	[tilespmem:$0x1C100] =	vst v63  }
0x2b: {  	_ =	swait.ge [sflag:s20], $0x4000  }
0x2c: {  	[sflag:s20] =	ssyncset.done $0x0  }
0x2d: {  	[sflag:s20] =	ssyncadd.s32 $0xFFFFC000  }
0x2e: {  	s25 =	sadd.s32 $0x0, s18;
	[bflag:$0x0] =	sbarrier.arrive $0xFFFF  }
0x2f: {  	[tilespmem:s4], [sflag:$0x2] =	stream.linear.gather [hbm4b:s25+s4], $0x80, $0x38;
	[tilespmem:$0x1C100] =	vst v63  }
0x30: {  	_ =	swait.ge [sflag:s20], $0x80  }
0x31: {  	[sflag:s20] =	ssyncset.done $0x0  }
0x32: {  	[sflag:s20] =	ssyncadd.s32 $0xFFFFFF80  }
0x33: {  	[tilespmem:s22], [sflag:$0x1] =	stream.indirect.gather [hbm4b:s5+s21], $0x80, s4, s21, $0xb8;
	[tilespmem:$0x1C100] =	vst v63  }
0x34: {  	_ =	swait.ge [sflag:s23], $0x4000  }
0x35: {  	[sflag:s23] =	ssyncset.done $0x0  }
0x36: {  	s31 =	sadd.s32 $0x0, s17;
	[sflag:s23] =	ssyncadd.s32 $0xFFFFC000  }
0x37: {  	[tilespmem:s21], [sflag:$0x2] =	stream.linear.gather [hbm4b:s31+s4], $0x80, $0x38;
	[tilespmem:$0x1C100] =	vst v63  }
0x38: {  	_ =	swait.ge [sflag:s20], $0x80  }
0x39: {  	[sflag:s20] =	ssyncset.done $0x0  }
0x3a: {  	[sflag:s20] =	ssyncadd.s32 $0xFFFFFF80  }
0x3b: {  	[spmem:s3] =	stream.indirect.scatter.add.f32 [tilespmem:s22], [sflag:$0x2], $0x80, s21, s21, $0xb8;
	[tilespmem:$0x1C100] =	vst v63  }
0x3c: {  	_ =	swait.ge [sflag:s20], $0x4000  }
0x3d: {  	s26 =	simm.s32 $0x20;
	s25 =	simm.s32 $0x10;
	[sflag:s20] =	ssyncset.done $0x0  }
.LBB2_2:
0x3e: {  	s28 =	sadd.s32 s25, s18  }
0x3f: {  	[sflag:s20] =	ssyncadd.s32 $0xFFFFC000;
	s29 =	smov.u32 s26;
	s30 =	sadd.s32 $0x10, s26  }
0x40: {  	[tilespmem:s4], [sflag:$0x2] =	stream.linear.gather [hbm4b:s28+s4], $0x80, $0x38;
	[tilespmem:$0x1C100] =	vst v63  }
0x41: {  	p0 =	sne.s32 s26, $0x500;
	_ =	swait.ge [sflag:s20], $0x80  }
0x42: {  	[sflag:s20] =	ssyncset.done $0x0  }
0x43: {  	[sflag:s20] =	ssyncadd.s32 $0xFFFFFF80  }
0x44: {  	[tilespmem:s22], [sflag:$0x1] =	stream.indirect.gather [hbm4b:s5+s21], $0x80, s4, s21, $0xb8;
	[tilespmem:$0x1C100] =	vst v63  }
0x45: {  	_ =	swait.ge [sflag:s23], $0x4000  }
0x46: {  	[sflag:s23] =	ssyncset.done $0x0  }
0x47: {  	s26 =	sadd.s32 s25, s17;
	s25 =	smov.u32 s29;
	[sflag:s23] =	ssyncadd.s32 $0xFFFFC000  }
0x48: {  	[tilespmem:s21], [sflag:$0x2] =	stream.linear.gather [hbm4b:s26+s4], $0x80, $0x38;
	[tilespmem:$0x1C100] =	vst v63  }
0x49: {  	_ =	swait.ge [sflag:s20], $0x80  }
.Ltmp0:
0x4a: {  	[sflag:s20] =	ssyncset.done $0x0;
	(pc) =	sbr.rel @p0 .LBB2_2-.Ltmp0, $4  }
0x4b: {  	[sflag:s20] =	ssyncadd.s32 $0xFFFFFF80  }
0x4c: {  	[spmem:s3] =	stream.indirect.scatter.add.f32 [tilespmem:s22], [sflag:$0x2], $0x80, s21, s21, $0xb8;
	[tilespmem:$0x1C100] =	vst v63  }
0x4d: {  	_ =	swait.ge [sflag:s20], $0x4000  }
0x4e: {  	s26 =	smov.u32 s30;
	[sflag:s20] =	ssyncset.done $0x0  }
0x4f: {  	s26 =	sadd.s32 s25, s18;
	[sflag:s20] =	ssyncadd.s32 $0xFFFFC000  }
0x50: {  	[tilespmem:s4], [sflag:$0x2] =	stream.linear.gather [hbm4b:s26+s4], $0x80, $0x38;
	[tilespmem:$0x1C100] =	vst v63  }
0x51: {  	_ =	swait.ge [sflag:s20], $0x80  }
0x52: {  	[sflag:s20] =	ssyncset.done $0x0  }
0x53: {  	[sflag:s20] =	ssyncadd.s32 $0xFFFFFF80  }
0x54: {  	[tilespmem:s22], [sflag:$0x1] =	stream.indirect.gather [hbm4b:s5+s21], $0x80, s4, s21, $0xb8;
	[tilespmem:$0x1C100] =	vst v63  }
0x55: {  	_ =	swait.ge [sflag:s23], $0x4000  }
0x56: {  	[sflag:s23] =	ssyncset.done $0x0  }
0x57: {  	s31 =	sadd.s32 s25, s17;
	[sflag:s23] =	ssyncadd.s32 $0xFFFFC000  }
0x58: {  	[tilespmem:s21], [sflag:$0x2] =	stream.linear.gather [hbm4b:s31+s4], $0x80, $0x38;
	[tilespmem:$0x1C100] =	vst v63  }
0x59: {  	_ =	swait.ge [sflag:s20], $0x80  }
0x5a: {  	[sflag:s20] =	ssyncset.done $0x0  }
0x5b: {  	[sflag:s20] =	ssyncadd.s32 $0xFFFFFF80  }
0x5c: {  	[spmem:s3] =	stream.indirect.scatter.add.f32 [tilespmem:s22], [sflag:$0x2], $0x80, s21, s21, $0xb8;
	[tilespmem:$0x1C100] =	vst v63  }
0x5d: {  	_ =	swait.ge [sflag:s20], $0x4000  }
0x5e: {  	[sflag:s20] =	ssyncset.done $0x0  }
0x5f: {  	[sflag:s20] =	ssyncadd.s32 $0xFFFFC000  }
0x60: {  	[bflag:$0x0] =	sbarrier.arrive $0xFFFF  }
0x61: {  	[tilespmem:s19], [sflag:$0x2] =	stream.linear.gather [spmem:s6], $0x4000, $0x38;
	[tilespmem:$0x1C100] =	vst v63  }
0x62: {  	_ =	swait.ge [sflag:s20], $0x4000  }
0x63: {  	[sflag:s20] =	ssyncset.done $0x0  }
0x64: {  	[sflag:s20] =	ssyncadd.s32 $0xFFFFC000  }
0x65: {  	[hbm4b:s11+s4] =	stream.linear.scatter [tilespmem:s19], [sflag:$0x2], $0x4000, $0x38;
	[tilespmem:$0x1C100] =	vst v63  }
0x66: {  	_ =	swait.ge [sflag:s20], $0x4000  }
0x67: {  	[sflag:s20] =	ssyncset.done $0x0  }
0x68: {  	[sflag:s20] =	ssyncadd.s32 $0xFFFFC000  }
0x69: {  	[tilespmem:s19], [sflag:$0x2] =	stream.linear.gather [spmem:s7], $0x4000, $0x38;
	[tilespmem:$0x1C100] =	vst v63  }
0x6a: {  	_ =	swait.ge [sflag:s20], $0x4000  }
0x6b: {  	[sflag:s20] =	ssyncset.done $0x0  }
0x6c: {  	[sflag:s20] =	ssyncadd.s32 $0xFFFFC000  }
0x6d: {  	[hbm4b:s12+s4] =	stream.linear.scatter [tilespmem:s19], [sflag:$0x2], $0x4000, $0x38;
	[tilespmem:$0x1C100] =	vst v63  }
0x6e: {  	_ =	swait.ge [sflag:s20], $0x4000  }
0x6f: {  	[sflag:s20] =	ssyncset.done $0x0  }
0x70: {  	[sflag:s20] =	ssyncadd.s32 $0xFFFFC000  }
0x71: {  	[tilespmem:s19], [sflag:$0x2] =	stream.linear.gather [spmem:s8], $0x4000, $0x38;
	[tilespmem:$0x1C100] =	vst v63  }
0x72: {  	_ =	swait.ge [sflag:s20], $0x4000  }
0x73: {  	[sflag:s20] =	ssyncset.done $0x0  }
0x74: {  	[sflag:s20] =	ssyncadd.s32 $0xFFFFC000  }
0x75: {  	[hbm4b:s13+s4] =	stream.linear.scatter [tilespmem:s19], [sflag:$0x2], $0x4000, $0x38;
	[tilespmem:$0x1C100] =	vst v63  }
0x76: {  	_ =	swait.ge [sflag:s20], $0x4000  }
0x77: {  	[sflag:s20] =	ssyncset.done $0x0  }
0x78: {  	[sflag:s20] =	ssyncadd.s32 $0xFFFFC000  }
0x79: {  	[tilespmem:s19], [sflag:$0x2] =	stream.linear.gather [spmem:s9], $0x4000, $0x38;
	[tilespmem:$0x1C100] =	vst v63  }
0x7a: {  	_ =	swait.ge [sflag:s20], $0x4000  }
0x7b: {  	[sflag:s20] =	ssyncset.done $0x0  }
0x7c: {  	[sflag:s20] =	ssyncadd.s32 $0xFFFFC000  }
0x7d: {  	[hbm4b:s14+s4] =	stream.linear.scatter [tilespmem:s19], [sflag:$0x2], $0x4000, $0x38;
	[tilespmem:$0x1C100] =	vst v63  }
0x7e: {  	_ =	swait.ge [sflag:s20], $0x4000  }
0x7f: {  	[sflag:s20] =	ssyncset.done $0x0  }
0x80: {  	[sflag:s20] =	ssyncadd.s32 $0xFFFFC000  }
0x81: {  	[tilespmem:s19], [sflag:$0x2] =	stream.linear.gather [spmem:s10], $0x4000, $0x38;
	[tilespmem:$0x1C100] =	vst v63  }
0x82: {  	s24 =	sadd.s32 $0x1, s24;
	_ =	swait.ge [sflag:s20], $0x4000  }
0x83: {  	p0 =	sne.s32 s24, s16;
	[sflag:s20] =	ssyncset.done $0x0  }
.Ltmp1:
0x84: {  	[sflag:s20] =	ssyncadd.s32 $0xFFFFC000;
	(pc) =	sbr.rel @p0 .LBB2_1-.Ltmp1, $4  }
0x85: {  	[hbm4b:s15+s4] =	stream.linear.scatter [tilespmem:s19], [sflag:$0x2], $0x4000, $0x38;
	[tilespmem:$0x1C100] =	vst v63  }
0x86: {  	_ =	swait.ge [sflag:s20], $0x4000  }
0x87: {  	[sflag:s20] =	ssyncset.done $0x0  }
0x88: {  	[sflag:s20] =	ssyncadd.s32 $0xFFFFC000  }
0x89: {  	_ =	sfence.sel $0x180000  }
0x8a: {  	[bflag:$0x0] =	sbarrier.arrive $0xFFFF  }
0x8b: {  	p0 =	sne.s32 s1, $0x0;
	_ =	strace $0x9000004D  }
0x8c: {  	s0 =	sadd.s32 @!p0 $0x100000, s0;
	[bflag:$0x2] =	sbarrier.arrive $0xFFFF  }
0x8d: {  	[sflag:s0] =	ssyncadd.tile.s32 @!p0 $0x1;
	_ =	shalt  }
.Lfunc_end2:
_tile_overlayer_lowered:
.L_overlay_start_2:
0x8e: {  	(tag) =	ssettag $0x2  }
0x8f: {  	s0 =	rddreg [dreg:$0x0];
	s2 =	stileid.u32  }
0x90: {  	s1 =	rddreg [dreg:$0x1];
	p0 =	sne.s32 s2, $0x0  }
0x91: {  	s3 =	rddreg [dreg:$0x2];
	[bflag:$0x3] =	sbarrier.arrive $0xFFFF;
	s2 =	simm.s32 @!p0 $0x1C02  }
0x92: {  	[timem:s3], [sflag:s2] =	dma.local @!p0 [hbm:s0], s1  }
0x93: {  	s0 =	simm.s32 @!p0 $0x2  }
0x94: {  	_ =	swait.ge @!p0 [sflag:s0], s1  }
0x95: {  	s1 =	ssub.s32 @!p0 $0x0, s1;
	[sflag:s0] =	ssyncset.done @!p0 $0x0  }
0x96: {  	[sflag:s0] =	ssyncadd.s32 @!p0 s1  }
0x97: {  	[bflag:$0x3] =	sbarrier.arrive $0xFFFF  }
0x98: {  	_ =	shalt  }

// kernel: kernel.19.cloned.1.call-start
scs
__scs_entry_jumppad:
0x0: {  	(pc) =	sbr.rel $0x88, $3  }
0x1: {  	(tag) =	ssettag $0x0;
	lr =	simm.s32 $0x1  }
0x2: {  	[smem:$0x3F94] =	sst lr;
	_ =	strace $0xD0000000  }
0x3: {  	_ = 	snop  }
0x4: {  	_ = 	snop  }
0x5: {  	_ = 	snop  }
0x6: {  	_ = 	snop  }
0x7: {  	_ = 	snop  }
__scs_overlays_trampoline_lowered:
0x8: {  	[smem:$0x3FA3] =	sst s0  }
0x9: {  	[smem:$0x3FA4] =	sst s1  }
0xa: {  	[smem:$0x3FA5] =	sst s2  }
0xb: {  	[smem:$0x3FA6] =	sst s3  }
0xc: {  	[smem:$0x3FA7] =	sst s4  }
0xd: {  	[smem:$0x3FA8] =	sst s5  }
0xe: {  	[smem:$0x3FA9] =	sst s6  }
0xf: {  	[smem:$0x3FAA] =	sst s7  }
0x10: {  	[smem:$0x3FAB] =	sst s8  }
0x11: {  	[smem:$0x3FAC] =	sst s9;
	s0 =	simm.s32 @!p0 $0x0  }
0x12: {  	s1 =	sld [smem:$0x3F92];
	s0 =	simm.s32 @p0 $0x1  }
0x13: {  	[smem:$0x3FAD] =	sst s0;
	s0 =	simm.s32 @!p1 $0x0  }
0x14: {  	s2 =	sld [smem:$0x3F91];
	s0 =	simm.s32 @p1 $0x1  }
0x15: {  	[smem:$0x3FAE] =	sst s0;
	s0 =	simm.s32 @!p2 $0x0  }
0x16: {  	s3 =	sld [smem:$0x3FDB];
	s0 =	simm.s32 @p2 $0x1  }
0x17: {  	s4 =	simm.s32 $0x1BF5;
	[smem:$0x3FB0] =	sst s0  }
0x18: {  	s0 =	sld [smem:$0x3F93];
	_ =	swait.ge [sflag:s4], $0x0  }
0x19: {  	s7 =	sld [smem:$0x3F94]  }
0x1a: {  	s8 =	sadd.s32 $0xFFFFE003, lr  }
0x1b: {  	s9 =	sadd.s32 $0xFFFFFEF7, lr;
	s5 =	simm.s32 $0xFFFFFFFF;
	p2 =	slt.u32 s8, $0xFFFFF086  }
0x1c: {  	p1 =	slt.u32 s9, $0xF7A;
	s5 =	simm.s32 @!p2 $0x0  }
0x1d: {  	s5 =	simm.s32 @p1 $0x1;
	p0 =	seq.s32 s7, s2  }
0x1e: {  	s7 =	smul.u32 @!p0 $0xF7A, s2;
	p2 =	seq.s32 @!p0 s5, $0x0  }
0x1f: {  	s9 =	smul.u32 $0xF7A, s1;
	s8 =	simm.s32 @!p0 $0x1BF5;
	p2 =	por !p2, p0  }
0x20: {  	[sflag:s8] =	ssyncset.s32 @!p0 $0xFFFFF086;
	s6 =	sadd.s32 @!p0 s3, s7;
	s7 =	simm.s32 @!p0 $0x108  }
0x21: {  	s3 =	sadd.s32 s3, s9;
	s6 =	sadd.s32 @!p0 $0x88, s6;
	s7 =	simm.s32 @p2 $0x1082  }
0x22: {  	[simem:s7], [sflag:s8] =	dma.local @!p0 [hbm:s6], $0xF7A  }
0x23: {  	s9 =	sor.u32 $0xD0000000, s2;
	s6 =	simm.s32 $0x108;
	_ =	swait.ge @!p0 [sflag:s8], $0x0  }
0x24: {  	s3 =	sadd.s32 $0x88, s3;
	s6 =	simm.s32 @!p1 $0x1082;
	[sflag:s4] =	ssyncset.s32 $0xFFFFF086  }
0x25: {  	[simem:s6], [sflag:s4] =	dma.local [hbm:s3], $0xF7A  }
0x26: {  	[smem:$0x3F94] =	sst s1;
	(tag) =	ssettag s2;
	_ =	strace s9  }
0x27: {  	s1 =	sld [smem:$0x3FA4]  }
0x28: {  	s2 =	sld [smem:$0x3FA5]  }
0x29: {  	s4 =	sld [smem:$0x3FA7]  }
0x2a: {  	p0 =	seq.s32 s5, $0x0;
	s5 =	sld [smem:$0x3FA8]  }
0x2b: {  	s6 =	sld [smem:$0x3FA9]  }
0x2c: {  	s7 =	sld [smem:$0x3FAA]  }
0x2d: {  	s3 =	simm.s32 $0x108;
	s8 =	sld [smem:$0x3FAB]  }
0x2e: {  	s3 =	simm.s32 @!p0 $0x1082;
	s9 =	sld [smem:$0x3FAC]  }
0x2f: {  	lr =	sadd.s32 s0, s3;
	s0 =	sld [smem:$0x3FA3]  }
0x30: {  	s3 =	sld [smem:$0x3FA6]  }
0x31: {  	[smem:$0x3FAF] =	sst s10  }
0x32: {  	s10 =	sld [smem:$0x3FAD];
	_ =	sdelay $0x3  }
0x33: {  	p0 =	seq.s32 s10, $0x1;
	s10 =	sld [smem:$0x3FAF];
	_ =	sdelay $0x3  }
0x34: {  	[smem:$0x3FAF] =	sst s10  }
0x35: {  	s10 =	sld [smem:$0x3FAE];
	_ =	sdelay $0x3  }
0x36: {  	p1 =	seq.s32 s10, $0x1;
	s10 =	sld [smem:$0x3FAF];
	_ =	sdelay $0x3  }
0x37: {  	[smem:$0x3FAF] =	sst s10  }
0x38: {  	s10 =	sld [smem:$0x3FB0]  }
0x39: {  	_ = 	snop;
	(pc) =	sbr.ind lr, $3  }
0x3a: {  	_ = 	snop  }
0x3b: {  	_ = 	snop  }
0x3c: {  	p2 =	seq.s32 s10, $0x1;
	s10 =	sld [smem:$0x3FAF]  }
0x3d: {  	_ =	shalt  }
0x3e: {  	_ =	shalt  }
0x3f: {  	_ =	shalt  }
0x40: {  	_ =	shalt  }
0x41: {  	_ =	shalt  }
0x42: {  	_ =	shalt  }
0x43: {  	_ =	shalt  }
0x44: {  	_ =	shalt  }
0x45: {  	_ =	shalt  }
0x46: {  	_ =	shalt  }
0x47: {  	_ =	shalt  }
0x48: {  	_ =	shalt  }
0x49: {  	_ =	shalt  }
0x4a: {  	_ =	shalt  }
0x4b: {  	_ =	shalt  }
0x4c: {  	_ =	shalt  }
0x4d: {  	_ =	shalt  }
0x4e: {  	_ =	shalt  }
0x4f: {  	_ =	shalt  }
0x50: {  	_ =	shalt  }
0x51: {  	_ =	shalt  }
0x52: {  	_ =	shalt  }
0x53: {  	_ =	shalt  }
0x54: {  	_ =	shalt  }
0x55: {  	_ =	shalt  }
0x56: {  	_ =	shalt  }
0x57: {  	_ =	shalt  }
0x58: {  	_ =	shalt  }
0x59: {  	_ =	shalt  }
0x5a: {  	_ =	shalt  }
0x5b: {  	_ =	shalt  }
0x5c: {  	_ =	shalt  }
0x5d: {  	_ =	shalt  }
0x5e: {  	_ =	shalt  }
0x5f: {  	_ =	shalt  }
0x60: {  	_ =	shalt  }
0x61: {  	_ =	shalt  }
0x62: {  	_ =	shalt  }
0x63: {  	_ =	shalt  }
0x64: {  	_ =	shalt  }
0x65: {  	_ =	shalt  }
0x66: {  	_ =	shalt  }
0x67: {  	_ =	shalt  }
0x68: {  	_ =	shalt  }
0x69: {  	_ =	shalt  }
0x6a: {  	_ =	shalt  }
0x6b: {  	_ =	shalt  }
0x6c: {  	_ =	shalt  }
0x6d: {  	_ =	shalt  }
0x6e: {  	_ =	shalt  }
0x6f: {  	_ =	shalt  }
0x70: {  	_ =	shalt  }
0x71: {  	_ =	shalt  }
0x72: {  	_ =	shalt  }
0x73: {  	_ =	shalt  }
0x74: {  	_ =	shalt  }
0x75: {  	_ =	shalt  }
0x76: {  	_ =	shalt  }
0x77: {  	_ =	shalt  }
0x78: {  	_ =	shalt  }
0x79: {  	_ =	shalt  }
0x7a: {  	_ =	shalt  }
0x7b: {  	_ =	shalt  }
0x7c: {  	_ =	shalt  }
0x7d: {  	_ =	shalt  }
0x7e: {  	_ =	shalt  }
0x7f: {  	_ =	shalt  }
0x80: {  	_ =	shalt  }
0x81: {  	_ =	shalt  }
0x82: {  	_ =	shalt  }
0x83: {  	_ =	shalt  }
0x84: {  	_ =	shalt  }
0x85: {  	_ =	shalt  }
0x86: {  	_ =	shalt  }
0x87: {  	_ =	shalt  }
.Lfunc_end0:
.L_simem_size_0:
called_computation.3_lowered:
.L_overlay_start_0:
0x88: {  	s2 =	sld [smem:$0x3FD9]  }
0x89: {  	s3 =	sld [smem:$0x3FFE];
	_ =	sdelay $0x1  }
0x8a: {  	s1 =	srdreg.scid  }
0x8b: {  	s0 =	sand.u32 $0x1, s1  }
0x8c: {  	s17 =	sshll.u32 s0, $0xA;
	s2 =	sadd.s32 s3, s2  }
0x8d: {  	s2 =	sadd.s32 s2, s17  }
0x8e: {  	[smem:$0x3FBB] =	sst s2  }
0x8f: {  	_ = 	snop  }
0x90: {  	s2 =	sld [smem:$0x3FD0];
	(tm) =	ssettm $0x1  }
0x91: {  	s18 =	sld [smem:$0x3FFB];
	_ =	sdelay $0x3  }
0x92: {  	_ =	strace s18  }
0x93: {  	s3 =	sld [smem:$0x3FFC];
	_ =	sdelay $0x3  }
0x94: {  	_ =	strace s3  }
0x95: {  	s3 =	sld [smem:$0x3FFD];
	_ =	sdelay $0x3  }
0x96: {  	_ =	strace s3  }
0x97: {  	_ =	strace $0x8FFFFFFF  }
0x98: {  	s19 =	sld [smem:$0x3FDB];
	_ =	sdelay $0x1  }
0x99: {  	s4 =	simm.s32 $_scs_section_size  }
0x9a: {  	s5 =	simm.s32 $_size__tile_overlayer_lowered;
	s6 =	simm.s32 $_tile_overlayer_lowered  }
0x9b: {  	s22 =	simm.s32 $0x1BFF;
	s21 =	sshll.u32 s6, $0x1;
	s3 =	sadd.s32 s4, s19  }
0x9c: {  	s7 =	simm.s32 $0x0;
	s20 =	sshll.u32 s5, $0x1;
	s5 =	sadd.s32 s21, s3  }
0x9d: {  	[timem:s7], [sflag:s22] =	dma.local [hbm:s5], s20  }
0x9e: {  	_ =	swait.ge [sflag:s22], s20  }
0x9f: {  	s4 =	ssub.s32 $0x0, s20;
	[sflag:s22] =	ssyncset.done $0x0  }
0xa0: {  	[sflag:s22] =	ssyncadd.s32 s4;
	_ =	sdelay $0x1  }
0xa1: {  	s23 =	simm.s32 $0x1B8B  }
0xa2: {  	_ =	swait.ge [sflag:s23], $0x1  }
0xa3: {  	[sflag:s23] =	ssyncset.done $0x0  }
0xa4: {  	s25 =	simm.s32 $0x1B8E;
	s24 =	sld [smem:$0x3FFE];
	[sflag:s23] =	ssyncadd.s32 $0xFFFFFFFF  }
0xa5: {  	s26 =	simm.s32 $execute0_lowered;
	[smem:$0x3FD2] =	sst s25  }
0xa6: {  	s5 =	sshll.u32 s26, $0x1;
	_ =	strace $0x8000004F;
	[dreg:$0x1] =	wrdreg $0xFFFFFFFF  }
0xa7: {  	s28 =	simm.s32 $_size_execute0_lowered;
	s3 =	sadd.s32 s3, s5;
	[dreg:$0x0] =	wrdreg $0x0  }
0xa8: {  	s5 =	sshll.u32 s28, $0x1;
	[dreg:$0x2] =	wrdreg s3  }
0xa9: {  	[dreg:$0x3] =	wrdreg s5  }
0xaa: {  	[dreg:$0x4] =	wrdreg $0xC0  }
0xab: {  	_ =	task [dreg:s7], $0x5FFFF  }
0xac: {  	[dreg:$0x1] =	wrdreg $0xFFFFFFFF  }
0xad: {  	[dreg:$0x0] =	wrdreg $0x60  }
0xae: {  	[dreg:$0x2] =	wrdreg s24  }
0xaf: {  	[dreg:$0x3] =	wrdreg s2  }
0xb0: {  	[dreg:$0x4] =	wrdreg $0x81000  }
0xb1: {  	[dreg:$0x5] =	wrdreg $0x9  }
0xb2: {  	_ =	task.clear_ibuf [dreg:s7], $0x6FFFF;
	_ =	strace $0x9000004F  }
0xb3: {  	s29 =	simm.s32 $0x9;
	_ =	strace $0x80000051  }
0xb4: {  	_ =	swait.ge [sflag:s29], $0x1  }
0xb5: {  	[sflag:s29] =	ssyncadd.s32 $0xFFFFFFFF  }
0xb6: {  	_ =	strace $0x90000051  }
0xb7: {  	_ =	sfence  }
0xb8: {  	s30 =	sld [smem:$0x0];
	_ =	sdelay $0x2  }
0xb9: {  	s31 =	sshll.u32 s1, $0xD;
	s1 =	sshrl.u32 s1, $0x2  }
0xba: {  	s3 =	sand.u32 $0x4000, s31;
	s1 =	sadd.s32 s1, s30  }
0xbb: {  	s0 =	sor.u32 s3, s0;
	s1 =	sshll.u32 s1, $0x11  }
0xbc: {  	s0 =	sor.u32 s1, s0  }
0xbd: {  	s0 =	sadd.s32 $0x8F2B, s0  }
0xbe: {  	[sflag:s0] =	ssyncadd.remote.s32 $0x1  }
0xbf: {  	_ =	sfence.sel $0xFFFF  }
0xc0: {  	[dreg:$0x0] =	wrdreg $0xFFFFFFFF;
	(pc) =	sbr.abs _section_cstart, $3  }
0xc1: {  	[dreg:$0x1] =	wrdreg $0xFFFFFFFF  }
0xc2: {  	_ =	task.clear_ibuf [dreg:s7], $0x2FFFF;
	_ =	strace $0x9FFFFFFF  }
0xc3: {  	(tm) =	ssettm $0x7FFFFFFF  }
tec
execute0_lowered:
.L_overlay_start_1:
0x0: {  	(tag) =	ssettag $0x1  }
0x1: {  	s6 =	rddreg [dreg:$0x0]  }
0x2: {  	s2 =	rddreg [dreg:$0x1]  }
0x3: {  	s3 =	rddreg [dreg:$0x2]  }
0x4: {  	s0 =	rddreg [dreg:$0x3];
	s4 =	simm.s32 $0x0  }
0x5: {  	s1 =	stileid.u32;
	s8 =	srdreg.scid;
	s21 =	simm.s32 $0x80  }
0x6: {  	s22 =	simm.s32 $0x100;
	s23 =	simm.s32 $0x1;
	s7 =	smul.u32 $0xA20, s1  }
0x7: {  	[smem:$0x7FF] =	sst s4;
	s9 =	smul.u32 $0x50000, s1;
	s5 =	sadd.s32 $0x21800, s6  }
0x8: {  	s13 =	sand.u32 $0x1, s8;
	s11 =	smul.u32 $0x14000, s1;
	s15 =	sadd.s32 $0x49800, s6  }
0x9: {  	_ =	strace $0x80000050;
	s24 =	ssub.s32 $0x2, s13;
	s19 =	smul.u32 $0x140000, s13  }
0xa: {  	s28 =	smul.u32 $0x510, s13;
	s16 =	sadd.s32 s7, s6;
	s25 =	sshrl.u32 s24, $0x1  }
0xb: {  	s26 =	sshrl.u32 s9, $0x2;
	s12 =	sadd.s32 $0x4000, s11;
	s14 =	sadd.s32 $0x8000, s11  }
0xc: {  	s18 =	sadd.s32 $0xC000, s11;
	s20 =	sadd.s32 $0x10000, s11;
	s17 =	ssub.s32 s24, s25  }
0xd: {  	s6 =	sadd.s32 s26, s3;
	s7 =	sadd.s32 s12, s3;
	s8 =	sadd.s32 s14, s3  }
0xe: {  	s9 =	sadd.s32 s18, s3;
	s10 =	sadd.s32 s20, s3;
	s11 =	sadd.s32 s11, s19  }
0xf: {  	s12 =	sadd.s32 s19, s12;
	s14 =	sadd.s32 s19, s14;
	s18 =	sadd.s32 s19, s18  }
0x10: {  	s19 =	sadd.s32 s19, s20;
	s31 =	sadd.s32 s28, s16;
	s20 =	simm.s32 $0x2  }
0x11: {  	s24 =	simm.s32 $0x0;
	s11 =	sshrl.u32 s11, $0x3;
	s12 =	sshrl.u32 s12, $0x3  }
0x12: {  	s14 =	sshrl.u32 s14, $0x3;
	s29 =	sshrl.u32 s18, $0x3;
	s30 =	sshrl.u32 s19, $0x3  }
0x13: {  	s16 =	smax.u32 s17, $0x1;
	s17 =	sadd.s32 $0x3400, s31;
	s18 =	sadd.s32 $0x17600, s31  }
0x14: {  	s19 =	simm.s32 $0x4100;
	s11 =	sadd.s32 s15, s11;
	s12 =	sadd.s32 s15, s12  }
0x15: {  	s13 =	sadd.s32 s15, s14;
	s14 =	sadd.s32 s15, s29;
	s15 =	sadd.s32 s15, s30  }
.LBB2_1:
0x16: {  	[tilespmem:s19], [sflag:$0x2] =	stream.linear.gather [hbm4b:s2+s4], $0x4000, $0x38;
	[tilespmem:$0x1C100] =	vst v63  }
0x17: {  	_ =	swait.ge [sflag:s20], $0x4000  }
0x18: {  	[sflag:s20] =	ssyncset.done $0x0  }
0x19: {  	[sflag:s20] =	ssyncadd.s32 $0xFFFFC000  }
0x1a: {  	[spmem:s6] =	stream.linear.scatter [tilespmem:s19], [sflag:$0x2], $0x4000, $0x38;
	[tilespmem:$0x1C100] =	vst v63  }
0x1b: {  	_ =	swait.ge [sflag:s20], $0x4000  }
0x1c: {  	[sflag:s20] =	ssyncset.done $0x0  }
0x1d: {  	[sflag:s20] =	ssyncadd.s32 $0xFFFFC000  }
0x1e: {  	[spmem:s7] =	stream.linear.scatter [tilespmem:s19], [sflag:$0x2], $0x4000, $0x38;
	[tilespmem:$0x1C100] =	vst v63  }
0x1f: {  	_ =	swait.ge [sflag:s20], $0x4000  }
0x20: {  	[sflag:s20] =	ssyncset.done $0x0  }
0x21: {  	[sflag:s20] =	ssyncadd.s32 $0xFFFFC000  }
0x22: {  	[spmem:s8] =	stream.linear.scatter [tilespmem:s19], [sflag:$0x2], $0x4000, $0x38;
	[tilespmem:$0x1C100] =	vst v63  }
0x23: {  	_ =	swait.ge [sflag:s20], $0x4000  }
0x24: {  	[sflag:s20] =	ssyncset.done $0x0  }
0x25: {  	[sflag:s20] =	ssyncadd.s32 $0xFFFFC000  }
0x26: {  	[spmem:s9] =	stream.linear.scatter [tilespmem:s19], [sflag:$0x2], $0x4000, $0x38;
	[tilespmem:$0x1C100] =	vst v63  }
0x27: {  	_ =	swait.ge [sflag:s20], $0x4000  }
0x28: {  	[sflag:s20] =	ssyncset.done $0x0  }
0x29: {  	[sflag:s20] =	ssyncadd.s32 $0xFFFFC000  }
0x2a: {  	[spmem:s10] =	stream.linear.scatter [tilespmem:s19], [sflag:$0x2], $0x4000, $0x38;
	[tilespmem:$0x1C100] =	vst v63  }
0x2b: {  	_ =	swait.ge [sflag:s20], $0x4000  }
0x2c: {  	[sflag:s20] =	ssyncset.done $0x0  }
0x2d: {  	[sflag:s20] =	ssyncadd.s32 $0xFFFFC000  }
0x2e: {  	s25 =	sadd.s32 $0x0, s18;
	[bflag:$0x0] =	sbarrier.arrive $0xFFFF  }
0x2f: {  	[tilespmem:s4], [sflag:$0x2] =	stream.linear.gather [hbm4b:s25+s4], $0x80, $0x38;
	[tilespmem:$0x1C100] =	vst v63  }
0x30: {  	_ =	swait.ge [sflag:s20], $0x80  }
0x31: {  	[sflag:s20] =	ssyncset.done $0x0  }
0x32: {  	[sflag:s20] =	ssyncadd.s32 $0xFFFFFF80  }
0x33: {  	[tilespmem:s22], [sflag:$0x1] =	stream.indirect.gather [hbm4b:s5+s21], $0x80, s4, s21, $0xb8;
	[tilespmem:$0x1C100] =	vst v63  }
0x34: {  	_ =	swait.ge [sflag:s23], $0x4000  }
0x35: {  	[sflag:s23] =	ssyncset.done $0x0  }
0x36: {  	s31 =	sadd.s32 $0x0, s17;
	[sflag:s23] =	ssyncadd.s32 $0xFFFFC000  }
0x37: {  	[tilespmem:s21], [sflag:$0x2] =	stream.linear.gather [hbm4b:s31+s4], $0x80, $0x38;
	[tilespmem:$0x1C100] =	vst v63  }
0x38: {  	_ =	swait.ge [sflag:s20], $0x80  }
0x39: {  	[sflag:s20] =	ssyncset.done $0x0  }
0x3a: {  	[sflag:s20] =	ssyncadd.s32 $0xFFFFFF80  }
0x3b: {  	[spmem:s3] =	stream.indirect.scatter.add.f32 [tilespmem:s22], [sflag:$0x2], $0x80, s21, s21, $0xb8;
	[tilespmem:$0x1C100] =	vst v63  }
0x3c: {  	_ =	swait.ge [sflag:s20], $0x4000  }
0x3d: {  	s26 =	simm.s32 $0x20;
	s25 =	simm.s32 $0x10;
	[sflag:s20] =	ssyncset.done $0x0  }
.LBB2_2:
0x3e: {  	s28 =	sadd.s32 s25, s18  }
0x3f: {  	[sflag:s20] =	ssyncadd.s32 $0xFFFFC000;
	s29 =	smov.u32 s26;
	s30 =	sadd.s32 $0x10, s26  }
0x40: {  	[tilespmem:s4], [sflag:$0x2] =	stream.linear.gather [hbm4b:s28+s4], $0x80, $0x38;
	[tilespmem:$0x1C100] =	vst v63  }
0x41: {  	p0 =	sne.s32 s26, $0x500;
	_ =	swait.ge [sflag:s20], $0x80  }
0x42: {  	[sflag:s20] =	ssyncset.done $0x0  }
0x43: {  	[sflag:s20] =	ssyncadd.s32 $0xFFFFFF80  }
0x44: {  	[tilespmem:s22], [sflag:$0x1] =	stream.indirect.gather [hbm4b:s5+s21], $0x80, s4, s21, $0xb8;
	[tilespmem:$0x1C100] =	vst v63  }
0x45: {  	_ =	swait.ge [sflag:s23], $0x4000  }
0x46: {  	[sflag:s23] =	ssyncset.done $0x0  }
0x47: {  	s26 =	sadd.s32 s25, s17;
	s25 =	smov.u32 s29;
	[sflag:s23] =	ssyncadd.s32 $0xFFFFC000  }
0x48: {  	[tilespmem:s21], [sflag:$0x2] =	stream.linear.gather [hbm4b:s26+s4], $0x80, $0x38;
	[tilespmem:$0x1C100] =	vst v63  }
0x49: {  	_ =	swait.ge [sflag:s20], $0x80  }
.Ltmp0:
0x4a: {  	[sflag:s20] =	ssyncset.done $0x0;
	(pc) =	sbr.rel @p0 .LBB2_2-.Ltmp0, $4  }
0x4b: {  	[sflag:s20] =	ssyncadd.s32 $0xFFFFFF80  }
0x4c: {  	[spmem:s3] =	stream.indirect.scatter.add.f32 [tilespmem:s22], [sflag:$0x2], $0x80, s21, s21, $0xb8;
	[tilespmem:$0x1C100] =	vst v63  }
0x4d: {  	_ =	swait.ge [sflag:s20], $0x4000  }
0x4e: {  	s26 =	smov.u32 s30;
	[sflag:s20] =	ssyncset.done $0x0  }
0x4f: {  	s26 =	sadd.s32 s25, s18;
	[sflag:s20] =	ssyncadd.s32 $0xFFFFC000  }
0x50: {  	[tilespmem:s4], [sflag:$0x2] =	stream.linear.gather [hbm4b:s26+s4], $0x80, $0x38;
	[tilespmem:$0x1C100] =	vst v63  }
0x51: {  	_ =	swait.ge [sflag:s20], $0x80  }
0x52: {  	[sflag:s20] =	ssyncset.done $0x0  }
0x53: {  	[sflag:s20] =	ssyncadd.s32 $0xFFFFFF80  }
0x54: {  	[tilespmem:s22], [sflag:$0x1] =	stream.indirect.gather [hbm4b:s5+s21], $0x80, s4, s21, $0xb8;
	[tilespmem:$0x1C100] =	vst v63  }
0x55: {  	_ =	swait.ge [sflag:s23], $0x4000  }
0x56: {  	[sflag:s23] =	ssyncset.done $0x0  }
0x57: {  	s31 =	sadd.s32 s25, s17;
	[sflag:s23] =	ssyncadd.s32 $0xFFFFC000  }
0x58: {  	[tilespmem:s21], [sflag:$0x2] =	stream.linear.gather [hbm4b:s31+s4], $0x80, $0x38;
	[tilespmem:$0x1C100] =	vst v63  }
0x59: {  	_ =	swait.ge [sflag:s20], $0x80  }
0x5a: {  	[sflag:s20] =	ssyncset.done $0x0  }
0x5b: {  	[sflag:s20] =	ssyncadd.s32 $0xFFFFFF80  }
0x5c: {  	[spmem:s3] =	stream.indirect.scatter.add.f32 [tilespmem:s22], [sflag:$0x2], $0x80, s21, s21, $0xb8;
	[tilespmem:$0x1C100] =	vst v63  }
0x5d: {  	_ =	swait.ge [sflag:s20], $0x4000  }
0x5e: {  	[sflag:s20] =	ssyncset.done $0x0  }
0x5f: {  	[sflag:s20] =	ssyncadd.s32 $0xFFFFC000  }
0x60: {  	[bflag:$0x0] =	sbarrier.arrive $0xFFFF  }
0x61: {  	[tilespmem:s19], [sflag:$0x2] =	stream.linear.gather [spmem:s6], $0x4000, $0x38;
	[tilespmem:$0x1C100] =	vst v63  }
0x62: {  	_ =	swait.ge [sflag:s20], $0x4000  }
0x63: {  	[sflag:s20] =	ssyncset.done $0x0  }
0x64: {  	[sflag:s20] =	ssyncadd.s32 $0xFFFFC000  }
0x65: {  	[hbm4b:s11+s4] =	stream.linear.scatter [tilespmem:s19], [sflag:$0x2], $0x4000, $0x38;
	[tilespmem:$0x1C100] =	vst v63  }
0x66: {  	_ =	swait.ge [sflag:s20], $0x4000  }
0x67: {  	[sflag:s20] =	ssyncset.done $0x0  }
0x68: {  	[sflag:s20] =	ssyncadd.s32 $0xFFFFC000  }
0x69: {  	[tilespmem:s19], [sflag:$0x2] =	stream.linear.gather [spmem:s7], $0x4000, $0x38;
	[tilespmem:$0x1C100] =	vst v63  }
0x6a: {  	_ =	swait.ge [sflag:s20], $0x4000  }
0x6b: {  	[sflag:s20] =	ssyncset.done $0x0  }
0x6c: {  	[sflag:s20] =	ssyncadd.s32 $0xFFFFC000  }
0x6d: {  	[hbm4b:s12+s4] =	stream.linear.scatter [tilespmem:s19], [sflag:$0x2], $0x4000, $0x38;
	[tilespmem:$0x1C100] =	vst v63  }
0x6e: {  	_ =	swait.ge [sflag:s20], $0x4000  }
0x6f: {  	[sflag:s20] =	ssyncset.done $0x0  }
0x70: {  	[sflag:s20] =	ssyncadd.s32 $0xFFFFC000  }
0x71: {  	[tilespmem:s19], [sflag:$0x2] =	stream.linear.gather [spmem:s8], $0x4000, $0x38;
	[tilespmem:$0x1C100] =	vst v63  }
0x72: {  	_ =	swait.ge [sflag:s20], $0x4000  }
0x73: {  	[sflag:s20] =	ssyncset.done $0x0  }
0x74: {  	[sflag:s20] =	ssyncadd.s32 $0xFFFFC000  }
0x75: {  	[hbm4b:s13+s4] =	stream.linear.scatter [tilespmem:s19], [sflag:$0x2], $0x4000, $0x38;
	[tilespmem:$0x1C100] =	vst v63  }
0x76: {  	_ =	swait.ge [sflag:s20], $0x4000  }
0x77: {  	[sflag:s20] =	ssyncset.done $0x0  }
0x78: {  	[sflag:s20] =	ssyncadd.s32 $0xFFFFC000  }
0x79: {  	[tilespmem:s19], [sflag:$0x2] =	stream.linear.gather [spmem:s9], $0x4000, $0x38;
	[tilespmem:$0x1C100] =	vst v63  }
0x7a: {  	_ =	swait.ge [sflag:s20], $0x4000  }
0x7b: {  	[sflag:s20] =	ssyncset.done $0x0  }
0x7c: {  	[sflag:s20] =	ssyncadd.s32 $0xFFFFC000  }
0x7d: {  	[hbm4b:s14+s4] =	stream.linear.scatter [tilespmem:s19], [sflag:$0x2], $0x4000, $0x38;
	[tilespmem:$0x1C100] =	vst v63  }
0x7e: {  	_ =	swait.ge [sflag:s20], $0x4000  }
0x7f: {  	[sflag:s20] =	ssyncset.done $0x0  }
0x80: {  	[sflag:s20] =	ssyncadd.s32 $0xFFFFC000  }
0x81: {  	[tilespmem:s19], [sflag:$0x2] =	stream.linear.gather [spmem:s10], $0x4000, $0x38;
	[tilespmem:$0x1C100] =	vst v63  }
0x82: {  	s24 =	sadd.s32 $0x1, s24;
	_ =	swait.ge [sflag:s20], $0x4000  }
0x83: {  	p0 =	sne.s32 s24, s16;
	[sflag:s20] =	ssyncset.done $0x0  }
.Ltmp1:
0x84: {  	[sflag:s20] =	ssyncadd.s32 $0xFFFFC000;
	(pc) =	sbr.rel @p0 .LBB2_1-.Ltmp1, $4  }
0x85: {  	[hbm4b:s15+s4] =	stream.linear.scatter [tilespmem:s19], [sflag:$0x2], $0x4000, $0x38;
	[tilespmem:$0x1C100] =	vst v63  }
0x86: {  	_ =	swait.ge [sflag:s20], $0x4000  }
0x87: {  	[sflag:s20] =	ssyncset.done $0x0  }
0x88: {  	[sflag:s20] =	ssyncadd.s32 $0xFFFFC000  }
0x89: {  	_ =	sfence.sel $0x180000  }
0x8a: {  	[bflag:$0x0] =	sbarrier.arrive $0xFFFF  }
0x8b: {  	p0 =	sne.s32 s1, $0x0;
	_ =	strace $0x90000050  }
0x8c: {  	s0 =	sadd.s32 @!p0 $0x100000, s0;
	[bflag:$0x2] =	sbarrier.arrive $0xFFFF  }
0x8d: {  	[sflag:s0] =	ssyncadd.tile.s32 @!p0 $0x1;
	_ =	shalt  }
.Lfunc_end2:
_tile_overlayer_lowered:
.L_overlay_start_2:
0x8e: {  	(tag) =	ssettag $0x2  }
0x8f: {  	s0 =	rddreg [dreg:$0x0];
	s2 =	stileid.u32  }
0x90: {  	s1 =	rddreg [dreg:$0x1];
	p0 =	sne.s32 s2, $0x0  }
0x91: {  	s3 =	rddreg [dreg:$0x2];
	[bflag:$0x3] =	sbarrier.arrive $0xFFFF;
	s2 =	simm.s32 @!p0 $0x1C02  }
0x92: {  	[timem:s3], [sflag:s2] =	dma.local @!p0 [hbm:s0], s1  }
0x93: {  	s0 =	simm.s32 @!p0 $0x2  }
0x94: {  	_ =	swait.ge @!p0 [sflag:s0], s1  }
0x95: {  	s1 =	ssub.s32 @!p0 $0x0, s1;
	[sflag:s0] =	ssyncset.done @!p0 $0x0  }
0x96: {  	[sflag:s0] =	ssyncadd.s32 @!p0 s1  }
0x97: {  	[bflag:$0x3] =	sbarrier.arrive $0xFFFF  }
0x98: {  	_ =	shalt  }

</sc_bundles>
